<compile_context>
chip_gen: v7x
topology: tpu7x:2x2x1
jax: 0.10.2.dev20260603
libtpu: 0.0.44.dev20260713+nightly
codegen_flags: <defaults>
</compile_context>

<pallas_src>
import functools

import jax
import jax.numpy as jnp
from jax import lax
from jax.experimental import pallas as pl
from jax.experimental.pallas import tpu as pltpu

try:
    from jax.experimental.pallas import tpu_sc as plsc
    _HAS_SC = True
except ImportError:
    _HAS_SC = False

B = 4096
D = 16
N_USERS = 100000
N_COURSES = 1000
TOPK = 6

ROW_BLOCK = 1024
N_BLOCKS = B // ROW_BLOCK


def _topk_body(emb_blk_ref, emb_full_ref, vals_ref, idx_ref):
    emb_full = emb_full_ref[...]
    norms = jnp.sqrt(jnp.sum(emb_full * emb_full, axis=1, keepdims=True))
    normed_full = emb_full / norms

    emb_blk = emb_blk_ref[...]
    nb = jnp.sqrt(jnp.sum(emb_blk * emb_blk, axis=1, keepdims=True))
    normed_blk = emb_blk / nb

    c = lax.dot_general(
        normed_blk, normed_full,
        dimension_numbers=(((1,), (1,)), ((), ())),
        preferred_element_type=jnp.float32,
    )

    col = lax.broadcasted_iota(jnp.int32, (ROW_BLOCK, B), 1)
    neg = jnp.float32(-jnp.inf)
    vals = []
    idxs = []
    for _ in range(TOPK):
        m = jnp.max(c, axis=1)
        eq = c == m[:, None]
        i = jnp.min(jnp.where(eq, col, B), axis=1)
        vals.append(m)
        idxs.append(i)
        c = jnp.where(col == i[:, None], neg, c)

    zf = jnp.zeros((ROW_BLOCK,), jnp.float32)
    zi = jnp.zeros((ROW_BLOCK,), jnp.int32)
    vals_ref[...] = jnp.stack(vals + [zf, zf])
    idx_ref[...] = jnp.stack(idxs + [zi, zi])


def _topk_stage(users_embeddings):
    grid = (N_BLOCKS,)
    vals8, idx8 = pl.pallas_call(
        _topk_body,
        grid=grid,
        in_specs=[
            pl.BlockSpec((ROW_BLOCK, D), lambda i: (i, 0)),
            pl.BlockSpec((B, D), lambda i: (0, 0)),
        ],
        out_specs=[
            pl.BlockSpec((8, ROW_BLOCK), lambda i: (0, i)),
            pl.BlockSpec((8, ROW_BLOCK), lambda i: (0, i)),
        ],
        out_shape=[
            jax.ShapeDtypeStruct((8, B), jnp.float32),
            jax.ShapeDtypeStruct((8, B), jnp.int32),
        ],
    )(users_embeddings, users_embeddings)
    return vals8, idx8



_NC = 2
_NS = 16
_NW = _NC * _NS
_RPT = B // _NW
_L = 16


def _sc_neighbors_stage(idx8, n_users):
    mesh = plsc.VectorSubcoreMesh(core_axis_name="c", subcore_axis_name="s")

    @functools.partial(
        pl.kernel,
        mesh=mesh,
        out_type=jax.ShapeDtypeStruct((TOPK, B), jnp.int32),
        compiler_params=pltpu.CompilerParams(needs_layout_passes=False),
        scratch_types=[
            pltpu.VMEM((B,), jnp.int32),
            pltpu.VMEM((TOPK, _RPT), jnp.int32),
            pltpu.VMEM((TOPK, _RPT), jnp.int32),
        ],
    )
    def nbr_kernel(idx_hbm, nu_hbm, out_hbm, nu_v, idx_v, nbr_v):
        wid = lax.axis_index("s") * _NC + lax.axis_index("c")
        base = wid * _RPT

        pltpu.sync_copy(nu_hbm, nu_v)
        for j in range(TOPK):
            pltpu.sync_copy(idx_hbm.at[j, pl.ds(base, _RPT)], idx_v.at[j])
        for j in range(TOPK):
            for g in range(_RPT // _L):
                sl = pl.ds(g * _L, _L)
                nbr_v[j, sl] = plsc.load_gather(nu_v, [idx_v[j, sl]])
        for j in range(TOPK):
            pltpu.sync_copy(nbr_v.at[j], out_hbm.at[j, pl.ds(base, _RPT)])

    return nbr_kernel(idx8, n_users)


def _sc_weighted_sum_stage(vals8, chosen_f):
    mesh = plsc.VectorSubcoreMesh(core_axis_name="c", subcore_axis_name="s")

    @functools.partial(
        pl.kernel,
        mesh=mesh,
        out_type=jax.ShapeDtypeStruct((B,), jnp.float32),
        compiler_params=pltpu.CompilerParams(needs_layout_passes=False),
        scratch_types=[
            pltpu.VMEM((TOPK, _RPT), jnp.float32),
            pltpu.VMEM((TOPK, _RPT), jnp.float32),
            pltpu.VMEM((_RPT,), jnp.float32),
        ],
    )
    def ws_kernel(vals_hbm, ch_hbm, out_hbm, vals_v, ch_v, acc_v):
        wid = lax.axis_index("s") * _NC + lax.axis_index("c")
        base = wid * _RPT

        for j in range(TOPK):
            pltpu.sync_copy(vals_hbm.at[j, pl.ds(base, _RPT)], vals_v.at[j])
            pltpu.sync_copy(ch_hbm.at[j, pl.ds(base, _RPT)], ch_v.at[j])
        for g in range(_RPT // _L):
            sl = pl.ds(g * _L, _L)
            acc = vals_v[0, sl] * ch_v[0, sl]
            for j in range(1, TOPK):
                acc = acc + vals_v[j, sl] * ch_v[j, sl]
            acc_v[sl] = acc / jnp.float32(6.0)
        pltpu.sync_copy(acc_v, out_hbm.at[pl.ds(base, _RPT)])

    return ws_kernel(vals8, chosen_f)


def kernel(users_embeddings, interactions, n_users, n_entitys, course):
    vals8, idx8 = _topk_stage(users_embeddings)
    nbr = _sc_neighbors_stage(idx8, n_users)
    chosen_f = interactions[nbr, n_entitys[None, :]].astype(jnp.float32)
    return _sc_weighted_sum_stage(vals8, chosen_f)

# --- scband reference (transcript-rebuilt; emitter-appended) ---
"""Pipeline reference for scband-user-choice-48696339202413 (READ-ONLY COPY).

The authoritative reference and input builder live on the scoring server;
editing this copy changes nothing except your own understanding.
"""

import jax, jax.numpy as jnp
import numpy as np

B = 4096
D = 16
N_USERS = 100000
N_COURSES = 1000
TOPK = 6

def setup_inputs(seed: int = 0) -> dict:
    key = jax.random.key(seed)
    k1, k2, k3, k4 = jax.random.split(key, 4)
    users_embeddings = jax.random.normal(k1, (B, D), dtype=jnp.float32)
    # dense interaction matrix standing in for the `course` dict (user -> set of courses)
    interactions = jax.random.randint(k2, (N_USERS, N_COURSES), 0, 2, dtype=jnp.int32).astype(jnp.bool_)
    n_users = jax.random.randint(k3, (B,), 0, N_USERS, dtype=jnp.int32)
    n_entitys = jax.random.randint(k4, (B,), 0, N_COURSES, dtype=jnp.int32)
    return {
        'users_embeddings': users_embeddings,
        'interactions': interactions,
        'n_users': n_users,
        'n_entitys': n_entitys,
        'course': 0,
    }


def reference(users_embeddings, interactions, n_users, n_entitys, course):
    # get_eur_similar_list: full pairwise cosine similarity among user embeddings
    norms = jnp.linalg.norm(users_embeddings, axis=1, keepdims=True)
    normed = users_embeddings / norms
    C = normed @ normed.T  # [B, B] cosine matrix
    # heapq.nlargest(6, ...) over each row -> top-6 similar users per user
    top_vals, top_idx = jax.lax.top_k(C, TOPK)  # [B, 6], [B, 6]
    # get_user_choice: for row l with course c = n_entitys[l],
    #   p = sum_{idx in top6} cos(u_l, u_idx) * choice(c, n_users[idx]) / 6
    neighbor_users = n_users[top_idx]  # [B, 6] actual user ids of the top-6 neighbors
    chosen = interactions[neighbor_users, n_entitys[:, None]].astype(jnp.float32)  # [B, 6]
    user_choice_degree = jnp.sum(top_vals * chosen, axis=1) / 6.0  # [B]
    return user_choice_degree

if __name__ == "__main__":
    import jax
    _d = setup_inputs()
    print(jax.jit(kernel)(*tuple(_d.values())))

</pallas_src>

<mosaic_0001>
#map = affine_map<(d0, d1) -> (0, 0)>
#map1 = affine_map<(d0, d1) -> (0)>
module attributes {stable_mosaic.version = 14 : i64} {
  func.func @nbr_kernel(%arg0: i32, %arg1: i32, %arg2: memref<8x4096xi32, #tpu.memory_space<hbm>>, %arg3: memref<4096xi32, #tpu.memory_space<hbm>>, %arg4: memref<6x4096xi32, #tpu.memory_space<hbm>>, %arg5: memref<4096xi32, #tpu.memory_space<vmem>>, %arg6: memref<6x128xi32, #tpu.memory_space<vmem>>, %arg7: memref<6x128xi32, #tpu.memory_space<vmem>>) attributes {dimension_semantics = [#tpu.dimension_semantics<core_parallel>, #tpu.dimension_semantics<subcore_parallel>], iteration_bounds = array<i64: 2, 16>, scalar_prefetch = 0 : i64, scratch_operands = 3 : i64, tpu.core_type = #tpu.core_type<sc_vector_subcore>, window_params = [{transform_indices = #map}, {transform_indices = #map1}, {transform_indices = #map}]} {
    %mul3A = arith.constant 2 : i32
    %mul3A_0 = arith.muli %arg1, %mul3A : i32
    %add3A = arith.addi %mul3A_0, %arg0 : i32
    %mul3A_1 = arith.constant 128 : i32
    %mul3A_2 = arith.muli %add3A, %mul3A_1 : i32
    "tpu.region"() ({
      %run_scoped3A_455 = tpu.sem_alloc : memref<!tpu.dma_semaphore, #tpu.memory_space<semaphore_mem>>
      tpu.enqueue_dma source(%arg3 : memref<4096xi32, #tpu.memory_space<hbm>>) target(%arg5 : memref<4096xi32, #tpu.memory_space<vmem>>) target_semaphore(%run_scoped3A_455 : memref<!tpu.dma_semaphore, #tpu.memory_space<semaphore_mem>>)
      tpu.wait_dma2 semaphore(%run_scoped3A_455 : memref<!tpu.dma_semaphore, #tpu.memory_space<semaphore_mem>>) src(%arg3 : memref<4096xi32, #tpu.memory_space<hbm>>) dst(%arg5 : memref<4096xi32, #tpu.memory_space<vmem>>)
      tpu.yield
    }) : () -> ()
    %run_scoped3A = arith.constant 0 : i32
    %run_scoped3A_3 = arith.constant 0 : i32
    "tpu.region"() ({
      %run_scoped3A_455 = tpu.sem_alloc : memref<!tpu.dma_semaphore, #tpu.memory_space<semaphore_mem>>
      %dma_start3A = arith.constant 0 : i32
      %dma_start3A_456 = tpu.memref_slice %arg6[%run_scoped3A_3, %dma_start3A] : memref<6x128xi32, #tpu.memory_space<vmem>> -> memref<1x128xi32, #tpu.memory_space<vmem>>
      %dma_start3A_457 = tpu.memref_squeeze %dma_start3A_456 : memref<1x128xi32, #tpu.memory_space<vmem>> -> memref<128xi32, #tpu.memory_space<vmem>>
      %dma_start3A_458 = tpu.memref_slice %arg2[%run_scoped3A, %mul3A_2] : memref<8x4096xi32, #tpu.memory_space<hbm>> -> memref<1x128xi32, #tpu.memory_space<hbm>>
      %dma_start3A_459 = tpu.memref_squeeze %dma_start3A_458 : memref<1x128xi32, #tpu.memory_space<hbm>> -> memref<128xi32, #tpu.memory_space<hbm>>
      %dma_start3A_460 = arith.constant 0 : i32
      %dma_start3A_461 = tpu.memref_slice %arg6[%run_scoped3A_3, %dma_start3A_460] : memref<6x128xi32, #tpu.memory_space<vmem>> -> memref<1x128xi32, #tpu.memory_space<vmem>>
      %dma_start3A_462 = tpu.memref_squeeze %dma_start3A_461 : memref<1x128xi32, #tpu.memory_space<vmem>> -> memref<128xi32, #tpu.memory_space<vmem>>
      %dma_start3A_463 = tpu.memref_slice %arg2[%run_scoped3A, %mul3A_2] : memref<8x4096xi32, #tpu.memory_space<hbm>> -> memref<1x128xi32, #tpu.memory_space<hbm>>
      %dma_start3A_464 = tpu.memref_squeeze %dma_start3A_463 : memref<1x128xi32, #tpu.memory_space<hbm>> -> memref<128xi32, #tpu.memory_space<hbm>>
      tpu.enqueue_dma source(%dma_start3A_464 : memref<128xi32, #tpu.memory_space<hbm>>) target(%dma_start3A_462 : memref<128xi32, #tpu.memory_space<vmem>>) target_semaphore(%run_scoped3A_455 : memref<!tpu.dma_semaphore, #tpu.memory_space<semaphore_mem>>)
      %dma_wait3A = arith.constant 0 : i32
      %dma_wait3A_465 = tpu.memref_slice %arg6[%run_scoped3A_3, %dma_wait3A] : memref<6x128xi32, #tpu.memory_space<vmem>> -> memref<1x128xi32, #tpu.memory_space<vmem>>
      %dma_wait3A_466 = tpu.memref_squeeze %dma_wait3A_465 : memref<1x128xi32, #tpu.memory_space<vmem>> -> memref<128xi32, #tpu.memory_space<vmem>>
      %dma_wait3A_467 = tpu.memref_slice %arg2[%run_scoped3A, %mul3A_2] : memref<8x4096xi32, #tpu.memory_space<hbm>> -> memref<1x128xi32, #tpu.memory_space<hbm>>
      %dma_wait3A_468 = tpu.memref_squeeze %dma_wait3A_467 : memref<1x128xi32, #tpu.memory_space<hbm>> -> memref<128xi32, #tpu.memory_space<hbm>>
      %dma_wait3A_469 = arith.constant 0 : i32
      %dma_wait3A_470 = tpu.memref_slice %arg6[%run_scoped3A_3, %dma_wait3A_469] : memref<6x128xi32, #tpu.memory_space<vmem>> -> memref<1x128xi32, #tpu.memory_space<vmem>>
      %dma_wait3A_471 = tpu.memref_squeeze %dma_wait3A_470 : memref<1x128xi32, #tpu.memory_space<vmem>> -> memref<128xi32, #tpu.memory_space<vmem>>
      %dma_wait3A_472 = tpu.memref_slice %arg2[%run_scoped3A, %mul3A_2] : memref<8x4096xi32, #tpu.memory_space<hbm>> -> memref<1x128xi32, #tpu.memory_space<hbm>>
      %dma_wait3A_473 = tpu.memref_squeeze %dma_wait3A_472 : memref<1x128xi32, #tpu.memory_space<hbm>> -> memref<128xi32, #tpu.memory_space<hbm>>
      tpu.wait_dma2 semaphore(%run_scoped3A_455 : memref<!tpu.dma_semaphore, #tpu.memory_space<semaphore_mem>>) src(%dma_wait3A_473 : memref<128xi32, #tpu.memory_space<hbm>>) dst(%dma_wait3A_471 : memref<128xi32, #tpu.memory_space<vmem>>)
      tpu.yield
    }) : () -> ()
    %run_scoped3A_4 = arith.constant 1 : i32
    %run_scoped3A_5 = arith.constant 1 : i32
    "tpu.region"() ({
      %run_scoped3A_455 = tpu.sem_alloc : memref<!tpu.dma_semaphore, #tpu.memory_space<semaphore_mem>>
      %dma_start3A = arith.constant 0 : i32
      %dma_start3A_456 = tpu.memref_slice %arg6[%run_scoped3A_5, %dma_start3A] : memref<6x128xi32, #tpu.memory_space<vmem>> -> memref<1x128xi32, #tpu.memory_space<vmem>>
      %dma_start3A_457 = tpu.memref_squeeze %dma_start3A_456 : memref<1x128xi32, #tpu.memory_space<vmem>> -> memref<128xi32, #tpu.memory_space<vmem>>
      %dma_start3A_458 = tpu.memref_slice %arg2[%run_scoped3A_4, %mul3A_2] : memref<8x4096xi32, #tpu.memory_space<hbm>> -> memref<1x128xi32, #tpu.memory_space<hbm>>
      %dma_start3A_459 = tpu.memref_squeeze %dma_start3A_458 : memref<1x128xi32, #tpu.memory_space<hbm>> -> memref<128xi32, #tpu.memory_space<hbm>>
      %dma_start3A_460 = arith.constant 0 : i32
      %dma_start3A_461 = tpu.memref_slice %arg6[%run_scoped3A_5, %dma_start3A_460] : memref<6x128xi32, #tpu.memory_space<vmem>> -> memref<1x128xi32, #tpu.memory_space<vmem>>
      %dma_start3A_462 = tpu.memref_squeeze %dma_start3A_461 : memref<1x128xi32, #tpu.memory_space<vmem>> -> memref<128xi32, #tpu.memory_space<vmem>>
      %dma_start3A_463 = tpu.memref_slice %arg2[%run_scoped3A_4, %mul3A_2] : memref<8x4096xi32, #tpu.memory_space<hbm>> -> memref<1x128xi32, #tpu.memory_space<hbm>>
      %dma_start3A_464 = tpu.memref_squeeze %dma_start3A_463 : memref<1x128xi32, #tpu.memory_space<hbm>> -> memref<128xi32, #tpu.memory_space<hbm>>
      tpu.enqueue_dma source(%dma_start3A_464 : memref<128xi32, #tpu.memory_space<hbm>>) target(%dma_start3A_462 : memref<128xi32, #tpu.memory_space<vmem>>) target_semaphore(%run_scoped3A_455 : memref<!tpu.dma_semaphore, #tpu.memory_space<semaphore_mem>>)
      %dma_wait3A = arith.constant 0 : i32
      %dma_wait3A_465 = tpu.memref_slice %arg6[%run_scoped3A_5, %dma_wait3A] : memref<6x128xi32, #tpu.memory_space<vmem>> -> memref<1x128xi32, #tpu.memory_space<vmem>>
      %dma_wait3A_466 = tpu.memref_squeeze %dma_wait3A_465 : memref<1x128xi32, #tpu.memory_space<vmem>> -> memref<128xi32, #tpu.memory_space<vmem>>
      %dma_wait3A_467 = tpu.memref_slice %arg2[%run_scoped3A_4, %mul3A_2] : memref<8x4096xi32, #tpu.memory_space<hbm>> -> memref<1x128xi32, #tpu.memory_space<hbm>>
      %dma_wait3A_468 = tpu.memref_squeeze %dma_wait3A_467 : memref<1x128xi32, #tpu.memory_space<hbm>> -> memref<128xi32, #tpu.memory_space<hbm>>
      %dma_wait3A_469 = arith.constant 0 : i32
      %dma_wait3A_470 = tpu.memref_slice %arg6[%run_scoped3A_5, %dma_wait3A_469] : memref<6x128xi32, #tpu.memory_space<vmem>> -> memref<1x128xi32, #tpu.memory_space<vmem>>
      %dma_wait3A_471 = tpu.memref_squeeze %dma_wait3A_470 : memref<1x128xi32, #tpu.memory_space<vmem>> -> memref<128xi32, #tpu.memory_space<vmem>>
      %dma_wait3A_472 = tpu.memref_slice %arg2[%run_scoped3A_4, %mul3A_2] : memref<8x4096xi32, #tpu.memory_space<hbm>> -> memref<1x128xi32, #tpu.memory_space<hbm>>
      %dma_wait3A_473 = tpu.memref_squeeze %dma_wait3A_472 : memref<1x128xi32, #tpu.memory_space<hbm>> -> memref<128xi32, #tpu.memory_space<hbm>>
      tpu.wait_dma2 semaphore(%run_scoped3A_455 : memref<!tpu.dma_semaphore, #tpu.memory_space<semaphore_mem>>) src(%dma_wait3A_473 : memref<128xi32, #tpu.memory_space<hbm>>) dst(%dma_wait3A_471 : memref<128xi32, #tpu.memory_space<vmem>>)
      tpu.yield
    }) : () -> ()
    %run_scoped3A_6 = arith.constant 2 : i32
    %run_scoped3A_7 = arith.constant 2 : i32
    "tpu.region"() ({
      %run_scoped3A_455 = tpu.sem_alloc : memref<!tpu.dma_semaphore, #tpu.memory_space<semaphore_mem>>
      %dma_start3A = arith.constant 0 : i32
      %dma_start3A_456 = tpu.memref_slice %arg6[%run_scoped3A_7, %dma_start3A] : memref<6x128xi32, #tpu.memory_space<vmem>> -> memref<1x128xi32, #tpu.memory_space<vmem>>
      %dma_start3A_457 = tpu.memref_squeeze %dma_start3A_456 : memref<1x128xi32, #tpu.memory_space<vmem>> -> memref<128xi32, #tpu.memory_space<vmem>>
      %dma_start3A_458 = tpu.memref_slice %arg2[%run_scoped3A_6, %mul3A_2] : memref<8x4096xi32, #tpu.memory_space<hbm>> -> memref<1x128xi32, #tpu.memory_space<hbm>>
      %dma_start3A_459 = tpu.memref_squeeze %dma_start3A_458 : memref<1x128xi32, #tpu.memory_space<hbm>> -> memref<128xi32, #tpu.memory_space<hbm>>
      %dma_start3A_460 = arith.constant 0 : i32
      %dma_start3A_461 = tpu.memref_slice %arg6[%run_scoped3A_7, %dma_start3A_460] : memref<6x128xi32, #tpu.memory_space<vmem>> -> memref<1x128xi32, #tpu.memory_space<vmem>>
      %dma_start3A_462 = tpu.memref_squeeze %dma_start3A_461 : memref<1x128xi32, #tpu.memory_space<vmem>> -> memref<128xi32, #tpu.memory_space<vmem>>
      %dma_start3A_463 = tpu.memref_slice %arg2[%run_scoped3A_6, %mul3A_2] : memref<8x4096xi32, #tpu.memory_space<hbm>> -> memref<1x128xi32, #tpu.memory_space<hbm>>
      %dma_start3A_464 = tpu.memref_squeeze %dma_start3A_463 : memref<1x128xi32, #tpu.memory_space<hbm>> -> memref<128xi32, #tpu.memory_space<hbm>>
      tpu.enqueue_dma source(%dma_start3A_464 : memref<128xi32, #tpu.memory_space<hbm>>) target(%dma_start3A_462 : memref<128xi32, #tpu.memory_space<vmem>>) target_semaphore(%run_scoped3A_455 : memref<!tpu.dma_semaphore, #tpu.memory_space<semaphore_mem>>)
      %dma_wait3A = arith.constant 0 : i32
      %dma_wait3A_465 = tpu.memref_slice %arg6[%run_scoped3A_7, %dma_wait3A] : memref<6x128xi32, #tpu.memory_space<vmem>> -> memref<1x128xi32, #tpu.memory_space<vmem>>
      %dma_wait3A_466 = tpu.memref_squeeze %dma_wait3A_465 : memref<1x128xi32, #tpu.memory_space<vmem>> -> memref<128xi32, #tpu.memory_space<vmem>>
      %dma_wait3A_467 = tpu.memref_slice %arg2[%run_scoped3A_6, %mul3A_2] : memref<8x4096xi32, #tpu.memory_space<hbm>> -> memref<1x128xi32, #tpu.memory_space<hbm>>
      %dma_wait3A_468 = tpu.memref_squeeze %dma_wait3A_467 : memref<1x128xi32, #tpu.memory_space<hbm>> -> memref<128xi32, #tpu.memory_space<hbm>>
      %dma_wait3A_469 = arith.constant 0 : i32
      %dma_wait3A_470 = tpu.memref_slice %arg6[%run_scoped3A_7, %dma_wait3A_469] : memref<6x128xi32, #tpu.memory_space<vmem>> -> memref<1x128xi32, #tpu.memory_space<vmem>>
      %dma_wait3A_471 = tpu.memref_squeeze %dma_wait3A_470 : memref<1x128xi32, #tpu.memory_space<vmem>> -> memref<128xi32, #tpu.memory_space<vmem>>
      %dma_wait3A_472 = tpu.memref_slice %arg2[%run_scoped3A_6, %mul3A_2] : memref<8x4096xi32, #tpu.memory_space<hbm>> -> memref<1x128xi32, #tpu.memory_space<hbm>>
      %dma_wait3A_473 = tpu.memref_squeeze %dma_wait3A_472 : memref<1x128xi32, #tpu.memory_space<hbm>> -> memref<128xi32, #tpu.memory_space<hbm>>
      tpu.wait_dma2 semaphore(%run_scoped3A_455 : memref<!tpu.dma_semaphore, #tpu.memory_space<semaphore_mem>>) src(%dma_wait3A_473 : memref<128xi32, #tpu.memory_space<hbm>>) dst(%dma_wait3A_471 : memref<128xi32, #tpu.memory_space<vmem>>)
      tpu.yield
    }) : () -> ()
    %run_scoped3A_8 = arith.constant 3 : i32
    %run_scoped3A_9 = arith.constant 3 : i32
    "tpu.region"() ({
      %run_scoped3A_455 = tpu.sem_alloc : memref<!tpu.dma_semaphore, #tpu.memory_space<semaphore_mem>>
      %dma_start3A = arith.constant 0 : i32
      %dma_start3A_456 = tpu.memref_slice %arg6[%run_scoped3A_9, %dma_start3A] : memref<6x128xi32, #tpu.memory_space<vmem>> -> memref<1x128xi32, #tpu.memory_space<vmem>>
      %dma_start3A_457 = tpu.memref_squeeze %dma_start3A_456 : memref<1x128xi32, #tpu.memory_space<vmem>> -> memref<128xi32, #tpu.memory_space<vmem>>
      %dma_start3A_458 = tpu.memref_slice %arg2[%run_scoped3A_8, %mul3A_2] : memref<8x4096xi32, #tpu.memory_space<hbm>> -> memref<1x128xi32, #tpu.memory_space<hbm>>
      %dma_start3A_459 = tpu.memref_squeeze %dma_start3A_458 : memref<1x128xi32, #tpu.memory_space<hbm>> -> memref<128xi32, #tpu.memory_space<hbm>>
      %dma_start3A_460 = arith.constant 0 : i32
      %dma_start3A_461 = tpu.memref_slice %arg6[%run_scoped3A_9, %dma_start3A_460] : memref<6x128xi32, #tpu.memory_space<vmem>> -> memref<1x128xi32, #tpu.memory_space<vmem>>
      %dma_start3A_462 = tpu.memref_squeeze %dma_start3A_461 : memref<1x128xi32, #tpu.memory_space<vmem>> -> memref<128xi32, #tpu.memory_space<vmem>>
      %dma_start3A_463 = tpu.memref_slice %arg2[%run_scoped3A_8, %mul3A_2] : memref<8x4096xi32, #tpu.memory_space<hbm>> -> memref<1x128xi32, #tpu.memory_space<hbm>>
      %dma_start3A_464 = tpu.memref_squeeze %dma_start3A_463 : memref<1x128xi32, #tpu.memory_space<hbm>> -> memref<128xi32, #tpu.memory_space<hbm>>
      tpu.enqueue_dma source(%dma_start3A_464 : memref<128xi32, #tpu.memory_space<hbm>>) target(%dma_start3A_462 : memref<128xi32, #tpu.memory_space<vmem>>) target_semaphore(%run_scoped3A_455 : memref<!tpu.dma_semaphore, #tpu.memory_space<semaphore_mem>>)
      %dma_wait3A = arith.constant 0 : i32
      %dma_wait3A_465 = tpu.memref_slice %arg6[%run_scoped3A_9, %dma_wait3A] : memref<6x128xi32, #tpu.memory_space<vmem>> -> memref<1x128xi32, #tpu.memory_space<vmem>>
      %dma_wait3A_466 = tpu.memref_squeeze %dma_wait3A_465 : memref<1x128xi32, #tpu.memory_space<vmem>> -> memref<128xi32, #tpu.memory_space<vmem>>
      %dma_wait3A_467 = tpu.memref_slice %arg2[%run_scoped3A_8, %mul3A_2] : memref<8x4096xi32, #tpu.memory_space<hbm>> -> memref<1x128xi32, #tpu.memory_space<hbm>>
      %dma_wait3A_468 = tpu.memref_squeeze %dma_wait3A_467 : memref<1x128xi32, #tpu.memory_space<hbm>> -> memref<128xi32, #tpu.memory_space<hbm>>
      %dma_wait3A_469 = arith.constant 0 : i32
      %dma_wait3A_470 = tpu.memref_slice %arg6[%run_scoped3A_9, %dma_wait3A_469] : memref<6x128xi32, #tpu.memory_space<vmem>> -> memref<1x128xi32, #tpu.memory_space<vmem>>
      %dma_wait3A_471 = tpu.memref_squeeze %dma_wait3A_470 : memref<1x128xi32, #tpu.memory_space<vmem>> -> memref<128xi32, #tpu.memory_space<vmem>>
      %dma_wait3A_472 = tpu.memref_slice %arg2[%run_scoped3A_8, %mul3A_2] : memref<8x4096xi32, #tpu.memory_space<hbm>> -> memref<1x128xi32, #tpu.memory_space<hbm>>
      %dma_wait3A_473 = tpu.memref_squeeze %dma_wait3A_472 : memref<1x128xi32, #tpu.memory_space<hbm>> -> memref<128xi32, #tpu.memory_space<hbm>>
      tpu.wait_dma2 semaphore(%run_scoped3A_455 : memref<!tpu.dma_semaphore, #tpu.memory_space<semaphore_mem>>) src(%dma_wait3A_473 : memref<128xi32, #tpu.memory_space<hbm>>) dst(%dma_wait3A_471 : memref<128xi32, #tpu.memory_space<vmem>>)
      tpu.yield
    }) : () -> ()
    %run_scoped3A_10 = arith.constant 4 : i32
    %run_scoped3A_11 = arith.constant 4 : i32
    "tpu.region"() ({
      %run_scoped3A_455 = tpu.sem_alloc : memref<!tpu.dma_semaphore, #tpu.memory_space<semaphore_mem>>
      %dma_start3A = arith.constant 0 : i32
      %dma_start3A_456 = tpu.memref_slice %arg6[%run_scoped3A_11, %dma_start3A] : memref<6x128xi32, #tpu.memory_space<vmem>> -> memref<1x128xi32, #tpu.memory_space<vmem>>
      %dma_start3A_457 = tpu.memref_squeeze %dma_start3A_456 : memref<1x128xi32, #tpu.memory_space<vmem>> -> memref<128xi32, #tpu.memory_space<vmem>>
      %dma_start3A_458 = tpu.memref_slice %arg2[%run_scoped3A_10, %mul3A_2] : memref<8x4096xi32, #tpu.memory_space<hbm>> -> memref<1x128xi32, #tpu.memory_space<hbm>>
      %dma_start3A_459 = tpu.memref_squeeze %dma_start3A_458 : memref<1x128xi32, #tpu.memory_space<hbm>> -> memref<128xi32, #tpu.memory_space<hbm>>
      %dma_start3A_460 = arith.constant 0 : i32
      %dma_start3A_461 = tpu.memref_slice %arg6[%run_scoped3A_11, %dma_start3A_460] : memref<6x128xi32, #tpu.memory_space<vmem>> -> memref<1x128xi32, #tpu.memory_space<vmem>>
      %dma_start3A_462 = tpu.memref_squeeze %dma_start3A_461 : memref<1x128xi32, #tpu.memory_space<vmem>> -> memref<128xi32, #tpu.memory_space<vmem>>
      %dma_start3A_463 = tpu.memref_slice %arg2[%run_scoped3A_10, %mul3A_2] : memref<8x4096xi32, #tpu.memory_space<hbm>> -> memref<1x128xi32, #tpu.memory_space<hbm>>
      %dma_start3A_464 = tpu.memref_squeeze %dma_start3A_463 : memref<1x128xi32, #tpu.memory_space<hbm>> -> memref<128xi32, #tpu.memory_space<hbm>>
      tpu.enqueue_dma source(%dma_start3A_464 : memref<128xi32, #tpu.memory_space<hbm>>) target(%dma_start3A_462 : memref<128xi32, #tpu.memory_space<vmem>>) target_semaphore(%run_scoped3A_455 : memref<!tpu.dma_semaphore, #tpu.memory_space<semaphore_mem>>)
      %dma_wait3A = arith.constant 0 : i32
      %dma_wait3A_465 = tpu.memref_slice %arg6[%run_scoped3A_11, %dma_wait3A] : memref<6x128xi32, #tpu.memory_space<vmem>> -> memref<1x128xi32, #tpu.memory_space<vmem>>
      %dma_wait3A_466 = tpu.memref_squeeze %dma_wait3A_465 : memref<1x128xi32, #tpu.memory_space<vmem>> -> memref<128xi32, #tpu.memory_space<vmem>>
      %dma_wait3A_467 = tpu.memref_slice %arg2[%run_scoped3A_10, %mul3A_2] : memref<8x4096xi32, #tpu.memory_space<hbm>> -> memref<1x128xi32, #tpu.memory_space<hbm>>
      %dma_wait3A_468 = tpu.memref_squeeze %dma_wait3A_467 : memref<1x128xi32, #tpu.memory_space<hbm>> -> memref<128xi32, #tpu.memory_space<hbm>>
      %dma_wait3A_469 = arith.constant 0 : i32
      %dma_wait3A_470 = tpu.memref_slice %arg6[%run_scoped3A_11, %dma_wait3A_469] : memref<6x128xi32, #tpu.memory_space<vmem>> -> memref<1x128xi32, #tpu.memory_space<vmem>>
      %dma_wait3A_471 = tpu.memref_squeeze %dma_wait3A_470 : memref<1x128xi32, #tpu.memory_space<vmem>> -> memref<128xi32, #tpu.memory_space<vmem>>
      %dma_wait3A_472 = tpu.memref_slice %arg2[%run_scoped3A_10, %mul3A_2] : memref<8x4096xi32, #tpu.memory_space<hbm>> -> memref<1x128xi32, #tpu.memory_space<hbm>>
      %dma_wait3A_473 = tpu.memref_squeeze %dma_wait3A_472 : memref<1x128xi32, #tpu.memory_space<hbm>> -> memref<128xi32, #tpu.memory_space<hbm>>
      tpu.wait_dma2 semaphore(%run_scoped3A_455 : memref<!tpu.dma_semaphore, #tpu.memory_space<semaphore_mem>>) src(%dma_wait3A_473 : memref<128xi32, #tpu.memory_space<hbm>>) dst(%dma_wait3A_471 : memref<128xi32, #tpu.memory_space<vmem>>)
      tpu.yield
    }) : () -> ()
    %run_scoped3A_12 = arith.constant 5 : i32
    %run_scoped3A_13 = arith.constant 5 : i32
    "tpu.region"() ({
      %run_scoped3A_455 = tpu.sem_alloc : memref<!tpu.dma_semaphore, #tpu.memory_space<semaphore_mem>>
      %dma_start3A = arith.constant 0 : i32
      %dma_start3A_456 = tpu.memref_slice %arg6[%run_scoped3A_13, %dma_start3A] : memref<6x128xi32, #tpu.memory_space<vmem>> -> memref<1x128xi32, #tpu.memory_space<vmem>>
      %dma_start3A_457 = tpu.memref_squeeze %dma_start3A_456 : memref<1x128xi32, #tpu.memory_space<vmem>> -> memref<128xi32, #tpu.memory_space<vmem>>
      %dma_start3A_458 = tpu.memref_slice %arg2[%run_scoped3A_12, %mul3A_2] : memref<8x4096xi32, #tpu.memory_space<hbm>> -> memref<1x128xi32, #tpu.memory_space<hbm>>
      %dma_start3A_459 = tpu.memref_squeeze %dma_start3A_458 : memref<1x128xi32, #tpu.memory_space<hbm>> -> memref<128xi32, #tpu.memory_space<hbm>>
      %dma_start3A_460 = arith.constant 0 : i32
      %dma_start3A_461 = tpu.memref_slice %arg6[%run_scoped3A_13, %dma_start3A_460] : memref<6x128xi32, #tpu.memory_space<vmem>> -> memref<1x128xi32, #tpu.memory_space<vmem>>
      %dma_start3A_462 = tpu.memref_squeeze %dma_start3A_461 : memref<1x128xi32, #tpu.memory_space<vmem>> -> memref<128xi32, #tpu.memory_space<vmem>>
      %dma_start3A_463 = tpu.memref_slice %arg2[%run_scoped3A_12, %mul3A_2] : memref<8x4096xi32, #tpu.memory_space<hbm>> -> memref<1x128xi32, #tpu.memory_space<hbm>>
      %dma_start3A_464 = tpu.memref_squeeze %dma_start3A_463 : memref<1x128xi32, #tpu.memory_space<hbm>> -> memref<128xi32, #tpu.memory_space<hbm>>
      tpu.enqueue_dma source(%dma_start3A_464 : memref<128xi32, #tpu.memory_space<hbm>>) target(%dma_start3A_462 : memref<128xi32, #tpu.memory_space<vmem>>) target_semaphore(%run_scoped3A_455 : memref<!tpu.dma_semaphore, #tpu.memory_space<semaphore_mem>>)
      %dma_wait3A = arith.constant 0 : i32
      %dma_wait3A_465 = tpu.memref_slice %arg6[%run_scoped3A_13, %dma_wait3A] : memref<6x128xi32, #tpu.memory_space<vmem>> -> memref<1x128xi32, #tpu.memory_space<vmem>>
      %dma_wait3A_466 = tpu.memref_squeeze %dma_wait3A_465 : memref<1x128xi32, #tpu.memory_space<vmem>> -> memref<128xi32, #tpu.memory_space<vmem>>
      %dma_wait3A_467 = tpu.memref_slice %arg2[%run_scoped3A_12, %mul3A_2] : memref<8x4096xi32, #tpu.memory_space<hbm>> -> memref<1x128xi32, #tpu.memory_space<hbm>>
      %dma_wait3A_468 = tpu.memref_squeeze %dma_wait3A_467 : memref<1x128xi32, #tpu.memory_space<hbm>> -> memref<128xi32, #tpu.memory_space<hbm>>
      %dma_wait3A_469 = arith.constant 0 : i32
      %dma_wait3A_470 = tpu.memref_slice %arg6[%run_scoped3A_13, %dma_wait3A_469] : memref<6x128xi32, #tpu.memory_space<vmem>> -> memref<1x128xi32, #tpu.memory_space<vmem>>
      %dma_wait3A_471 = tpu.memref_squeeze %dma_wait3A_470 : memref<1x128xi32, #tpu.memory_space<vmem>> -> memref<128xi32, #tpu.memory_space<vmem>>
      %dma_wait3A_472 = tpu.memref_slice %arg2[%run_scoped3A_12, %mul3A_2] : memref<8x4096xi32, #tpu.memory_space<hbm>> -> memref<1x128xi32, #tpu.memory_space<hbm>>
      %dma_wait3A_473 = tpu.memref_squeeze %dma_wait3A_472 : memref<1x128xi32, #tpu.memory_space<hbm>> -> memref<128xi32, #tpu.memory_space<hbm>>
      tpu.wait_dma2 semaphore(%run_scoped3A_455 : memref<!tpu.dma_semaphore, #tpu.memory_space<semaphore_mem>>) src(%dma_wait3A_473 : memref<128xi32, #tpu.memory_space<hbm>>) dst(%dma_wait3A_471 : memref<128xi32, #tpu.memory_space<vmem>>)
      tpu.yield
    }) : () -> ()
    %get3A = arith.constant 0 : i32
    %get3A_14 = arith.index_cast %get3A : i32 to index
    %get3A_15 = arith.constant 0 : index
    %get3A_16 = tpu.vector_load %arg6[%get3A_14, %get3A_15] {strides = array<i32>} : memref<6x128xi32, #tpu.memory_space<vmem>>, vector<16xi32>,
    %gather3A = tpu.vector_load_idx %arg5[%get3A_16] : memref<4096xi32, #tpu.memory_space<vmem>>[vector<16xi32>], vector<16xi32>,
    %swap3A = arith.constant 0 : i32
    %swap3A_17 = arith.index_cast %swap3A : i32 to index
    %swap3A_18 = arith.constant 0 : index
    %swap3A_19 = tpu.vector_load %arg7[%swap3A_17, %swap3A_18] {strides = array<i32>} : memref<6x128xi32, #tpu.memory_space<vmem>>, vector<16xi32>,
    tpu.vector_store %arg7[%swap3A_17, %swap3A_18], %gather3A {strides = array<i32>} : memref<6x128xi32, #tpu.memory_space<vmem>>, vector<16xi32>,
    %get3A_20 = arith.constant 0 : i32
    %get3A_21 = arith.index_cast %get3A_20 : i32 to index
    %get3A_22 = arith.constant 16 : index
    %get3A_23 = tpu.vector_load %arg6[%get3A_21, %get3A_22] {strides = array<i32>} : memref<6x128xi32, #tpu.memory_space<vmem>>, vector<16xi32>,
    %gather3A_24 = tpu.vector_load_idx %arg5[%get3A_23] : memref<4096xi32, #tpu.memory_space<vmem>>[vector<16xi32>], vector<16xi32>,
    %swap3A_25 = arith.constant 0 : i32
    %swap3A_26 = arith.index_cast %swap3A_25 : i32 to index
    %swap3A_27 = arith.constant 16 : index
    %swap3A_28 = tpu.vector_load %arg7[%swap3A_26, %swap3A_27] {strides = array<i32>} : memref<6x128xi32, #tpu.memory_space<vmem>>, vector<16xi32>,
    tpu.vector_store %arg7[%swap3A_26, %swap3A_27], %gather3A_24 {strides = array<i32>} : memref<6x128xi32, #tpu.memory_space<vmem>>, vector<16xi32>,
    %get3A_29 = arith.constant 0 : i32
    %get3A_30 = arith.index_cast %get3A_29 : i32 to index
    %get3A_31 = arith.constant 32 : index
    %get3A_32 = tpu.vector_load %arg6[%get3A_30, %get3A_31] {strides = array<i32>} : memref<6x128xi32, #tpu.memory_space<vmem>>, vector<16xi32>,
    %gather3A_33 = tpu.vector_load_idx %arg5[%get3A_32] : memref<4096xi32, #tpu.memory_space<vmem>>[vector<16xi32>], vector<16xi32>,
    %swap3A_34 = arith.constant 0 : i32
    %swap3A_35 = arith.index_cast %swap3A_34 : i32 to index
    %swap3A_36 = arith.constant 32 : index
    %swap3A_37 = tpu.vector_load %arg7[%swap3A_35, %swap3A_36] {strides = array<i32>} : memref<6x128xi32, #tpu.memory_space<vmem>>, vector<16xi32>,
    tpu.vector_store %arg7[%swap3A_35, %swap3A_36], %gather3A_33 {strides = array<i32>} : memref<6x128xi32, #tpu.memory_space<vmem>>, vector<16xi32>,
    %get3A_38 = arith.constant 0 : i32
    %get3A_39 = arith.index_cast %get3A_38 : i32 to index
    %get3A_40 = arith.constant 48 : index
    %get3A_41 = tpu.vector_load %arg6[%get3A_39, %get3A_40] {strides = array<i32>} : memref<6x128xi32, #tpu.memory_space<vmem>>, vector<16xi32>,
    %gather3A_42 = tpu.vector_load_idx %arg5[%get3A_41] : memref<4096xi32, #tpu.memory_space<vmem>>[vector<16xi32>], vector<16xi32>,
    %swap3A_43 = arith.constant 0 : i32
    %swap3A_44 = arith.index_cast %swap3A_43 : i32 to index
    %swap3A_45 = arith.constant 48 : index
    %swap3A_46 = tpu.vector_load %arg7[%swap3A_44, %swap3A_45] {strides = array<i32>} : memref<6x128xi32, #tpu.memory_space<vmem>>, vector<16xi32>,
    tpu.vector_store %arg7[%swap3A_44, %swap3A_45], %gather3A_42 {strides = array<i32>} : memref<6x128xi32, #tpu.memory_space<vmem>>, vector<16xi32>,
    %get3A_47 = arith.constant 0 : i32
    %get3A_48 = arith.index_cast %get3A_47 : i32 to index
    %get3A_49 = arith.constant 64 : index
    %get3A_50 = tpu.vector_load %arg6[%get3A_48, %get3A_49] {strides = array<i32>} : memref<6x128xi32, #tpu.memory_space<vmem>>, vector<16xi32>,
    %gather3A_51 = tpu.vector_load_idx %arg5[%get3A_50] : memref<4096xi32, #tpu.memory_space<vmem>>[vector<16xi32>], vector<16xi32>,
    %swap3A_52 = arith.constant 0 : i32
    %swap3A_53 = arith.index_cast %swap3A_52 : i32 to index
    %swap3A_54 = arith.constant 64 : index
    %swap3A_55 = tpu.vector_load %arg7[%swap3A_53, %swap3A_54] {strides = array<i32>} : memref<6x128xi32, #tpu.memory_space<vmem>>, vector<16xi32>,
    tpu.vector_store %arg7[%swap3A_53, %swap3A_54], %gather3A_51 {strides = array<i32>} : memref<6x128xi32, #tpu.memory_space<vmem>>, vector<16xi32>,
    %get3A_56 = arith.constant 0 : i32
    %get3A_57 = arith.index_cast %get3A_56 : i32 to index
    %get3A_58 = arith.constant 80 : index
    %get3A_59 = tpu.vector_load %arg6[%get3A_57, %get3A_58] {strides = array<i32>} : memref<6x128xi32, #tpu.memory_space<vmem>>, vector<16xi32>,
    %gather3A_60 = tpu.vector_load_idx %arg5[%get3A_59] : memref<4096xi32, #tpu.memory_space<vmem>>[vector<16xi32>], vector<16xi32>,
    %swap3A_61 = arith.constant 0 : i32
    %swap3A_62 = arith.index_cast %swap3A_61 : i32 to index
    %swap3A_63 = arith.constant 80 : index
    %swap3A_64 = tpu.vector_load %arg7[%swap3A_62, %swap3A_63] {strides = array<i32>} : memref<6x128xi32, #tpu.memory_space<vmem>>, vector<16xi32>,
    tpu.vector_store %arg7[%swap3A_62, %swap3A_63], %gather3A_60 {strides = array<i32>} : memref<6x128xi32, #tpu.memory_space<vmem>>, vector<16xi32>,
    %get3A_65 = arith.constant 0 : i32
    %get3A_66 = arith.index_cast %get3A_65 : i32 to index
    %get3A_67 = arith.constant 96 : index
    %get3A_68 = tpu.vector_load %arg6[%get3A_66, %get3A_67] {strides = array<i32>} : memref<6x128xi32, #tpu.memory_space<vmem>>, vector<16xi32>,
    %gather3A_69 = tpu.vector_load_idx %arg5[%get3A_68] : memref<4096xi32, #tpu.memory_space<vmem>>[vector<16xi32>], vector<16xi32>,
    %swap3A_70 = arith.constant 0 : i32
    %swap3A_71 = arith.index_cast %swap3A_70 : i32 to index
    %swap3A_72 = arith.constant 96 : index
    %swap3A_73 = tpu.vector_load %arg7[%swap3A_71, %swap3A_72] {strides = array<i32>} : memref<6x128xi32, #tpu.memory_space<vmem>>, vector<16xi32>,
    tpu.vector_store %arg7[%swap3A_71, %swap3A_72], %gather3A_69 {strides = array<i32>} : memref<6x128xi32, #tpu.memory_space<vmem>>, vector<16xi32>,
    %get3A_74 = arith.constant 0 : i32
    %get3A_75 = arith.index_cast %get3A_74 : i32 to index
    %get3A_76 = arith.constant 112 : index
    %get3A_77 = tpu.vector_load %arg6[%get3A_75, %get3A_76] {strides = array<i32>} : memref<6x128xi32, #tpu.memory_space<vmem>>, vector<16xi32>,
    %gather3A_78 = tpu.vector_load_idx %arg5[%get3A_77] : memref<4096xi32, #tpu.memory_space<vmem>>[vector<16xi32>], vector<16xi32>,
    %swap3A_79 = arith.constant 0 : i32
    %swap3A_80 = arith.index_cast %swap3A_79 : i32 to index
    %swap3A_81 = arith.constant 112 : index
    %swap3A_82 = tpu.vector_load %arg7[%swap3A_80, %swap3A_81] {strides = array<i32>} : memref<6x128xi32, #tpu.memory_space<vmem>>, vector<16xi32>,
    tpu.vector_store %arg7[%swap3A_80, %swap3A_81], %gather3A_78 {strides = array<i32>} : memref<6x128xi32, #tpu.memory_space<vmem>>, vector<16xi32>,
    %get3A_83 = arith.constant 1 : i32
    %get3A_84 = arith.index_cast %get3A_83 : i32 to index
    %get3A_85 = arith.constant 0 : index
    %get3A_86 = tpu.vector_load %arg6[%get3A_84, %get3A_85] {strides = array<i32>} : memref<6x128xi32, #tpu.memory_space<vmem>>, vector<16xi32>,
    %gather3A_87 = tpu.vector_load_idx %arg5[%get3A_86] : memref<4096xi32, #tpu.memory_space<vmem>>[vector<16xi32>], vector<16xi32>,
    %swap3A_88 = arith.constant 1 : i32
    %swap3A_89 = arith.index_cast %swap3A_88 : i32 to index
    %swap3A_90 = arith.constant 0 : index
    %swap3A_91 = tpu.vector_load %arg7[%swap3A_89, %swap3A_90] {strides = array<i32>} : memref<6x128xi32, #tpu.memory_space<vmem>>, vector<16xi32>,
    tpu.vector_store %arg7[%swap3A_89, %swap3A_90], %gather3A_87 {strides = array<i32>} : memref<6x128xi32, #tpu.memory_space<vmem>>, vector<16xi32>,
    %get3A_92 = arith.constant 1 : i32
    %get3A_93 = arith.index_cast %get3A_92 : i32 to index
    %get3A_94 = arith.constant 16 : index
    %get3A_95 = tpu.vector_load %arg6[%get3A_93, %get3A_94] {strides = array<i32>} : memref<6x128xi32, #tpu.memory_space<vmem>>, vector<16xi32>,
    %gather3A_96 = tpu.vector_load_idx %arg5[%get3A_95] : memref<4096xi32, #tpu.memory_space<vmem>>[vector<16xi32>], vector<16xi32>,
    %swap3A_97 = arith.constant 1 : i32
    %swap3A_98 = arith.index_cast %swap3A_97 : i32 to index
    %swap3A_99 = arith.constant 16 : index
    %swap3A_100 = tpu.vector_load %arg7[%swap3A_98, %swap3A_99] {strides = array<i32>} : memref<6x128xi32, #tpu.memory_space<vmem>>, vector<16xi32>,
    tpu.vector_store %arg7[%swap3A_98, %swap3A_99], %gather3A_96 {strides = array<i32>} : memref<6x128xi32, #tpu.memory_space<vmem>>, vector<16xi32>,
    %get3A_101 = arith.constant 1 : i32
    %get3A_102 = arith.index_cast %get3A_101 : i32 to index
    %get3A_103 = arith.constant 32 : index
    %get3A_104 = tpu.vector_load %arg6[%get3A_102, %get3A_103] {strides = array<i32>} : memref<6x128xi32, #tpu.memory_space<vmem>>, vector<16xi32>,
    %gather3A_105 = tpu.vector_load_idx %arg5[%get3A_104] : memref<4096xi32, #tpu.memory_space<vmem>>[vector<16xi32>], vector<16xi32>,
    %swap3A_106 = arith.constant 1 : i32
    %swap3A_107 = arith.index_cast %swap3A_106 : i32 to index
    %swap3A_108 = arith.constant 32 : index
    %swap3A_109 = tpu.vector_load %arg7[%swap3A_107, %swap3A_108] {strides = array<i32>} : memref<6x128xi32, #tpu.memory_space<vmem>>, vector<16xi32>,
    tpu.vector_store %arg7[%swap3A_107, %swap3A_108], %gather3A_105 {strides = array<i32>} : memref<6x128xi32, #tpu.memory_space<vmem>>, vector<16xi32>,
    %get3A_110 = arith.constant 1 : i32
    %get3A_111 = arith.index_cast %get3A_110 : i32 to index
    %get3A_112 = arith.constant 48 : index
    %get3A_113 = tpu.vector_load %arg6[%get3A_111, %get3A_112] {strides = array<i32>} : memref<6x128xi32, #tpu.memory_space<vmem>>, vector<16xi32>,
    %gather3A_114 = tpu.vector_load_idx %arg5[%get3A_113] : memref<4096xi32, #tpu.memory_space<vmem>>[vector<16xi32>], vector<16xi32>,
    %swap3A_115 = arith.constant 1 : i32
    %swap3A_116 = arith.index_cast %swap3A_115 : i32 to index
    %swap3A_117 = arith.constant 48 : index
    %swap3A_118 = tpu.vector_load %arg7[%swap3A_116, %swap3A_117] {strides = array<i32>} : memref<6x128xi32, #tpu.memory_space<vmem>>, vector<16xi32>,
    tpu.vector_store %arg7[%swap3A_116, %swap3A_117], %gather3A_114 {strides = array<i32>} : memref<6x128xi32, #tpu.memory_space<vmem>>, vector<16xi32>,
    %get3A_119 = arith.constant 1 : i32
    %get3A_120 = arith.index_cast %get3A_119 : i32 to index
    %get3A_121 = arith.constant 64 : index
    %get3A_122 = tpu.vector_load %arg6[%get3A_120, %get3A_121] {strides = array<i32>} : memref<6x128xi32, #tpu.memory_space<vmem>>, vector<16xi32>,
    %gather3A_123 = tpu.vector_load_idx %arg5[%get3A_122] : memref<4096xi32, #tpu.memory_space<vmem>>[vector<16xi32>], vector<16xi32>,
    %swap3A_124 = arith.constant 1 : i32
    %swap3A_125 = arith.index_cast %swap3A_124 : i32 to index
    %swap3A_126 = arith.constant 64 : index
    %swap3A_127 = tpu.vector_load %arg7[%swap3A_125, %swap3A_126] {strides = array<i32>} : memref<6x128xi32, #tpu.memory_space<vmem>>, vector<16xi32>,
    tpu.vector_store %arg7[%swap3A_125, %swap3A_126], %gather3A_123 {strides = array<i32>} : memref<6x128xi32, #tpu.memory_space<vmem>>, vector<16xi32>,
    %get3A_128 = arith.constant 1 : i32
    %get3A_129 = arith.index_cast %get3A_128 : i32 to index
    %get3A_130 = arith.constant 80 : index
    %get3A_131 = tpu.vector_load %arg6[%get3A_129, %get3A_130] {strides = array<i32>} : memref<6x128xi32, #tpu.memory_space<vmem>>, vector<16xi32>,
    %gather3A_132 = tpu.vector_load_idx %arg5[%get3A_131] : memref<4096xi32, #tpu.memory_space<vmem>>[vector<16xi32>], vector<16xi32>,
    %swap3A_133 = arith.constant 1 : i32
    %swap3A_134 = arith.index_cast %swap3A_133 : i32 to index
    %swap3A_135 = arith.constant 80 : index
    %swap3A_136 = tpu.vector_load %arg7[%swap3A_134, %swap3A_135] {strides = array<i32>} : memref<6x128xi32, #tpu.memory_space<vmem>>, vector<16xi32>,
    tpu.vector_store %arg7[%swap3A_134, %swap3A_135], %gather3A_132 {strides = array<i32>} : memref<6x128xi32, #tpu.memory_space<vmem>>, vector<16xi32>,
    %get3A_137 = arith.constant 1 : i32
    %get3A_138 = arith.index_cast %get3A_137 : i32 to index
    %get3A_139 = arith.constant 96 : index
    %get3A_140 = tpu.vector_load %arg6[%get3A_138, %get3A_139] {strides = array<i32>} : memref<6x128xi32, #tpu.memory_space<vmem>>, vector<16xi32>,
    %gather3A_141 = tpu.vector_load_idx %arg5[%get3A_140] : memref<4096xi32, #tpu.memory_space<vmem>>[vector<16xi32>], vector<16xi32>,
    %swap3A_142 = arith.constant 1 : i32
    %swap3A_143 = arith.index_cast %swap3A_142 : i32 to index
    %swap3A_144 = arith.constant 96 : index
    %swap3A_145 = tpu.vector_load %arg7[%swap3A_143, %swap3A_144] {strides = array<i32>} : memref<6x128xi32, #tpu.memory_space<vmem>>, vector<16xi32>,
    tpu.vector_store %arg7[%swap3A_143, %swap3A_144], %gather3A_141 {strides = array<i32>} : memref<6x128xi32, #tpu.memory_space<vmem>>, vector<16xi32>,
    %get3A_146 = arith.constant 1 : i32
    %get3A_147 = arith.index_cast %get3A_146 : i32 to index
    %get3A_148 = arith.constant 112 : index
    %get3A_149 = tpu.vector_load %arg6[%get3A_147, %get3A_148] {strides = array<i32>} : memref<6x128xi32, #tpu.memory_space<vmem>>, vector<16xi32>,
    %gather3A_150 = tpu.vector_load_idx %arg5[%get3A_149] : memref<4096xi32, #tpu.memory_space<vmem>>[vector<16xi32>], vector<16xi32>,
    %swap3A_151 = arith.constant 1 : i32
    %swap3A_152 = arith.index_cast %swap3A_151 : i32 to index
    %swap3A_153 = arith.constant 112 : index
    %swap3A_154 = tpu.vector_load %arg7[%swap3A_152, %swap3A_153] {strides = array<i32>} : memref<6x128xi32, #tpu.memory_space<vmem>>, vector<16xi32>,
    tpu.vector_store %arg7[%swap3A_152, %swap3A_153], %gather3A_150 {strides = array<i32>} : memref<6x128xi32, #tpu.memory_space<vmem>>, vector<16xi32>,
    %get3A_155 = arith.constant 2 : i32
    %get3A_156 = arith.index_cast %get3A_155 : i32 to index
    %get3A_157 = arith.constant 0 : index
    %get3A_158 = tpu.vector_load %arg6[%get3A_156, %get3A_157] {strides = array<i32>} : memref<6x128xi32, #tpu.memory_space<vmem>>, vector<16xi32>,
    %gather3A_159 = tpu.vector_load_idx %arg5[%get3A_158] : memref<4096xi32, #tpu.memory_space<vmem>>[vector<16xi32>], vector<16xi32>,
    %swap3A_160 = arith.constant 2 : i32
    %swap3A_161 = arith.index_cast %swap3A_160 : i32 to index
    %swap3A_162 = arith.constant 0 : index
    %swap3A_163 = tpu.vector_load %arg7[%swap3A_161, %swap3A_162] {strides = array<i32>} : memref<6x128xi32, #tpu.memory_space<vmem>>, vector<16xi32>,
    tpu.vector_store %arg7[%swap3A_161, %swap3A_162], %gather3A_159 {strides = array<i32>} : memref<6x128xi32, #tpu.memory_space<vmem>>, vector<16xi32>,
    %get3A_164 = arith.constant 2 : i32
    %get3A_165 = arith.index_cast %get3A_164 : i32 to index
    %get3A_166 = arith.constant 16 : index
    %get3A_167 = tpu.vector_load %arg6[%get3A_165, %get3A_166] {strides = array<i32>} : memref<6x128xi32, #tpu.memory_space<vmem>>, vector<16xi32>,
    %gather3A_168 = tpu.vector_load_idx %arg5[%get3A_167] : memref<4096xi32, #tpu.memory_space<vmem>>[vector<16xi32>], vector<16xi32>,
    %swap3A_169 = arith.constant 2 : i32
    %swap3A_170 = arith.index_cast %swap3A_169 : i32 to index
    %swap3A_171 = arith.constant 16 : index
    %swap3A_172 = tpu.vector_load %arg7[%swap3A_170, %swap3A_171] {strides = array<i32>} : memref<6x128xi32, #tpu.memory_space<vmem>>, vector<16xi32>,
    tpu.vector_store %arg7[%swap3A_170, %swap3A_171], %gather3A_168 {strides = array<i32>} : memref<6x128xi32, #tpu.memory_space<vmem>>, vector<16xi32>,
    %get3A_173 = arith.constant 2 : i32
    %get3A_174 = arith.index_cast %get3A_173 : i32 to index
    %get3A_175 = arith.constant 32 : index
    %get3A_176 = tpu.vector_load %arg6[%get3A_174, %get3A_175] {strides = array<i32>} : memref<6x128xi32, #tpu.memory_space<vmem>>, vector<16xi32>,
    %gather3A_177 = tpu.vector_load_idx %arg5[%get3A_176] : memref<4096xi32, #tpu.memory_space<vmem>>[vector<16xi32>], vector<16xi32>,
    %swap3A_178 = arith.constant 2 : i32
    %swap3A_179 = arith.index_cast %swap3A_178 : i32 to index
    %swap3A_180 = arith.constant 32 : index
    %swap3A_181 = tpu.vector_load %arg7[%swap3A_179, %swap3A_180] {strides = array<i32>} : memref<6x128xi32, #tpu.memory_space<vmem>>, vector<16xi32>,
    tpu.vector_store %arg7[%swap3A_179, %swap3A_180], %gather3A_177 {strides = array<i32>} : memref<6x128xi32, #tpu.memory_space<vmem>>, vector<16xi32>,
    %get3A_182 = arith.constant 2 : i32
    %get3A_183 = arith.index_cast %get3A_182 : i32 to index
    %get3A_184 = arith.constant 48 : index
    %get3A_185 = tpu.vector_load %arg6[%get3A_183, %get3A_184] {strides = array<i32>} : memref<6x128xi32, #tpu.memory_space<vmem>>, vector<16xi32>,
    %gather3A_186 = tpu.vector_load_idx %arg5[%get3A_185] : memref<4096xi32, #tpu.memory_space<vmem>>[vector<16xi32>], vector<16xi32>,
    %swap3A_187 = arith.constant 2 : i32
    %swap3A_188 = arith.index_cast %swap3A_187 : i32 to index
    %swap3A_189 = arith.constant 48 : index
    %swap3A_190 = tpu.vector_load %arg7[%swap3A_188, %swap3A_189] {strides = array<i32>} : memref<6x128xi32, #tpu.memory_space<vmem>>, vector<16xi32>,
    tpu.vector_store %arg7[%swap3A_188, %swap3A_189], %gather3A_186 {strides = array<i32>} : memref<6x128xi32, #tpu.memory_space<vmem>>, vector<16xi32>,
    %get3A_191 = arith.constant 2 : i32
    %get3A_192 = arith.index_cast %get3A_191 : i32 to index
    %get3A_193 = arith.constant 64 : index
    %get3A_194 = tpu.vector_load %arg6[%get3A_192, %get3A_193] {strides = array<i32>} : memref<6x128xi32, #tpu.memory_space<vmem>>, vector<16xi32>,
    %gather3A_195 = tpu.vector_load_idx %arg5[%get3A_194] : memref<4096xi32, #tpu.memory_space<vmem>>[vector<16xi32>], vector<16xi32>,
    %swap3A_196 = arith.constant 2 : i32
    %swap3A_197 = arith.index_cast %swap3A_196 : i32 to index
    %swap3A_198 = arith.constant 64 : index
    %swap3A_199 = tpu.vector_load %arg7[%swap3A_197, %swap3A_198] {strides = array<i32>} : memref<6x128xi32, #tpu.memory_space<vmem>>, vector<16xi32>,
    tpu.vector_store %arg7[%swap3A_197, %swap3A_198], %gather3A_195 {strides = array<i32>} : memref<6x128xi32, #tpu.memory_space<vmem>>, vector<16xi32>,
    %get3A_200 = arith.constant 2 : i32
    %get3A_201 = arith.index_cast %get3A_200 : i32 to index
    %get3A_202 = arith.constant 80 : index
    %get3A_203 = tpu.vector_load %arg6[%get3A_201, %get3A_202] {strides = array<i32>} : memref<6x128xi32, #tpu.memory_space<vmem>>, vector<16xi32>,
    %gather3A_204 = tpu.vector_load_idx %arg5[%get3A_203] : memref<4096xi32, #tpu.memory_space<vmem>>[vector<16xi32>], vector<16xi32>,
    %swap3A_205 = arith.constant 2 : i32
    %swap3A_206 = arith.index_cast %swap3A_205 : i32 to index
    %swap3A_207 = arith.constant 80 : index
    %swap3A_208 = tpu.vector_load %arg7[%swap3A_206, %swap3A_207] {strides = array<i32>} : memref<6x128xi32, #tpu.memory_space<vmem>>, vector<16xi32>,
    tpu.vector_store %arg7[%swap3A_206, %swap3A_207], %gather3A_204 {strides = array<i32>} : memref<6x128xi32, #tpu.memory_space<vmem>>, vector<16xi32>,
    %get3A_209 = arith.constant 2 : i32
    %get3A_210 = arith.index_cast %get3A_209 : i32 to index
    %get3A_211 = arith.constant 96 : index
    %get3A_212 = tpu.vector_load %arg6[%get3A_210, %get3A_211] {strides = array<i32>} : memref<6x128xi32, #tpu.memory_space<vmem>>, vector<16xi32>,
    %gather3A_213 = tpu.vector_load_idx %arg5[%get3A_212] : memref<4096xi32, #tpu.memory_space<vmem>>[vector<16xi32>], vector<16xi32>,
    %swap3A_214 = arith.constant 2 : i32
    %swap3A_215 = arith.index_cast %swap3A_214 : i32 to index
    %swap3A_216 = arith.constant 96 : index
    %swap3A_217 = tpu.vector_load %arg7[%swap3A_215, %swap3A_216] {strides = array<i32>} : memref<6x128xi32, #tpu.memory_space<vmem>>, vector<16xi32>,
    tpu.vector_store %arg7[%swap3A_215, %swap3A_216], %gather3A_213 {strides = array<i32>} : memref<6x128xi32, #tpu.memory_space<vmem>>, vector<16xi32>,
    %get3A_218 = arith.constant 2 : i32
    %get3A_219 = arith.index_cast %get3A_218 : i32 to index
    %get3A_220 = arith.constant 112 : index
    %get3A_221 = tpu.vector_load %arg6[%get3A_219, %get3A_220] {strides = array<i32>} : memref<6x128xi32, #tpu.memory_space<vmem>>, vector<16xi32>,
    %gather3A_222 = tpu.vector_load_idx %arg5[%get3A_221] : memref<4096xi32, #tpu.memory_space<vmem>>[vector<16xi32>], vector<16xi32>,
    %swap3A_223 = arith.constant 2 : i32
    %swap3A_224 = arith.index_cast %swap3A_223 : i32 to index
    %swap3A_225 = arith.constant 112 : index
    %swap3A_226 = tpu.vector_load %arg7[%swap3A_224, %swap3A_225] {strides = array<i32>} : memref<6x128xi32, #tpu.memory_space<vmem>>, vector<16xi32>,
    tpu.vector_store %arg7[%swap3A_224, %swap3A_225], %gather3A_222 {strides = array<i32>} : memref<6x128xi32, #tpu.memory_space<vmem>>, vector<16xi32>,
    %get3A_227 = arith.constant 3 : i32
    %get3A_228 = arith.index_cast %get3A_227 : i32 to index
    %get3A_229 = arith.constant 0 : index
    %get3A_230 = tpu.vector_load %arg6[%get3A_228, %get3A_229] {strides = array<i32>} : memref<6x128xi32, #tpu.memory_space<vmem>>, vector<16xi32>,
    %gather3A_231 = tpu.vector_load_idx %arg5[%get3A_230] : memref<4096xi32, #tpu.memory_space<vmem>>[vector<16xi32>], vector<16xi32>,
    %swap3A_232 = arith.constant 3 : i32
    %swap3A_233 = arith.index_cast %swap3A_232 : i32 to index
    %swap3A_234 = arith.constant 0 : index
    %swap3A_235 = tpu.vector_load %arg7[%swap3A_233, %swap3A_234] {strides = array<i32>} : memref<6x128xi32, #tpu.memory_space<vmem>>, vector<16xi32>,
    tpu.vector_store %arg7[%swap3A_233, %swap3A_234], %gather3A_231 {strides = array<i32>} : memref<6x128xi32, #tpu.memory_space<vmem>>, vector<16xi32>,
    %get3A_236 = arith.constant 3 : i32
    %get3A_237 = arith.index_cast %get3A_236 : i32 to index
    %get3A_238 = arith.constant 16 : index
    %get3A_239 = tpu.vector_load %arg6[%get3A_237, %get3A_238] {strides = array<i32>} : memref<6x128xi32, #tpu.memory_space<vmem>>, vector<16xi32>,
    %gather3A_240 = tpu.vector_load_idx %arg5[%get3A_239] : memref<4096xi32, #tpu.memory_space<vmem>>[vector<16xi32>], vector<16xi32>,
    %swap3A_241 = arith.constant 3 : i32
    %swap3A_242 = arith.index_cast %swap3A_241 : i32 to index
    %swap3A_243 = arith.constant 16 : index
    %swap3A_244 = tpu.vector_load %arg7[%swap3A_242, %swap3A_243] {strides = array<i32>} : memref<6x128xi32, #tpu.memory_space<vmem>>, vector<16xi32>,
    tpu.vector_store %arg7[%swap3A_242, %swap3A_243], %gather3A_240 {strides = array<i32>} : memref<6x128xi32, #tpu.memory_space<vmem>>, vector<16xi32>,
    %get3A_245 = arith.constant 3 : i32
    %get3A_246 = arith.index_cast %get3A_245 : i32 to index
    %get3A_247 = arith.constant 32 : index
    %get3A_248 = tpu.vector_load %arg6[%get3A_246, %get3A_247] {strides = array<i32>} : memref<6x128xi32, #tpu.memory_space<vmem>>, vector<16xi32>,
    %gather3A_249 = tpu.vector_load_idx %arg5[%get3A_248] : memref<4096xi32, #tpu.memory_space<vmem>>[vector<16xi32>], vector<16xi32>,
    %swap3A_250 = arith.constant 3 : i32
    %swap3A_251 = arith.index_cast %swap3A_250 : i32 to index
    %swap3A_252 = arith.constant 32 : index
    %swap3A_253 = tpu.vector_load %arg7[%swap3A_251, %swap3A_252] {strides = array<i32>} : memref<6x128xi32, #tpu.memory_space<vmem>>, vector<16xi32>,
    tpu.vector_store %arg7[%swap3A_251, %swap3A_252], %gather3A_249 {strides = array<i32>} : memref<6x128xi32, #tpu.memory_space<vmem>>, vector<16xi32>,
    %get3A_254 = arith.constant 3 : i32
    %get3A_255 = arith.index_cast %get3A_254 : i32 to index
    %get3A_256 = arith.constant 48 : index
    %get3A_257 = tpu.vector_load %arg6[%get3A_255, %get3A_256] {strides = array<i32>} : memref<6x128xi32, #tpu.memory_space<vmem>>, vector<16xi32>,
    %gather3A_258 = tpu.vector_load_idx %arg5[%get3A_257] : memref<4096xi32, #tpu.memory_space<vmem>>[vector<16xi32>], vector<16xi32>,
    %swap3A_259 = arith.constant 3 : i32
    %swap3A_260 = arith.index_cast %swap3A_259 : i32 to index
    %swap3A_261 = arith.constant 48 : index
    %swap3A_262 = tpu.vector_load %arg7[%swap3A_260, %swap3A_261] {strides = array<i32>} : memref<6x128xi32, #tpu.memory_space<vmem>>, vector<16xi32>,
    tpu.vector_store %arg7[%swap3A_260, %swap3A_261], %gather3A_258 {strides = array<i32>} : memref<6x128xi32, #tpu.memory_space<vmem>>, vector<16xi32>,
    %get3A_263 = arith.constant 3 : i32
    %get3A_264 = arith.index_cast %get3A_263 : i32 to index
    %get3A_265 = arith.constant 64 : index
    %get3A_266 = tpu.vector_load %arg6[%get3A_264, %get3A_265] {strides = array<i32>} : memref<6x128xi32, #tpu.memory_space<vmem>>, vector<16xi32>,
    %gather3A_267 = tpu.vector_load_idx %arg5[%get3A_266] : memref<4096xi32, #tpu.memory_space<vmem>>[vector<16xi32>], vector<16xi32>,
    %swap3A_268 = arith.constant 3 : i32
    %swap3A_269 = arith.index_cast %swap3A_268 : i32 to index
    %swap3A_270 = arith.constant 64 : index
    %swap3A_271 = tpu.vector_load %arg7[%swap3A_269, %swap3A_270] {strides = array<i32>} : memref<6x128xi32, #tpu.memory_space<vmem>>, vector<16xi32>,
    tpu.vector_store %arg7[%swap3A_269, %swap3A_270], %gather3A_267 {strides = array<i32>} : memref<6x128xi32, #tpu.memory_space<vmem>>, vector<16xi32>,
    %get3A_272 = arith.constant 3 : i32
    %get3A_273 = arith.index_cast %get3A_272 : i32 to index
    %get3A_274 = arith.constant 80 : index
    %get3A_275 = tpu.vector_load %arg6[%get3A_273, %get3A_274] {strides = array<i32>} : memref<6x128xi32, #tpu.memory_space<vmem>>, vector<16xi32>,
    %gather3A_276 = tpu.vector_load_idx %arg5[%get3A_275] : memref<4096xi32, #tpu.memory_space<vmem>>[vector<16xi32>], vector<16xi32>,
    %swap3A_277 = arith.constant 3 : i32
    %swap3A_278 = arith.index_cast %swap3A_277 : i32 to index
    %swap3A_279 = arith.constant 80 : index
    %swap3A_280 = tpu.vector_load %arg7[%swap3A_278, %swap3A_279] {strides = array<i32>} : memref<6x128xi32, #tpu.memory_space<vmem>>, vector<16xi32>,
    tpu.vector_store %arg7[%swap3A_278, %swap3A_279], %gather3A_276 {strides = array<i32>} : memref<6x128xi32, #tpu.memory_space<vmem>>, vector<16xi32>,
    %get3A_281 = arith.constant 3 : i32
    %get3A_282 = arith.index_cast %get3A_281 : i32 to index
    %get3A_283 = arith.constant 96 : index
    %get3A_284 = tpu.vector_load %arg6[%get3A_282, %get3A_283] {strides = array<i32>} : memref<6x128xi32, #tpu.memory_space<vmem>>, vector<16xi32>,
    %gather3A_285 = tpu.vector_load_idx %arg5[%get3A_284] : memref<4096xi32, #tpu.memory_space<vmem>>[vector<16xi32>], vector<16xi32>,
    %swap3A_286 = arith.constant 3 : i32
    %swap3A_287 = arith.index_cast %swap3A_286 : i32 to index
    %swap3A_288 = arith.constant 96 : index
    %swap3A_289 = tpu.vector_load %arg7[%swap3A_287, %swap3A_288] {strides = array<i32>} : memref<6x128xi32, #tpu.memory_space<vmem>>, vector<16xi32>,
    tpu.vector_store %arg7[%swap3A_287, %swap3A_288], %gather3A_285 {strides = array<i32>} : memref<6x128xi32, #tpu.memory_space<vmem>>, vector<16xi32>,
    %get3A_290 = arith.constant 3 : i32
    %get3A_291 = arith.index_cast %get3A_290 : i32 to index
    %get3A_292 = arith.constant 112 : index
    %get3A_293 = tpu.vector_load %arg6[%get3A_291, %get3A_292] {strides = array<i32>} : memref<6x128xi32, #tpu.memory_space<vmem>>, vector<16xi32>,
    %gather3A_294 = tpu.vector_load_idx %arg5[%get3A_293] : memref<4096xi32, #tpu.memory_space<vmem>>[vector<16xi32>], vector<16xi32>,
    %swap3A_295 = arith.constant 3 : i32
    %swap3A_296 = arith.index_cast %swap3A_295 : i32 to index
    %swap3A_297 = arith.constant 112 : index
    %swap3A_298 = tpu.vector_load %arg7[%swap3A_296, %swap3A_297] {strides = array<i32>} : memref<6x128xi32, #tpu.memory_space<vmem>>, vector<16xi32>,
    tpu.vector_store %arg7[%swap3A_296, %swap3A_297], %gather3A_294 {strides = array<i32>} : memref<6x128xi32, #tpu.memory_space<vmem>>, vector<16xi32>,
    %get3A_299 = arith.constant 4 : i32
    %get3A_300 = arith.index_cast %get3A_299 : i32 to index
    %get3A_301 = arith.constant 0 : index
    %get3A_302 = tpu.vector_load %arg6[%get3A_300, %get3A_301] {strides = array<i32>} : memref<6x128xi32, #tpu.memory_space<vmem>>, vector<16xi32>,
    %gather3A_303 = tpu.vector_load_idx %arg5[%get3A_302] : memref<4096xi32, #tpu.memory_space<vmem>>[vector<16xi32>], vector<16xi32>,
    %swap3A_304 = arith.constant 4 : i32
    %swap3A_305 = arith.index_cast %swap3A_304 : i32 to index
    %swap3A_306 = arith.constant 0 : index
    %swap3A_307 = tpu.vector_load %arg7[%swap3A_305, %swap3A_306] {strides = array<i32>} : memref<6x128xi32, #tpu.memory_space<vmem>>, vector<16xi32>,
    tpu.vector_store %arg7[%swap3A_305, %swap3A_306], %gather3A_303 {strides = array<i32>} : memref<6x128xi32, #tpu.memory_space<vmem>>, vector<16xi32>,
    %get3A_308 = arith.constant 4 : i32
    %get3A_309 = arith.index_cast %get3A_308 : i32 to index
    %get3A_310 = arith.constant 16 : index
    %get3A_311 = tpu.vector_load %arg6[%get3A_309, %get3A_310] {strides = array<i32>} : memref<6x128xi32, #tpu.memory_space<vmem>>, vector<16xi32>,
    %gather3A_312 = tpu.vector_load_idx %arg5[%get3A_311] : memref<4096xi32, #tpu.memory_space<vmem>>[vector<16xi32>], vector<16xi32>,
    %swap3A_313 = arith.constant 4 : i32
    %swap3A_314 = arith.index_cast %swap3A_313 : i32 to index
    %swap3A_315 = arith.constant 16 : index
    %swap3A_316 = tpu.vector_load %arg7[%swap3A_314, %swap3A_315] {strides = array<i32>} : memref<6x128xi32, #tpu.memory_space<vmem>>, vector<16xi32>,
    tpu.vector_store %arg7[%swap3A_314, %swap3A_315], %gather3A_312 {strides = array<i32>} : memref<6x128xi32, #tpu.memory_space<vmem>>, vector<16xi32>,
    %get3A_317 = arith.constant 4 : i32
    %get3A_318 = arith.index_cast %get3A_317 : i32 to index
    %get3A_319 = arith.constant 32 : index
    %get3A_320 = tpu.vector_load %arg6[%get3A_318, %get3A_319] {strides = array<i32>} : memref<6x128xi32, #tpu.memory_space<vmem>>, vector<16xi32>,
    %gather3A_321 = tpu.vector_load_idx %arg5[%get3A_320] : memref<4096xi32, #tpu.memory_space<vmem>>[vector<16xi32>], vector<16xi32>,
    %swap3A_322 = arith.constant 4 : i32
    %swap3A_323 = arith.index_cast %swap3A_322 : i32 to index
    %swap3A_324 = arith.constant 32 : index
    %swap3A_325 = tpu.vector_load %arg7[%swap3A_323, %swap3A_324] {strides = array<i32>} : memref<6x128xi32, #tpu.memory_space<vmem>>, vector<16xi32>,
    tpu.vector_store %arg7[%swap3A_323, %swap3A_324], %gather3A_321 {strides = array<i32>} : memref<6x128xi32, #tpu.memory_space<vmem>>, vector<16xi32>,
    %get3A_326 = arith.constant 4 : i32
    %get3A_327 = arith.index_cast %get3A_326 : i32 to index
    %get3A_328 = arith.constant 48 : index
    %get3A_329 = tpu.vector_load %arg6[%get3A_327, %get3A_328] {strides = array<i32>} : memref<6x128xi32, #tpu.memory_space<vmem>>, vector<16xi32>,
    %gather3A_330 = tpu.vector_load_idx %arg5[%get3A_329] : memref<4096xi32, #tpu.memory_space<vmem>>[vector<16xi32>], vector<16xi32>,
    %swap3A_331 = arith.constant 4 : i32
    %swap3A_332 = arith.index_cast %swap3A_331 : i32 to index
    %swap3A_333 = arith.constant 48 : index
    %swap3A_334 = tpu.vector_load %arg7[%swap3A_332, %swap3A_333] {strides = array<i32>} : memref<6x128xi32, #tpu.memory_space<vmem>>, vector<16xi32>,
    tpu.vector_store %arg7[%swap3A_332, %swap3A_333], %gather3A_330 {strides = array<i32>} : memref<6x128xi32, #tpu.memory_space<vmem>>, vector<16xi32>,
    %get3A_335 = arith.constant 4 : i32
    %get3A_336 = arith.index_cast %get3A_335 : i32 to index
    %get3A_337 = arith.constant 64 : index
    %get3A_338 = tpu.vector_load %arg6[%get3A_336, %get3A_337] {strides = array<i32>} : memref<6x128xi32, #tpu.memory_space<vmem>>, vector<16xi32>,
    %gather3A_339 = tpu.vector_load_idx %arg5[%get3A_338] : memref<4096xi32, #tpu.memory_space<vmem>>[vector<16xi32>], vector<16xi32>,
    %swap3A_340 = arith.constant 4 : i32
    %swap3A_341 = arith.index_cast %swap3A_340 : i32 to index
    %swap3A_342 = arith.constant 64 : index
    %swap3A_343 = tpu.vector_load %arg7[%swap3A_341, %swap3A_342] {strides = array<i32>} : memref<6x128xi32, #tpu.memory_space<vmem>>, vector<16xi32>,
    tpu.vector_store %arg7[%swap3A_341, %swap3A_342], %gather3A_339 {strides = array<i32>} : memref<6x128xi32, #tpu.memory_space<vmem>>, vector<16xi32>,
    %get3A_344 = arith.constant 4 : i32
    %get3A_345 = arith.index_cast %get3A_344 : i32 to index
    %get3A_346 = arith.constant 80 : index
    %get3A_347 = tpu.vector_load %arg6[%get3A_345, %get3A_346] {strides = array<i32>} : memref<6x128xi32, #tpu.memory_space<vmem>>, vector<16xi32>,
    %gather3A_348 = tpu.vector_load_idx %arg5[%get3A_347] : memref<4096xi32, #tpu.memory_space<vmem>>[vector<16xi32>], vector<16xi32>,
    %swap3A_349 = arith.constant 4 : i32
    %swap3A_350 = arith.index_cast %swap3A_349 : i32 to index
    %swap3A_351 = arith.constant 80 : index
    %swap3A_352 = tpu.vector_load %arg7[%swap3A_350, %swap3A_351] {strides = array<i32>} : memref<6x128xi32, #tpu.memory_space<vmem>>, vector<16xi32>,
    tpu.vector_store %arg7[%swap3A_350, %swap3A_351], %gather3A_348 {strides = array<i32>} : memref<6x128xi32, #tpu.memory_space<vmem>>, vector<16xi32>,
    %get3A_353 = arith.constant 4 : i32
    %get3A_354 = arith.index_cast %get3A_353 : i32 to index
    %get3A_355 = arith.constant 96 : index
    %get3A_356 = tpu.vector_load %arg6[%get3A_354, %get3A_355] {strides = array<i32>} : memref<6x128xi32, #tpu.memory_space<vmem>>, vector<16xi32>,
    %gather3A_357 = tpu.vector_load_idx %arg5[%get3A_356] : memref<4096xi32, #tpu.memory_space<vmem>>[vector<16xi32>], vector<16xi32>,
    %swap3A_358 = arith.constant 4 : i32
    %swap3A_359 = arith.index_cast %swap3A_358 : i32 to index
    %swap3A_360 = arith.constant 96 : index
    %swap3A_361 = tpu.vector_load %arg7[%swap3A_359, %swap3A_360] {strides = array<i32>} : memref<6x128xi32, #tpu.memory_space<vmem>>, vector<16xi32>,
    tpu.vector_store %arg7[%swap3A_359, %swap3A_360], %gather3A_357 {strides = array<i32>} : memref<6x128xi32, #tpu.memory_space<vmem>>, vector<16xi32>,
    %get3A_362 = arith.constant 4 : i32
    %get3A_363 = arith.index_cast %get3A_362 : i32 to index
    %get3A_364 = arith.constant 112 : index
    %get3A_365 = tpu.vector_load %arg6[%get3A_363, %get3A_364] {strides = array<i32>} : memref<6x128xi32, #tpu.memory_space<vmem>>, vector<16xi32>,
    %gather3A_366 = tpu.vector_load_idx %arg5[%get3A_365] : memref<4096xi32, #tpu.memory_space<vmem>>[vector<16xi32>], vector<16xi32>,
    %swap3A_367 = arith.constant 4 : i32
    %swap3A_368 = arith.index_cast %swap3A_367 : i32 to index
    %swap3A_369 = arith.constant 112 : index
    %swap3A_370 = tpu.vector_load %arg7[%swap3A_368, %swap3A_369] {strides = array<i32>} : memref<6x128xi32, #tpu.memory_space<vmem>>, vector<16xi32>,
    tpu.vector_store %arg7[%swap3A_368, %swap3A_369], %gather3A_366 {strides = array<i32>} : memref<6x128xi32, #tpu.memory_space<vmem>>, vector<16xi32>,
    %get3A_371 = arith.constant 5 : i32
    %get3A_372 = arith.index_cast %get3A_371 : i32 to index
    %get3A_373 = arith.constant 0 : index
    %get3A_374 = tpu.vector_load %arg6[%get3A_372, %get3A_373] {strides = array<i32>} : memref<6x128xi32, #tpu.memory_space<vmem>>, vector<16xi32>,
    %gather3A_375 = tpu.vector_load_idx %arg5[%get3A_374] : memref<4096xi32, #tpu.memory_space<vmem>>[vector<16xi32>], vector<16xi32>,
    %swap3A_376 = arith.constant 5 : i32
    %swap3A_377 = arith.index_cast %swap3A_376 : i32 to index
    %swap3A_378 = arith.constant 0 : index
    %swap3A_379 = tpu.vector_load %arg7[%swap3A_377, %swap3A_378] {strides = array<i32>} : memref<6x128xi32, #tpu.memory_space<vmem>>, vector<16xi32>,
    tpu.vector_store %arg7[%swap3A_377, %swap3A_378], %gather3A_375 {strides = array<i32>} : memref<6x128xi32, #tpu.memory_space<vmem>>, vector<16xi32>,
    %get3A_380 = arith.constant 5 : i32
    %get3A_381 = arith.index_cast %get3A_380 : i32 to index
    %get3A_382 = arith.constant 16 : index
    %get3A_383 = tpu.vector_load %arg6[%get3A_381, %get3A_382] {strides = array<i32>} : memref<6x128xi32, #tpu.memory_space<vmem>>, vector<16xi32>,
    %gather3A_384 = tpu.vector_load_idx %arg5[%get3A_383] : memref<4096xi32, #tpu.memory_space<vmem>>[vector<16xi32>], vector<16xi32>,
    %swap3A_385 = arith.constant 5 : i32
    %swap3A_386 = arith.index_cast %swap3A_385 : i32 to index
    %swap3A_387 = arith.constant 16 : index
    %swap3A_388 = tpu.vector_load %arg7[%swap3A_386, %swap3A_387] {strides = array<i32>} : memref<6x128xi32, #tpu.memory_space<vmem>>, vector<16xi32>,
    tpu.vector_store %arg7[%swap3A_386, %swap3A_387], %gather3A_384 {strides = array<i32>} : memref<6x128xi32, #tpu.memory_space<vmem>>, vector<16xi32>,
    %get3A_389 = arith.constant 5 : i32
    %get3A_390 = arith.index_cast %get3A_389 : i32 to index
    %get3A_391 = arith.constant 32 : index
    %get3A_392 = tpu.vector_load %arg6[%get3A_390, %get3A_391] {strides = array<i32>} : memref<6x128xi32, #tpu.memory_space<vmem>>, vector<16xi32>,
    %gather3A_393 = tpu.vector_load_idx %arg5[%get3A_392] : memref<4096xi32, #tpu.memory_space<vmem>>[vector<16xi32>], vector<16xi32>,
    %swap3A_394 = arith.constant 5 : i32
    %swap3A_395 = arith.index_cast %swap3A_394 : i32 to index
    %swap3A_396 = arith.constant 32 : index
    %swap3A_397 = tpu.vector_load %arg7[%swap3A_395, %swap3A_396] {strides = array<i32>} : memref<6x128xi32, #tpu.memory_space<vmem>>, vector<16xi32>,
    tpu.vector_store %arg7[%swap3A_395, %swap3A_396], %gather3A_393 {strides = array<i32>} : memref<6x128xi32, #tpu.memory_space<vmem>>, vector<16xi32>,
    %get3A_398 = arith.constant 5 : i32
    %get3A_399 = arith.index_cast %get3A_398 : i32 to index
    %get3A_400 = arith.constant 48 : index
    %get3A_401 = tpu.vector_load %arg6[%get3A_399, %get3A_400] {strides = array<i32>} : memref<6x128xi32, #tpu.memory_space<vmem>>, vector<16xi32>,
    %gather3A_402 = tpu.vector_load_idx %arg5[%get3A_401] : memref<4096xi32, #tpu.memory_space<vmem>>[vector<16xi32>], vector<16xi32>,
    %swap3A_403 = arith.constant 5 : i32
    %swap3A_404 = arith.index_cast %swap3A_403 : i32 to index
    %swap3A_405 = arith.constant 48 : index
    %swap3A_406 = tpu.vector_load %arg7[%swap3A_404, %swap3A_405] {strides = array<i32>} : memref<6x128xi32, #tpu.memory_space<vmem>>, vector<16xi32>,
    tpu.vector_store %arg7[%swap3A_404, %swap3A_405], %gather3A_402 {strides = array<i32>} : memref<6x128xi32, #tpu.memory_space<vmem>>, vector<16xi32>,
    %get3A_407 = arith.constant 5 : i32
    %get3A_408 = arith.index_cast %get3A_407 : i32 to index
    %get3A_409 = arith.constant 64 : index
    %get3A_410 = tpu.vector_load %arg6[%get3A_408, %get3A_409] {strides = array<i32>} : memref<6x128xi32, #tpu.memory_space<vmem>>, vector<16xi32>,
    %gather3A_411 = tpu.vector_load_idx %arg5[%get3A_410] : memref<4096xi32, #tpu.memory_space<vmem>>[vector<16xi32>], vector<16xi32>,
    %swap3A_412 = arith.constant 5 : i32
    %swap3A_413 = arith.index_cast %swap3A_412 : i32 to index
    %swap3A_414 = arith.constant 64 : index
    %swap3A_415 = tpu.vector_load %arg7[%swap3A_413, %swap3A_414] {strides = array<i32>} : memref<6x128xi32, #tpu.memory_space<vmem>>, vector<16xi32>,
    tpu.vector_store %arg7[%swap3A_413, %swap3A_414], %gather3A_411 {strides = array<i32>} : memref<6x128xi32, #tpu.memory_space<vmem>>, vector<16xi32>,
    %get3A_416 = arith.constant 5 : i32
    %get3A_417 = arith.index_cast %get3A_416 : i32 to index
    %get3A_418 = arith.constant 80 : index
    %get3A_419 = tpu.vector_load %arg6[%get3A_417, %get3A_418] {strides = array<i32>} : memref<6x128xi32, #tpu.memory_space<vmem>>, vector<16xi32>,
    %gather3A_420 = tpu.vector_load_idx %arg5[%get3A_419] : memref<4096xi32, #tpu.memory_space<vmem>>[vector<16xi32>], vector<16xi32>,
    %swap3A_421 = arith.constant 5 : i32
    %swap3A_422 = arith.index_cast %swap3A_421 : i32 to index
    %swap3A_423 = arith.constant 80 : index
    %swap3A_424 = tpu.vector_load %arg7[%swap3A_422, %swap3A_423] {strides = array<i32>} : memref<6x128xi32, #tpu.memory_space<vmem>>, vector<16xi32>,
    tpu.vector_store %arg7[%swap3A_422, %swap3A_423], %gather3A_420 {strides = array<i32>} : memref<6x128xi32, #tpu.memory_space<vmem>>, vector<16xi32>,
    %get3A_425 = arith.constant 5 : i32
    %get3A_426 = arith.index_cast %get3A_425 : i32 to index
    %get3A_427 = arith.constant 96 : index
    %get3A_428 = tpu.vector_load %arg6[%get3A_426, %get3A_427] {strides = array<i32>} : memref<6x128xi32, #tpu.memory_space<vmem>>, vector<16xi32>,
    %gather3A_429 = tpu.vector_load_idx %arg5[%get3A_428] : memref<4096xi32, #tpu.memory_space<vmem>>[vector<16xi32>], vector<16xi32>,
    %swap3A_430 = arith.constant 5 : i32
    %swap3A_431 = arith.index_cast %swap3A_430 : i32 to index
    %swap3A_432 = arith.constant 96 : index
    %swap3A_433 = tpu.vector_load %arg7[%swap3A_431, %swap3A_432] {strides = array<i32>} : memref<6x128xi32, #tpu.memory_space<vmem>>, vector<16xi32>,
    tpu.vector_store %arg7[%swap3A_431, %swap3A_432], %gather3A_429 {strides = array<i32>} : memref<6x128xi32, #tpu.memory_space<vmem>>, vector<16xi32>,
    %get3A_434 = arith.constant 5 : i32
    %get3A_435 = arith.index_cast %get3A_434 : i32 to index
    %get3A_436 = arith.constant 112 : index
    %get3A_437 = tpu.vector_load %arg6[%get3A_435, %get3A_436] {strides = array<i32>} : memref<6x128xi32, #tpu.memory_space<vmem>>, vector<16xi32>,
    %gather3A_438 = tpu.vector_load_idx %arg5[%get3A_437] : memref<4096xi32, #tpu.memory_space<vmem>>[vector<16xi32>], vector<16xi32>,
    %swap3A_439 = arith.constant 5 : i32
    %swap3A_440 = arith.index_cast %swap3A_439 : i32 to index
    %swap3A_441 = arith.constant 112 : index
    %swap3A_442 = tpu.vector_load %arg7[%swap3A_440, %swap3A_441] {strides = array<i32>} : memref<6x128xi32, #tpu.memory_space<vmem>>, vector<16xi32>,
    tpu.vector_store %arg7[%swap3A_440, %swap3A_441], %gather3A_438 {strides = array<i32>} : memref<6x128xi32, #tpu.memory_space<vmem>>, vector<16xi32>,
    %run_scoped3A_443 = arith.constant 0 : i32
    %run_scoped3A_444 = arith.constant 0 : i32
    "tpu.region"() ({
      %run_scoped3A_455 = tpu.sem_alloc : memref<!tpu.dma_semaphore, #tpu.memory_space<semaphore_mem>>
      %dma_start3A = arith.constant 0 : i32
      %dma_start3A_456 = tpu.memref_slice %arg7[%run_scoped3A_443, %dma_start3A] : memref<6x128xi32, #tpu.memory_space<vmem>> -> memref<1x128xi32, #tpu.memory_space<vmem>>
      %dma_start3A_457 = tpu.memref_squeeze %dma_start3A_456 : memref<1x128xi32, #tpu.memory_space<vmem>> -> memref<128xi32, #tpu.memory_space<vmem>>
      %dma_start3A_458 = tpu.memref_slice %arg4[%run_scoped3A_444, %mul3A_2] : memref<6x4096xi32, #tpu.memory_space<hbm>> -> memref<1x128xi32, #tpu.memory_space<hbm>>
      %dma_start3A_459 = tpu.memref_squeeze %dma_start3A_458 : memref<1x128xi32, #tpu.memory_space<hbm>> -> memref<128xi32, #tpu.memory_space<hbm>>
      %dma_start3A_460 = tpu.memref_slice %arg4[%run_scoped3A_444, %mul3A_2] : memref<6x4096xi32, #tpu.memory_space<hbm>> -> memref<1x128xi32, #tpu.memory_space<hbm>>
      %dma_start3A_461 = tpu.memref_squeeze %dma_start3A_460 : memref<1x128xi32, #tpu.memory_space<hbm>> -> memref<128xi32, #tpu.memory_space<hbm>>
      %dma_start3A_462 = arith.constant 0 : i32
      %dma_start3A_463 = tpu.memref_slice %arg7[%run_scoped3A_443, %dma_start3A_462] : memref<6x128xi32, #tpu.memory_space<vmem>> -> memref<1x128xi32, #tpu.memory_space<vmem>>
      %dma_start3A_464 = tpu.memref_squeeze %dma_start3A_463 : memref<1x128xi32, #tpu.memory_space<vmem>> -> memref<128xi32, #tpu.memory_space<vmem>>
      tpu.enqueue_dma source(%dma_start3A_464 : memref<128xi32, #tpu.memory_space<vmem>>) target(%dma_start3A_461 : memref<128xi32, #tpu.memory_space<hbm>>) target_semaphore(%run_scoped3A_455 : memref<!tpu.dma_semaphore, #tpu.memory_space<semaphore_mem>>)
      %dma_wait3A = arith.constant 0 : i32
      %dma_wait3A_465 = tpu.memref_slice %arg7[%run_scoped3A_443, %dma_wait3A] : memref<6x128xi32, #tpu.memory_space<vmem>> -> memref<1x128xi32, #tpu.memory_space<vmem>>
      %dma_wait3A_466 = tpu.memref_squeeze %dma_wait3A_465 : memref<1x128xi32, #tpu.memory_space<vmem>> -> memref<128xi32, #tpu.memory_space<vmem>>
      %dma_wait3A_467 = tpu.memref_slice %arg4[%run_scoped3A_444, %mul3A_2] : memref<6x4096xi32, #tpu.memory_space<hbm>> -> memref<1x128xi32, #tpu.memory_space<hbm>>
      %dma_wait3A_468 = tpu.memref_squeeze %dma_wait3A_467 : memref<1x128xi32, #tpu.memory_space<hbm>> -> memref<128xi32, #tpu.memory_space<hbm>>
      %dma_wait3A_469 = tpu.memref_slice %arg4[%run_scoped3A_444, %mul3A_2] : memref<6x4096xi32, #tpu.memory_space<hbm>> -> memref<1x128xi32, #tpu.memory_space<hbm>>
      %dma_wait3A_470 = tpu.memref_squeeze %dma_wait3A_469 : memref<1x128xi32, #tpu.memory_space<hbm>> -> memref<128xi32, #tpu.memory_space<hbm>>
      %dma_wait3A_471 = arith.constant 0 : i32
      %dma_wait3A_472 = tpu.memref_slice %arg7[%run_scoped3A_443, %dma_wait3A_471] : memref<6x128xi32, #tpu.memory_space<vmem>> -> memref<1x128xi32, #tpu.memory_space<vmem>>
      %dma_wait3A_473 = tpu.memref_squeeze %dma_wait3A_472 : memref<1x128xi32, #tpu.memory_space<vmem>> -> memref<128xi32, #tpu.memory_space<vmem>>
      tpu.wait_dma2 semaphore(%run_scoped3A_455 : memref<!tpu.dma_semaphore, #tpu.memory_space<semaphore_mem>>) src(%dma_wait3A_473 : memref<128xi32, #tpu.memory_space<vmem>>) dst(%dma_wait3A_470 : memref<128xi32, #tpu.memory_space<hbm>>)
      tpu.yield
    }) : () -> ()
    %run_scoped3A_445 = arith.constant 1 : i32
    %run_scoped3A_446 = arith.constant 1 : i32
    "tpu.region"() ({
      %run_scoped3A_455 = tpu.sem_alloc : memref<!tpu.dma_semaphore, #tpu.memory_space<semaphore_mem>>
      %dma_start3A = arith.constant 0 : i32
      %dma_start3A_456 = tpu.memref_slice %arg7[%run_scoped3A_445, %dma_start3A] : memref<6x128xi32, #tpu.memory_space<vmem>> -> memref<1x128xi32, #tpu.memory_space<vmem>>
      %dma_start3A_457 = tpu.memref_squeeze %dma_start3A_456 : memref<1x128xi32, #tpu.memory_space<vmem>> -> memref<128xi32, #tpu.memory_space<vmem>>
      %dma_start3A_458 = tpu.memref_slice %arg4[%run_scoped3A_446, %mul3A_2] : memref<6x4096xi32, #tpu.memory_space<hbm>> -> memref<1x128xi32, #tpu.memory_space<hbm>>
      %dma_start3A_459 = tpu.memref_squeeze %dma_start3A_458 : memref<1x128xi32, #tpu.memory_space<hbm>> -> memref<128xi32, #tpu.memory_space<hbm>>
      %dma_start3A_460 = tpu.memref_slice %arg4[%run_scoped3A_446, %mul3A_2] : memref<6x4096xi32, #tpu.memory_space<hbm>> -> memref<1x128xi32, #tpu.memory_space<hbm>>
      %dma_start3A_461 = tpu.memref_squeeze %dma_start3A_460 : memref<1x128xi32, #tpu.memory_space<hbm>> -> memref<128xi32, #tpu.memory_space<hbm>>
      %dma_start3A_462 = arith.constant 0 : i32
      %dma_start3A_463 = tpu.memref_slice %arg7[%run_scoped3A_445, %dma_start3A_462] : memref<6x128xi32, #tpu.memory_space<vmem>> -> memref<1x128xi32, #tpu.memory_space<vmem>>
      %dma_start3A_464 = tpu.memref_squeeze %dma_start3A_463 : memref<1x128xi32, #tpu.memory_space<vmem>> -> memref<128xi32, #tpu.memory_space<vmem>>
      tpu.enqueue_dma source(%dma_start3A_464 : memref<128xi32, #tpu.memory_space<vmem>>) target(%dma_start3A_461 : memref<128xi32, #tpu.memory_space<hbm>>) target_semaphore(%run_scoped3A_455 : memref<!tpu.dma_semaphore, #tpu.memory_space<semaphore_mem>>)
      %dma_wait3A = arith.constant 0 : i32
      %dma_wait3A_465 = tpu.memref_slice %arg7[%run_scoped3A_445, %dma_wait3A] : memref<6x128xi32, #tpu.memory_space<vmem>> -> memref<1x128xi32, #tpu.memory_space<vmem>>
      %dma_wait3A_466 = tpu.memref_squeeze %dma_wait3A_465 : memref<1x128xi32, #tpu.memory_space<vmem>> -> memref<128xi32, #tpu.memory_space<vmem>>
      %dma_wait3A_467 = tpu.memref_slice %arg4[%run_scoped3A_446, %mul3A_2] : memref<6x4096xi32, #tpu.memory_space<hbm>> -> memref<1x128xi32, #tpu.memory_space<hbm>>
      %dma_wait3A_468 = tpu.memref_squeeze %dma_wait3A_467 : memref<1x128xi32, #tpu.memory_space<hbm>> -> memref<128xi32, #tpu.memory_space<hbm>>
      %dma_wait3A_469 = tpu.memref_slice %arg4[%run_scoped3A_446, %mul3A_2] : memref<6x4096xi32, #tpu.memory_space<hbm>> -> memref<1x128xi32, #tpu.memory_space<hbm>>
      %dma_wait3A_470 = tpu.memref_squeeze %dma_wait3A_469 : memref<1x128xi32, #tpu.memory_space<hbm>> -> memref<128xi32, #tpu.memory_space<hbm>>
      %dma_wait3A_471 = arith.constant 0 : i32
      %dma_wait3A_472 = tpu.memref_slice %arg7[%run_scoped3A_445, %dma_wait3A_471] : memref<6x128xi32, #tpu.memory_space<vmem>> -> memref<1x128xi32, #tpu.memory_space<vmem>>
      %dma_wait3A_473 = tpu.memref_squeeze %dma_wait3A_472 : memref<1x128xi32, #tpu.memory_space<vmem>> -> memref<128xi32, #tpu.memory_space<vmem>>
      tpu.wait_dma2 semaphore(%run_scoped3A_455 : memref<!tpu.dma_semaphore, #tpu.memory_space<semaphore_mem>>) src(%dma_wait3A_473 : memref<128xi32, #tpu.memory_space<vmem>>) dst(%dma_wait3A_470 : memref<128xi32, #tpu.memory_space<hbm>>)
      tpu.yield
    }) : () -> ()
    %run_scoped3A_447 = arith.constant 2 : i32
    %run_scoped3A_448 = arith.constant 2 : i32
    "tpu.region"() ({
      %run_scoped3A_455 = tpu.sem_alloc : memref<!tpu.dma_semaphore, #tpu.memory_space<semaphore_mem>>
      %dma_start3A = arith.constant 0 : i32
      %dma_start3A_456 = tpu.memref_slice %arg7[%run_scoped3A_447, %dma_start3A] : memref<6x128xi32, #tpu.memory_space<vmem>> -> memref<1x128xi32, #tpu.memory_space<vmem>>
      %dma_start3A_457 = tpu.memref_squeeze %dma_start3A_456 : memref<1x128xi32, #tpu.memory_space<vmem>> -> memref<128xi32, #tpu.memory_space<vmem>>
      %dma_start3A_458 = tpu.memref_slice %arg4[%run_scoped3A_448, %mul3A_2] : memref<6x4096xi32, #tpu.memory_space<hbm>> -> memref<1x128xi32, #tpu.memory_space<hbm>>
      %dma_start3A_459 = tpu.memref_squeeze %dma_start3A_458 : memref<1x128xi32, #tpu.memory_space<hbm>> -> memref<128xi32, #tpu.memory_space<hbm>>
      %dma_start3A_460 = tpu.memref_slice %arg4[%run_scoped3A_448, %mul3A_2] : memref<6x4096xi32, #tpu.memory_space<hbm>> -> memref<1x128xi32, #tpu.memory_space<hbm>>
      %dma_start3A_461 = tpu.memref_squeeze %dma_start3A_460 : memref<1x128xi32, #tpu.memory_space<hbm>> -> memref<128xi32, #tpu.memory_space<hbm>>
      %dma_start3A_462 = arith.constant 0 : i32
      %dma_start3A_463 = tpu.memref_slice %arg7[%run_scoped3A_447, %dma_start3A_462] : memref<6x128xi32, #tpu.memory_space<vmem>> -> memref<1x128xi32, #tpu.memory_space<vmem>>
      %dma_start3A_464 = tpu.memref_squeeze %dma_start3A_463 : memref<1x128xi32, #tpu.memory_space<vmem>> -> memref<128xi32, #tpu.memory_space<vmem>>
      tpu.enqueue_dma source(%dma_start3A_464 : memref<128xi32, #tpu.memory_space<vmem>>) target(%dma_start3A_461 : memref<128xi32, #tpu.memory_space<hbm>>) target_semaphore(%run_scoped3A_455 : memref<!tpu.dma_semaphore, #tpu.memory_space<semaphore_mem>>)
      %dma_wait3A = arith.constant 0 : i32
      %dma_wait3A_465 = tpu.memref_slice %arg7[%run_scoped3A_447, %dma_wait3A] : memref<6x128xi32, #tpu.memory_space<vmem>> -> memref<1x128xi32, #tpu.memory_space<vmem>>
      %dma_wait3A_466 = tpu.memref_squeeze %dma_wait3A_465 : memref<1x128xi32, #tpu.memory_space<vmem>> -> memref<128xi32, #tpu.memory_space<vmem>>
      %dma_wait3A_467 = tpu.memref_slice %arg4[%run_scoped3A_448, %mul3A_2] : memref<6x4096xi32, #tpu.memory_space<hbm>> -> memref<1x128xi32, #tpu.memory_space<hbm>>
      %dma_wait3A_468 = tpu.memref_squeeze %dma_wait3A_467 : memref<1x128xi32, #tpu.memory_space<hbm>> -> memref<128xi32, #tpu.memory_space<hbm>>
      %dma_wait3A_469 = tpu.memref_slice %arg4[%run_scoped3A_448, %mul3A_2] : memref<6x4096xi32, #tpu.memory_space<hbm>> -> memref<1x128xi32, #tpu.memory_space<hbm>>
      %dma_wait3A_470 = tpu.memref_squeeze %dma_wait3A_469 : memref<1x128xi32, #tpu.memory_space<hbm>> -> memref<128xi32, #tpu.memory_space<hbm>>
      %dma_wait3A_471 = arith.constant 0 : i32
      %dma_wait3A_472 = tpu.memref_slice %arg7[%run_scoped3A_447, %dma_wait3A_471] : memref<6x128xi32, #tpu.memory_space<vmem>> -> memref<1x128xi32, #tpu.memory_space<vmem>>
      %dma_wait3A_473 = tpu.memref_squeeze %dma_wait3A_472 : memref<1x128xi32, #tpu.memory_space<vmem>> -> memref<128xi32, #tpu.memory_space<vmem>>
      tpu.wait_dma2 semaphore(%run_scoped3A_455 : memref<!tpu.dma_semaphore, #tpu.memory_space<semaphore_mem>>) src(%dma_wait3A_473 : memref<128xi32, #tpu.memory_space<vmem>>) dst(%dma_wait3A_470 : memref<128xi32, #tpu.memory_space<hbm>>)
      tpu.yield
    }) : () -> ()
    %run_scoped3A_449 = arith.constant 3 : i32
    %run_scoped3A_450 = arith.constant 3 : i32
    "tpu.region"() ({
      %run_scoped3A_455 = tpu.sem_alloc : memref<!tpu.dma_semaphore, #tpu.memory_space<semaphore_mem>>
      %dma_start3A = arith.constant 0 : i32
      %dma_start3A_456 = tpu.memref_slice %arg7[%run_scoped3A_449, %dma_start3A] : memref<6x128xi32, #tpu.memory_space<vmem>> -> memref<1x128xi32, #tpu.memory_space<vmem>>
      %dma_start3A_457 = tpu.memref_squeeze %dma_start3A_456 : memref<1x128xi32, #tpu.memory_space<vmem>> -> memref<128xi32, #tpu.memory_space<vmem>>
      %dma_start3A_458 = tpu.memref_slice %arg4[%run_scoped3A_450, %mul3A_2] : memref<6x4096xi32, #tpu.memory_space<hbm>> -> memref<1x128xi32, #tpu.memory_space<hbm>>
      %dma_start3A_459 = tpu.memref_squeeze %dma_start3A_458 : memref<1x128xi32, #tpu.memory_space<hbm>> -> memref<128xi32, #tpu.memory_space<hbm>>
      %dma_start3A_460 = tpu.memref_slice %arg4[%run_scoped3A_450, %mul3A_2] : memref<6x4096xi32, #tpu.memory_space<hbm>> -> memref<1x128xi32, #tpu.memory_space<hbm>>
      %dma_start3A_461 = tpu.memref_squeeze %dma_start3A_460 : memref<1x128xi32, #tpu.memory_space<hbm>> -> memref<128xi32, #tpu.memory_space<hbm>>
      %dma_start3A_462 = arith.constant 0 : i32
      %dma_start3A_463 = tpu.memref_slice %arg7[%run_scoped3A_449, %dma_start3A_462] : memref<6x128xi32, #tpu.memory_space<vmem>> -> memref<1x128xi32, #tpu.memory_space<vmem>>
      %dma_start3A_464 = tpu.memref_squeeze %dma_start3A_463 : memref<1x128xi32, #tpu.memory_space<vmem>> -> memref<128xi32, #tpu.memory_space<vmem>>
      tpu.enqueue_dma source(%dma_start3A_464 : memref<128xi32, #tpu.memory_space<vmem>>) target(%dma_start3A_461 : memref<128xi32, #tpu.memory_space<hbm>>) target_semaphore(%run_scoped3A_455 : memref<!tpu.dma_semaphore, #tpu.memory_space<semaphore_mem>>)
      %dma_wait3A = arith.constant 0 : i32
      %dma_wait3A_465 = tpu.memref_slice %arg7[%run_scoped3A_449, %dma_wait3A] : memref<6x128xi32, #tpu.memory_space<vmem>> -> memref<1x128xi32, #tpu.memory_space<vmem>>
      %dma_wait3A_466 = tpu.memref_squeeze %dma_wait3A_465 : memref<1x128xi32, #tpu.memory_space<vmem>> -> memref<128xi32, #tpu.memory_space<vmem>>
      %dma_wait3A_467 = tpu.memref_slice %arg4[%run_scoped3A_450, %mul3A_2] : memref<6x4096xi32, #tpu.memory_space<hbm>> -> memref<1x128xi32, #tpu.memory_space<hbm>>
      %dma_wait3A_468 = tpu.memref_squeeze %dma_wait3A_467 : memref<1x128xi32, #tpu.memory_space<hbm>> -> memref<128xi32, #tpu.memory_space<hbm>>
      %dma_wait3A_469 = tpu.memref_slice %arg4[%run_scoped3A_450, %mul3A_2] : memref<6x4096xi32, #tpu.memory_space<hbm>> -> memref<1x128xi32, #tpu.memory_space<hbm>>
      %dma_wait3A_470 = tpu.memref_squeeze %dma_wait3A_469 : memref<1x128xi32, #tpu.memory_space<hbm>> -> memref<128xi32, #tpu.memory_space<hbm>>
      %dma_wait3A_471 = arith.constant 0 : i32
      %dma_wait3A_472 = tpu.memref_slice %arg7[%run_scoped3A_449, %dma_wait3A_471] : memref<6x128xi32, #tpu.memory_space<vmem>> -> memref<1x128xi32, #tpu.memory_space<vmem>>
      %dma_wait3A_473 = tpu.memref_squeeze %dma_wait3A_472 : memref<1x128xi32, #tpu.memory_space<vmem>> -> memref<128xi32, #tpu.memory_space<vmem>>
      tpu.wait_dma2 semaphore(%run_scoped3A_455 : memref<!tpu.dma_semaphore, #tpu.memory_space<semaphore_mem>>) src(%dma_wait3A_473 : memref<128xi32, #tpu.memory_space<vmem>>) dst(%dma_wait3A_470 : memref<128xi32, #tpu.memory_space<hbm>>)
      tpu.yield
    }) : () -> ()
    %run_scoped3A_451 = arith.constant 4 : i32
    %run_scoped3A_452 = arith.constant 4 : i32
    "tpu.region"() ({
      %run_scoped3A_455 = tpu.sem_alloc : memref<!tpu.dma_semaphore, #tpu.memory_space<semaphore_mem>>
      %dma_start3A = arith.constant 0 : i32
      %dma_start3A_456 = tpu.memref_slice %arg7[%run_scoped3A_451, %dma_start3A] : memref<6x128xi32, #tpu.memory_space<vmem>> -> memref<1x128xi32, #tpu.memory_space<vmem>>
      %dma_start3A_457 = tpu.memref_squeeze %dma_start3A_456 : memref<1x128xi32, #tpu.memory_space<vmem>> -> memref<128xi32, #tpu.memory_space<vmem>>
      %dma_start3A_458 = tpu.memref_slice %arg4[%run_scoped3A_452, %mul3A_2] : memref<6x4096xi32, #tpu.memory_space<hbm>> -> memref<1x128xi32, #tpu.memory_space<hbm>>
      %dma_start3A_459 = tpu.memref_squeeze %dma_start3A_458 : memref<1x128xi32, #tpu.memory_space<hbm>> -> memref<128xi32, #tpu.memory_space<hbm>>
      %dma_start3A_460 = tpu.memref_slice %arg4[%run_scoped3A_452, %mul3A_2] : memref<6x4096xi32, #tpu.memory_space<hbm>> -> memref<1x128xi32, #tpu.memory_space<hbm>>
      %dma_start3A_461 = tpu.memref_squeeze %dma_start3A_460 : memref<1x128xi32, #tpu.memory_space<hbm>> -> memref<128xi32, #tpu.memory_space<hbm>>
      %dma_start3A_462 = arith.constant 0 : i32
      %dma_start3A_463 = tpu.memref_slice %arg7[%run_scoped3A_451, %dma_start3A_462] : memref<6x128xi32, #tpu.memory_space<vmem>> -> memref<1x128xi32, #tpu.memory_space<vmem>>
      %dma_start3A_464 = tpu.memref_squeeze %dma_start3A_463 : memref<1x128xi32, #tpu.memory_space<vmem>> -> memref<128xi32, #tpu.memory_space<vmem>>
      tpu.enqueue_dma source(%dma_start3A_464 : memref<128xi32, #tpu.memory_space<vmem>>) target(%dma_start3A_461 : memref<128xi32, #tpu.memory_space<hbm>>) target_semaphore(%run_scoped3A_455 : memref<!tpu.dma_semaphore, #tpu.memory_space<semaphore_mem>>)
      %dma_wait3A = arith.constant 0 : i32
      %dma_wait3A_465 = tpu.memref_slice %arg7[%run_scoped3A_451, %dma_wait3A] : memref<6x128xi32, #tpu.memory_space<vmem>> -> memref<1x128xi32, #tpu.memory_space<vmem>>
      %dma_wait3A_466 = tpu.memref_squeeze %dma_wait3A_465 : memref<1x128xi32, #tpu.memory_space<vmem>> -> memref<128xi32, #tpu.memory_space<vmem>>
      %dma_wait3A_467 = tpu.memref_slice %arg4[%run_scoped3A_452, %mul3A_2] : memref<6x4096xi32, #tpu.memory_space<hbm>> -> memref<1x128xi32, #tpu.memory_space<hbm>>
      %dma_wait3A_468 = tpu.memref_squeeze %dma_wait3A_467 : memref<1x128xi32, #tpu.memory_space<hbm>> -> memref<128xi32, #tpu.memory_space<hbm>>
      %dma_wait3A_469 = tpu.memref_slice %arg4[%run_scoped3A_452, %mul3A_2] : memref<6x4096xi32, #tpu.memory_space<hbm>> -> memref<1x128xi32, #tpu.memory_space<hbm>>
      %dma_wait3A_470 = tpu.memref_squeeze %dma_wait3A_469 : memref<1x128xi32, #tpu.memory_space<hbm>> -> memref<128xi32, #tpu.memory_space<hbm>>
      %dma_wait3A_471 = arith.constant 0 : i32
      %dma_wait3A_472 = tpu.memref_slice %arg7[%run_scoped3A_451, %dma_wait3A_471] : memref<6x128xi32, #tpu.memory_space<vmem>> -> memref<1x128xi32, #tpu.memory_space<vmem>>
      %dma_wait3A_473 = tpu.memref_squeeze %dma_wait3A_472 : memref<1x128xi32, #tpu.memory_space<vmem>> -> memref<128xi32, #tpu.memory_space<vmem>>
      tpu.wait_dma2 semaphore(%run_scoped3A_455 : memref<!tpu.dma_semaphore, #tpu.memory_space<semaphore_mem>>) src(%dma_wait3A_473 : memref<128xi32, #tpu.memory_space<vmem>>) dst(%dma_wait3A_470 : memref<128xi32, #tpu.memory_space<hbm>>)
      tpu.yield
    }) : () -> ()
    %run_scoped3A_453 = arith.constant 5 : i32
    %run_scoped3A_454 = arith.constant 5 : i32
    "tpu.region"() ({
      %run_scoped3A_455 = tpu.sem_alloc : memref<!tpu.dma_semaphore, #tpu.memory_space<semaphore_mem>>
      %dma_start3A = arith.constant 0 : i32
      %dma_start3A_456 = tpu.memref_slice %arg7[%run_scoped3A_453, %dma_start3A] : memref<6x128xi32, #tpu.memory_space<vmem>> -> memref<1x128xi32, #tpu.memory_space<vmem>>
      %dma_start3A_457 = tpu.memref_squeeze %dma_start3A_456 : memref<1x128xi32, #tpu.memory_space<vmem>> -> memref<128xi32, #tpu.memory_space<vmem>>
      %dma_start3A_458 = tpu.memref_slice %arg4[%run_scoped3A_454, %mul3A_2] : memref<6x4096xi32, #tpu.memory_space<hbm>> -> memref<1x128xi32, #tpu.memory_space<hbm>>
      %dma_start3A_459 = tpu.memref_squeeze %dma_start3A_458 : memref<1x128xi32, #tpu.memory_space<hbm>> -> memref<128xi32, #tpu.memory_space<hbm>>
      %dma_start3A_460 = tpu.memref_slice %arg4[%run_scoped3A_454, %mul3A_2] : memref<6x4096xi32, #tpu.memory_space<hbm>> -> memref<1x128xi32, #tpu.memory_space<hbm>>
      %dma_start3A_461 = tpu.memref_squeeze %dma_start3A_460 : memref<1x128xi32, #tpu.memory_space<hbm>> -> memref<128xi32, #tpu.memory_space<hbm>>
      %dma_start3A_462 = arith.constant 0 : i32
      %dma_start3A_463 = tpu.memref_slice %arg7[%run_scoped3A_453, %dma_start3A_462] : memref<6x128xi32, #tpu.memory_space<vmem>> -> memref<1x128xi32, #tpu.memory_space<vmem>>
      %dma_start3A_464 = tpu.memref_squeeze %dma_start3A_463 : memref<1x128xi32, #tpu.memory_space<vmem>> -> memref<128xi32, #tpu.memory_space<vmem>>
      tpu.enqueue_dma source(%dma_start3A_464 : memref<128xi32, #tpu.memory_space<vmem>>) target(%dma_start3A_461 : memref<128xi32, #tpu.memory_space<hbm>>) target_semaphore(%run_scoped3A_455 : memref<!tpu.dma_semaphore, #tpu.memory_space<semaphore_mem>>)
      %dma_wait3A = arith.constant 0 : i32
      %dma_wait3A_465 = tpu.memref_slice %arg7[%run_scoped3A_453, %dma_wait3A] : memref<6x128xi32, #tpu.memory_space<vmem>> -> memref<1x128xi32, #tpu.memory_space<vmem>>
      %dma_wait3A_466 = tpu.memref_squeeze %dma_wait3A_465 : memref<1x128xi32, #tpu.memory_space<vmem>> -> memref<128xi32, #tpu.memory_space<vmem>>
      %dma_wait3A_467 = tpu.memref_slice %arg4[%run_scoped3A_454, %mul3A_2] : memref<6x4096xi32, #tpu.memory_space<hbm>> -> memref<1x128xi32, #tpu.memory_space<hbm>>
      %dma_wait3A_468 = tpu.memref_squeeze %dma_wait3A_467 : memref<1x128xi32, #tpu.memory_space<hbm>> -> memref<128xi32, #tpu.memory_space<hbm>>
      %dma_wait3A_469 = tpu.memref_slice %arg4[%run_scoped3A_454, %mul3A_2] : memref<6x4096xi32, #tpu.memory_space<hbm>> -> memref<1x128xi32, #tpu.memory_space<hbm>>
      %dma_wait3A_470 = tpu.memref_squeeze %dma_wait3A_469 : memref<1x128xi32, #tpu.memory_space<hbm>> -> memref<128xi32, #tpu.memory_space<hbm>>
      %dma_wait3A_471 = arith.constant 0 : i32
      %dma_wait3A_472 = tpu.memref_slice %arg7[%run_scoped3A_453, %dma_wait3A_471] : memref<6x128xi32, #tpu.memory_space<vmem>> -> memref<1x128xi32, #tpu.memory_space<vmem>>
      %dma_wait3A_473 = tpu.memref_squeeze %dma_wait3A_472 : memref<1x128xi32, #tpu.memory_space<vmem>> -> memref<128xi32, #tpu.memory_space<vmem>>
      tpu.wait_dma2 semaphore(%run_scoped3A_455 : memref<!tpu.dma_semaphore, #tpu.memory_space<semaphore_mem>>) src(%dma_wait3A_473 : memref<128xi32, #tpu.memory_space<vmem>>) dst(%dma_wait3A_470 : memref<128xi32, #tpu.memory_space<hbm>>)
      tpu.yield
    }) : () -> ()
    return
  }
}

#map = affine_map<(d0, d1) -> (0, 0)>
#map1 = affine_map<(d0, d1) -> (0)>
module attributes {stable_mosaic.version = 14 : i64} {
  func.func @ws_kernel(%arg0: i32, %arg1: i32, %arg2: memref<8x4096xf32, #tpu.memory_space<hbm>>, %arg3: memref<6x4096xf32, #tpu.memory_space<hbm>>, %arg4: memref<4096xf32, #tpu.memory_space<hbm>>, %arg5: memref<6x128xf32, #tpu.memory_space<vmem>>, %arg6: memref<6x128xf32, #tpu.memory_space<vmem>>, %arg7: memref<128xf32, #tpu.memory_space<vmem>>) attributes {dimension_semantics = [#tpu.dimension_semantics<core_parallel>, #tpu.dimension_semantics<subcore_parallel>], iteration_bounds = array<i64: 2, 16>, scalar_prefetch = 0 : i64, scratch_operands = 3 : i64, tpu.core_type = #tpu.core_type<sc_vector_subcore>, window_params = [{transform_indices = #map}, {transform_indices = #map}, {transform_indices = #map1}]} {
    %mul3A = arith.constant 2 : i32
    %mul3A_0 = arith.muli %arg1, %mul3A : i32
    %add3A = arith.addi %mul3A_0, %arg0 : i32
    %mul3A_1 = arith.constant 128 : i32
    %mul3A_2 = arith.muli %add3A, %mul3A_1 : i32
    %run_scoped3A = arith.constant 0 : i32
    %run_scoped3A_3 = arith.constant 0 : i32
    "tpu.region"() ({
      %run_scoped3A_535 = tpu.sem_alloc : memref<!tpu.dma_semaphore, #tpu.memory_space<semaphore_mem>>
      %dma_start3A = arith.constant 0 : i32
      %dma_start3A_536 = tpu.memref_slice %arg5[%run_scoped3A_3, %dma_start3A] : memref<6x128xf32, #tpu.memory_space<vmem>> -> memref<1x128xf32, #tpu.memory_space<vmem>>
      %dma_start3A_537 = tpu.memref_squeeze %dma_start3A_536 : memref<1x128xf32, #tpu.memory_space<vmem>> -> memref<128xf32, #tpu.memory_space<vmem>>
      %dma_start3A_538 = tpu.memref_slice %arg2[%run_scoped3A, %mul3A_2] : memref<8x4096xf32, #tpu.memory_space<hbm>> -> memref<1x128xf32, #tpu.memory_space<hbm>>
      %dma_start3A_539 = tpu.memref_squeeze %dma_start3A_538 : memref<1x128xf32, #tpu.memory_space<hbm>> -> memref<128xf32, #tpu.memory_space<hbm>>
      %dma_start3A_540 = arith.constant 0 : i32
      %dma_start3A_541 = tpu.memref_slice %arg5[%run_scoped3A_3, %dma_start3A_540] : memref<6x128xf32, #tpu.memory_space<vmem>> -> memref<1x128xf32, #tpu.memory_space<vmem>>
      %dma_start3A_542 = tpu.memref_squeeze %dma_start3A_541 : memref<1x128xf32, #tpu.memory_space<vmem>> -> memref<128xf32, #tpu.memory_space<vmem>>
      %dma_start3A_543 = tpu.memref_slice %arg2[%run_scoped3A, %mul3A_2] : memref<8x4096xf32, #tpu.memory_space<hbm>> -> memref<1x128xf32, #tpu.memory_space<hbm>>
      %dma_start3A_544 = tpu.memref_squeeze %dma_start3A_543 : memref<1x128xf32, #tpu.memory_space<hbm>> -> memref<128xf32, #tpu.memory_space<hbm>>
      tpu.enqueue_dma source(%dma_start3A_544 : memref<128xf32, #tpu.memory_space<hbm>>) target(%dma_start3A_542 : memref<128xf32, #tpu.memory_space<vmem>>) target_semaphore(%run_scoped3A_535 : memref<!tpu.dma_semaphore, #tpu.memory_space<semaphore_mem>>)
      %dma_wait3A = arith.constant 0 : i32
      %dma_wait3A_545 = tpu.memref_slice %arg5[%run_scoped3A_3, %dma_wait3A] : memref<6x128xf32, #tpu.memory_space<vmem>> -> memref<1x128xf32, #tpu.memory_space<vmem>>
      %dma_wait3A_546 = tpu.memref_squeeze %dma_wait3A_545 : memref<1x128xf32, #tpu.memory_space<vmem>> -> memref<128xf32, #tpu.memory_space<vmem>>
      %dma_wait3A_547 = tpu.memref_slice %arg2[%run_scoped3A, %mul3A_2] : memref<8x4096xf32, #tpu.memory_space<hbm>> -> memref<1x128xf32, #tpu.memory_space<hbm>>
      %dma_wait3A_548 = tpu.memref_squeeze %dma_wait3A_547 : memref<1x128xf32, #tpu.memory_space<hbm>> -> memref<128xf32, #tpu.memory_space<hbm>>
      %dma_wait3A_549 = arith.constant 0 : i32
      %dma_wait3A_550 = tpu.memref_slice %arg5[%run_scoped3A_3, %dma_wait3A_549] : memref<6x128xf32, #tpu.memory_space<vmem>> -> memref<1x128xf32, #tpu.memory_space<vmem>>
      %dma_wait3A_551 = tpu.memref_squeeze %dma_wait3A_550 : memref<1x128xf32, #tpu.memory_space<vmem>> -> memref<128xf32, #tpu.memory_space<vmem>>
      %dma_wait3A_552 = tpu.memref_slice %arg2[%run_scoped3A, %mul3A_2] : memref<8x4096xf32, #tpu.memory_space<hbm>> -> memref<1x128xf32, #tpu.memory_space<hbm>>
      %dma_wait3A_553 = tpu.memref_squeeze %dma_wait3A_552 : memref<1x128xf32, #tpu.memory_space<hbm>> -> memref<128xf32, #tpu.memory_space<hbm>>
      tpu.wait_dma2 semaphore(%run_scoped3A_535 : memref<!tpu.dma_semaphore, #tpu.memory_space<semaphore_mem>>) src(%dma_wait3A_553 : memref<128xf32, #tpu.memory_space<hbm>>) dst(%dma_wait3A_551 : memref<128xf32, #tpu.memory_space<vmem>>)
      tpu.yield
    }) : () -> ()
    %run_scoped3A_4 = arith.constant 0 : i32
    %run_scoped3A_5 = arith.constant 0 : i32
    "tpu.region"() ({
      %run_scoped3A_535 = tpu.sem_alloc : memref<!tpu.dma_semaphore, #tpu.memory_space<semaphore_mem>>
      %dma_start3A = arith.constant 0 : i32
      %dma_start3A_536 = tpu.memref_slice %arg6[%run_scoped3A_5, %dma_start3A] : memref<6x128xf32, #tpu.memory_space<vmem>> -> memref<1x128xf32, #tpu.memory_space<vmem>>
      %dma_start3A_537 = tpu.memref_squeeze %dma_start3A_536 : memref<1x128xf32, #tpu.memory_space<vmem>> -> memref<128xf32, #tpu.memory_space<vmem>>
      %dma_start3A_538 = tpu.memref_slice %arg3[%run_scoped3A_4, %mul3A_2] : memref<6x4096xf32, #tpu.memory_space<hbm>> -> memref<1x128xf32, #tpu.memory_space<hbm>>
      %dma_start3A_539 = tpu.memref_squeeze %dma_start3A_538 : memref<1x128xf32, #tpu.memory_space<hbm>> -> memref<128xf32, #tpu.memory_space<hbm>>
      %dma_start3A_540 = arith.constant 0 : i32
      %dma_start3A_541 = tpu.memref_slice %arg6[%run_scoped3A_5, %dma_start3A_540] : memref<6x128xf32, #tpu.memory_space<vmem>> -> memref<1x128xf32, #tpu.memory_space<vmem>>
      %dma_start3A_542 = tpu.memref_squeeze %dma_start3A_541 : memref<1x128xf32, #tpu.memory_space<vmem>> -> memref<128xf32, #tpu.memory_space<vmem>>
      %dma_start3A_543 = tpu.memref_slice %arg3[%run_scoped3A_4, %mul3A_2] : memref<6x4096xf32, #tpu.memory_space<hbm>> -> memref<1x128xf32, #tpu.memory_space<hbm>>
      %dma_start3A_544 = tpu.memref_squeeze %dma_start3A_543 : memref<1x128xf32, #tpu.memory_space<hbm>> -> memref<128xf32, #tpu.memory_space<hbm>>
      tpu.enqueue_dma source(%dma_start3A_544 : memref<128xf32, #tpu.memory_space<hbm>>) target(%dma_start3A_542 : memref<128xf32, #tpu.memory_space<vmem>>) target_semaphore(%run_scoped3A_535 : memref<!tpu.dma_semaphore, #tpu.memory_space<semaphore_mem>>)
      %dma_wait3A = arith.constant 0 : i32
      %dma_wait3A_545 = tpu.memref_slice %arg6[%run_scoped3A_5, %dma_wait3A] : memref<6x128xf32, #tpu.memory_space<vmem>> -> memref<1x128xf32, #tpu.memory_space<vmem>>
      %dma_wait3A_546 = tpu.memref_squeeze %dma_wait3A_545 : memref<1x128xf32, #tpu.memory_space<vmem>> -> memref<128xf32, #tpu.memory_space<vmem>>
      %dma_wait3A_547 = tpu.memref_slice %arg3[%run_scoped3A_4, %mul3A_2] : memref<6x4096xf32, #tpu.memory_space<hbm>> -> memref<1x128xf32, #tpu.memory_space<hbm>>
      %dma_wait3A_548 = tpu.memref_squeeze %dma_wait3A_547 : memref<1x128xf32, #tpu.memory_space<hbm>> -> memref<128xf32, #tpu.memory_space<hbm>>
      %dma_wait3A_549 = arith.constant 0 : i32
      %dma_wait3A_550 = tpu.memref_slice %arg6[%run_scoped3A_5, %dma_wait3A_549] : memref<6x128xf32, #tpu.memory_space<vmem>> -> memref<1x128xf32, #tpu.memory_space<vmem>>
      %dma_wait3A_551 = tpu.memref_squeeze %dma_wait3A_550 : memref<1x128xf32, #tpu.memory_space<vmem>> -> memref<128xf32, #tpu.memory_space<vmem>>
      %dma_wait3A_552 = tpu.memref_slice %arg3[%run_scoped3A_4, %mul3A_2] : memref<6x4096xf32, #tpu.memory_space<hbm>> -> memref<1x128xf32, #tpu.memory_space<hbm>>
      %dma_wait3A_553 = tpu.memref_squeeze %dma_wait3A_552 : memref<1x128xf32, #tpu.memory_space<hbm>> -> memref<128xf32, #tpu.memory_space<hbm>>
      tpu.wait_dma2 semaphore(%run_scoped3A_535 : memref<!tpu.dma_semaphore, #tpu.memory_space<semaphore_mem>>) src(%dma_wait3A_553 : memref<128xf32, #tpu.memory_space<hbm>>) dst(%dma_wait3A_551 : memref<128xf32, #tpu.memory_space<vmem>>)
      tpu.yield
    }) : () -> ()
    %run_scoped3A_6 = arith.constant 1 : i32
    %run_scoped3A_7 = arith.constant 1 : i32
    "tpu.region"() ({
      %run_scoped3A_535 = tpu.sem_alloc : memref<!tpu.dma_semaphore, #tpu.memory_space<semaphore_mem>>
      %dma_start3A = arith.constant 0 : i32
      %dma_start3A_536 = tpu.memref_slice %arg5[%run_scoped3A_7, %dma_start3A] : memref<6x128xf32, #tpu.memory_space<vmem>> -> memref<1x128xf32, #tpu.memory_space<vmem>>
      %dma_start3A_537 = tpu.memref_squeeze %dma_start3A_536 : memref<1x128xf32, #tpu.memory_space<vmem>> -> memref<128xf32, #tpu.memory_space<vmem>>
      %dma_start3A_538 = tpu.memref_slice %arg2[%run_scoped3A_6, %mul3A_2] : memref<8x4096xf32, #tpu.memory_space<hbm>> -> memref<1x128xf32, #tpu.memory_space<hbm>>
      %dma_start3A_539 = tpu.memref_squeeze %dma_start3A_538 : memref<1x128xf32, #tpu.memory_space<hbm>> -> memref<128xf32, #tpu.memory_space<hbm>>
      %dma_start3A_540 = arith.constant 0 : i32
      %dma_start3A_541 = tpu.memref_slice %arg5[%run_scoped3A_7, %dma_start3A_540] : memref<6x128xf32, #tpu.memory_space<vmem>> -> memref<1x128xf32, #tpu.memory_space<vmem>>
      %dma_start3A_542 = tpu.memref_squeeze %dma_start3A_541 : memref<1x128xf32, #tpu.memory_space<vmem>> -> memref<128xf32, #tpu.memory_space<vmem>>
      %dma_start3A_543 = tpu.memref_slice %arg2[%run_scoped3A_6, %mul3A_2] : memref<8x4096xf32, #tpu.memory_space<hbm>> -> memref<1x128xf32, #tpu.memory_space<hbm>>
      %dma_start3A_544 = tpu.memref_squeeze %dma_start3A_543 : memref<1x128xf32, #tpu.memory_space<hbm>> -> memref<128xf32, #tpu.memory_space<hbm>>
      tpu.enqueue_dma source(%dma_start3A_544 : memref<128xf32, #tpu.memory_space<hbm>>) target(%dma_start3A_542 : memref<128xf32, #tpu.memory_space<vmem>>) target_semaphore(%run_scoped3A_535 : memref<!tpu.dma_semaphore, #tpu.memory_space<semaphore_mem>>)
      %dma_wait3A = arith.constant 0 : i32
      %dma_wait3A_545 = tpu.memref_slice %arg5[%run_scoped3A_7, %dma_wait3A] : memref<6x128xf32, #tpu.memory_space<vmem>> -> memref<1x128xf32, #tpu.memory_space<vmem>>
      %dma_wait3A_546 = tpu.memref_squeeze %dma_wait3A_545 : memref<1x128xf32, #tpu.memory_space<vmem>> -> memref<128xf32, #tpu.memory_space<vmem>>
      %dma_wait3A_547 = tpu.memref_slice %arg2[%run_scoped3A_6, %mul3A_2] : memref<8x4096xf32, #tpu.memory_space<hbm>> -> memref<1x128xf32, #tpu.memory_space<hbm>>
      %dma_wait3A_548 = tpu.memref_squeeze %dma_wait3A_547 : memref<1x128xf32, #tpu.memory_space<hbm>> -> memref<128xf32, #tpu.memory_space<hbm>>
      %dma_wait3A_549 = arith.constant 0 : i32
      %dma_wait3A_550 = tpu.memref_slice %arg5[%run_scoped3A_7, %dma_wait3A_549] : memref<6x128xf32, #tpu.memory_space<vmem>> -> memref<1x128xf32, #tpu.memory_space<vmem>>
      %dma_wait3A_551 = tpu.memref_squeeze %dma_wait3A_550 : memref<1x128xf32, #tpu.memory_space<vmem>> -> memref<128xf32, #tpu.memory_space<vmem>>
      %dma_wait3A_552 = tpu.memref_slice %arg2[%run_scoped3A_6, %mul3A_2] : memref<8x4096xf32, #tpu.memory_space<hbm>> -> memref<1x128xf32, #tpu.memory_space<hbm>>
      %dma_wait3A_553 = tpu.memref_squeeze %dma_wait3A_552 : memref<1x128xf32, #tpu.memory_space<hbm>> -> memref<128xf32, #tpu.memory_space<hbm>>
      tpu.wait_dma2 semaphore(%run_scoped3A_535 : memref<!tpu.dma_semaphore, #tpu.memory_space<semaphore_mem>>) src(%dma_wait3A_553 : memref<128xf32, #tpu.memory_space<hbm>>) dst(%dma_wait3A_551 : memref<128xf32, #tpu.memory_space<vmem>>)
      tpu.yield
    }) : () -> ()
    %run_scoped3A_8 = arith.constant 1 : i32
    %run_scoped3A_9 = arith.constant 1 : i32
    "tpu.region"() ({
      %run_scoped3A_535 = tpu.sem_alloc : memref<!tpu.dma_semaphore, #tpu.memory_space<semaphore_mem>>
      %dma_start3A = arith.constant 0 : i32
      %dma_start3A_536 = tpu.memref_slice %arg6[%run_scoped3A_9, %dma_start3A] : memref<6x128xf32, #tpu.memory_space<vmem>> -> memref<1x128xf32, #tpu.memory_space<vmem>>
      %dma_start3A_537 = tpu.memref_squeeze %dma_start3A_536 : memref<1x128xf32, #tpu.memory_space<vmem>> -> memref<128xf32, #tpu.memory_space<vmem>>
      %dma_start3A_538 = tpu.memref_slice %arg3[%run_scoped3A_8, %mul3A_2] : memref<6x4096xf32, #tpu.memory_space<hbm>> -> memref<1x128xf32, #tpu.memory_space<hbm>>
      %dma_start3A_539 = tpu.memref_squeeze %dma_start3A_538 : memref<1x128xf32, #tpu.memory_space<hbm>> -> memref<128xf32, #tpu.memory_space<hbm>>
      %dma_start3A_540 = arith.constant 0 : i32
      %dma_start3A_541 = tpu.memref_slice %arg6[%run_scoped3A_9, %dma_start3A_540] : memref<6x128xf32, #tpu.memory_space<vmem>> -> memref<1x128xf32, #tpu.memory_space<vmem>>
      %dma_start3A_542 = tpu.memref_squeeze %dma_start3A_541 : memref<1x128xf32, #tpu.memory_space<vmem>> -> memref<128xf32, #tpu.memory_space<vmem>>
      %dma_start3A_543 = tpu.memref_slice %arg3[%run_scoped3A_8, %mul3A_2] : memref<6x4096xf32, #tpu.memory_space<hbm>> -> memref<1x128xf32, #tpu.memory_space<hbm>>
      %dma_start3A_544 = tpu.memref_squeeze %dma_start3A_543 : memref<1x128xf32, #tpu.memory_space<hbm>> -> memref<128xf32, #tpu.memory_space<hbm>>
      tpu.enqueue_dma source(%dma_start3A_544 : memref<128xf32, #tpu.memory_space<hbm>>) target(%dma_start3A_542 : memref<128xf32, #tpu.memory_space<vmem>>) target_semaphore(%run_scoped3A_535 : memref<!tpu.dma_semaphore, #tpu.memory_space<semaphore_mem>>)
      %dma_wait3A = arith.constant 0 : i32
      %dma_wait3A_545 = tpu.memref_slice %arg6[%run_scoped3A_9, %dma_wait3A] : memref<6x128xf32, #tpu.memory_space<vmem>> -> memref<1x128xf32, #tpu.memory_space<vmem>>
      %dma_wait3A_546 = tpu.memref_squeeze %dma_wait3A_545 : memref<1x128xf32, #tpu.memory_space<vmem>> -> memref<128xf32, #tpu.memory_space<vmem>>
      %dma_wait3A_547 = tpu.memref_slice %arg3[%run_scoped3A_8, %mul3A_2] : memref<6x4096xf32, #tpu.memory_space<hbm>> -> memref<1x128xf32, #tpu.memory_space<hbm>>
      %dma_wait3A_548 = tpu.memref_squeeze %dma_wait3A_547 : memref<1x128xf32, #tpu.memory_space<hbm>> -> memref<128xf32, #tpu.memory_space<hbm>>
      %dma_wait3A_549 = arith.constant 0 : i32
      %dma_wait3A_550 = tpu.memref_slice %arg6[%run_scoped3A_9, %dma_wait3A_549] : memref<6x128xf32, #tpu.memory_space<vmem>> -> memref<1x128xf32, #tpu.memory_space<vmem>>
      %dma_wait3A_551 = tpu.memref_squeeze %dma_wait3A_550 : memref<1x128xf32, #tpu.memory_space<vmem>> -> memref<128xf32, #tpu.memory_space<vmem>>
      %dma_wait3A_552 = tpu.memref_slice %arg3[%run_scoped3A_8, %mul3A_2] : memref<6x4096xf32, #tpu.memory_space<hbm>> -> memref<1x128xf32, #tpu.memory_space<hbm>>
      %dma_wait3A_553 = tpu.memref_squeeze %dma_wait3A_552 : memref<1x128xf32, #tpu.memory_space<hbm>> -> memref<128xf32, #tpu.memory_space<hbm>>
      tpu.wait_dma2 semaphore(%run_scoped3A_535 : memref<!tpu.dma_semaphore, #tpu.memory_space<semaphore_mem>>) src(%dma_wait3A_553 : memref<128xf32, #tpu.memory_space<hbm>>) dst(%dma_wait3A_551 : memref<128xf32, #tpu.memory_space<vmem>>)
      tpu.yield
    }) : () -> ()
    %run_scoped3A_10 = arith.constant 2 : i32
    %run_scoped3A_11 = arith.constant 2 : i32
    "tpu.region"() ({
      %run_scoped3A_535 = tpu.sem_alloc : memref<!tpu.dma_semaphore, #tpu.memory_space<semaphore_mem>>
      %dma_start3A = arith.constant 0 : i32
      %dma_start3A_536 = tpu.memref_slice %arg5[%run_scoped3A_11, %dma_start3A] : memref<6x128xf32, #tpu.memory_space<vmem>> -> memref<1x128xf32, #tpu.memory_space<vmem>>
      %dma_start3A_537 = tpu.memref_squeeze %dma_start3A_536 : memref<1x128xf32, #tpu.memory_space<vmem>> -> memref<128xf32, #tpu.memory_space<vmem>>
      %dma_start3A_538 = tpu.memref_slice %arg2[%run_scoped3A_10, %mul3A_2] : memref<8x4096xf32, #tpu.memory_space<hbm>> -> memref<1x128xf32, #tpu.memory_space<hbm>>
      %dma_start3A_539 = tpu.memref_squeeze %dma_start3A_538 : memref<1x128xf32, #tpu.memory_space<hbm>> -> memref<128xf32, #tpu.memory_space<hbm>>
      %dma_start3A_540 = arith.constant 0 : i32
      %dma_start3A_541 = tpu.memref_slice %arg5[%run_scoped3A_11, %dma_start3A_540] : memref<6x128xf32, #tpu.memory_space<vmem>> -> memref<1x128xf32, #tpu.memory_space<vmem>>
      %dma_start3A_542 = tpu.memref_squeeze %dma_start3A_541 : memref<1x128xf32, #tpu.memory_space<vmem>> -> memref<128xf32, #tpu.memory_space<vmem>>
      %dma_start3A_543 = tpu.memref_slice %arg2[%run_scoped3A_10, %mul3A_2] : memref<8x4096xf32, #tpu.memory_space<hbm>> -> memref<1x128xf32, #tpu.memory_space<hbm>>
      %dma_start3A_544 = tpu.memref_squeeze %dma_start3A_543 : memref<1x128xf32, #tpu.memory_space<hbm>> -> memref<128xf32, #tpu.memory_space<hbm>>
      tpu.enqueue_dma source(%dma_start3A_544 : memref<128xf32, #tpu.memory_space<hbm>>) target(%dma_start3A_542 : memref<128xf32, #tpu.memory_space<vmem>>) target_semaphore(%run_scoped3A_535 : memref<!tpu.dma_semaphore, #tpu.memory_space<semaphore_mem>>)
      %dma_wait3A = arith.constant 0 : i32
      %dma_wait3A_545 = tpu.memref_slice %arg5[%run_scoped3A_11, %dma_wait3A] : memref<6x128xf32, #tpu.memory_space<vmem>> -> memref<1x128xf32, #tpu.memory_space<vmem>>
      %dma_wait3A_546 = tpu.memref_squeeze %dma_wait3A_545 : memref<1x128xf32, #tpu.memory_space<vmem>> -> memref<128xf32, #tpu.memory_space<vmem>>
      %dma_wait3A_547 = tpu.memref_slice %arg2[%run_scoped3A_10, %mul3A_2] : memref<8x4096xf32, #tpu.memory_space<hbm>> -> memref<1x128xf32, #tpu.memory_space<hbm>>
      %dma_wait3A_548 = tpu.memref_squeeze %dma_wait3A_547 : memref<1x128xf32, #tpu.memory_space<hbm>> -> memref<128xf32, #tpu.memory_space<hbm>>
      %dma_wait3A_549 = arith.constant 0 : i32
      %dma_wait3A_550 = tpu.memref_slice %arg5[%run_scoped3A_11, %dma_wait3A_549] : memref<6x128xf32, #tpu.memory_space<vmem>> -> memref<1x128xf32, #tpu.memory_space<vmem>>
      %dma_wait3A_551 = tpu.memref_squeeze %dma_wait3A_550 : memref<1x128xf32, #tpu.memory_space<vmem>> -> memref<128xf32, #tpu.memory_space<vmem>>
      %dma_wait3A_552 = tpu.memref_slice %arg2[%run_scoped3A_10, %mul3A_2] : memref<8x4096xf32, #tpu.memory_space<hbm>> -> memref<1x128xf32, #tpu.memory_space<hbm>>
      %dma_wait3A_553 = tpu.memref_squeeze %dma_wait3A_552 : memref<1x128xf32, #tpu.memory_space<hbm>> -> memref<128xf32, #tpu.memory_space<hbm>>
      tpu.wait_dma2 semaphore(%run_scoped3A_535 : memref<!tpu.dma_semaphore, #tpu.memory_space<semaphore_mem>>) src(%dma_wait3A_553 : memref<128xf32, #tpu.memory_space<hbm>>) dst(%dma_wait3A_551 : memref<128xf32, #tpu.memory_space<vmem>>)
      tpu.yield
    }) : () -> ()
    %run_scoped3A_12 = arith.constant 2 : i32
    %run_scoped3A_13 = arith.constant 2 : i32
    "tpu.region"() ({
      %run_scoped3A_535 = tpu.sem_alloc : memref<!tpu.dma_semaphore, #tpu.memory_space<semaphore_mem>>
      %dma_start3A = arith.constant 0 : i32
      %dma_start3A_536 = tpu.memref_slice %arg6[%run_scoped3A_13, %dma_start3A] : memref<6x128xf32, #tpu.memory_space<vmem>> -> memref<1x128xf32, #tpu.memory_space<vmem>>
      %dma_start3A_537 = tpu.memref_squeeze %dma_start3A_536 : memref<1x128xf32, #tpu.memory_space<vmem>> -> memref<128xf32, #tpu.memory_space<vmem>>
      %dma_start3A_538 = tpu.memref_slice %arg3[%run_scoped3A_12, %mul3A_2] : memref<6x4096xf32, #tpu.memory_space<hbm>> -> memref<1x128xf32, #tpu.memory_space<hbm>>
      %dma_start3A_539 = tpu.memref_squeeze %dma_start3A_538 : memref<1x128xf32, #tpu.memory_space<hbm>> -> memref<128xf32, #tpu.memory_space<hbm>>
      %dma_start3A_540 = arith.constant 0 : i32
      %dma_start3A_541 = tpu.memref_slice %arg6[%run_scoped3A_13, %dma_start3A_540] : memref<6x128xf32, #tpu.memory_space<vmem>> -> memref<1x128xf32, #tpu.memory_space<vmem>>
      %dma_start3A_542 = tpu.memref_squeeze %dma_start3A_541 : memref<1x128xf32, #tpu.memory_space<vmem>> -> memref<128xf32, #tpu.memory_space<vmem>>
      %dma_start3A_543 = tpu.memref_slice %arg3[%run_scoped3A_12, %mul3A_2] : memref<6x4096xf32, #tpu.memory_space<hbm>> -> memref<1x128xf32, #tpu.memory_space<hbm>>
      %dma_start3A_544 = tpu.memref_squeeze %dma_start3A_543 : memref<1x128xf32, #tpu.memory_space<hbm>> -> memref<128xf32, #tpu.memory_space<hbm>>
      tpu.enqueue_dma source(%dma_start3A_544 : memref<128xf32, #tpu.memory_space<hbm>>) target(%dma_start3A_542 : memref<128xf32, #tpu.memory_space<vmem>>) target_semaphore(%run_scoped3A_535 : memref<!tpu.dma_semaphore, #tpu.memory_space<semaphore_mem>>)
      %dma_wait3A = arith.constant 0 : i32
      %dma_wait3A_545 = tpu.memref_slice %arg6[%run_scoped3A_13, %dma_wait3A] : memref<6x128xf32, #tpu.memory_space<vmem>> -> memref<1x128xf32, #tpu.memory_space<vmem>>
      %dma_wait3A_546 = tpu.memref_squeeze %dma_wait3A_545 : memref<1x128xf32, #tpu.memory_space<vmem>> -> memref<128xf32, #tpu.memory_space<vmem>>
      %dma_wait3A_547 = tpu.memref_slice %arg3[%run_scoped3A_12, %mul3A_2] : memref<6x4096xf32, #tpu.memory_space<hbm>> -> memref<1x128xf32, #tpu.memory_space<hbm>>
      %dma_wait3A_548 = tpu.memref_squeeze %dma_wait3A_547 : memref<1x128xf32, #tpu.memory_space<hbm>> -> memref<128xf32, #tpu.memory_space<hbm>>
      %dma_wait3A_549 = arith.constant 0 : i32
      %dma_wait3A_550 = tpu.memref_slice %arg6[%run_scoped3A_13, %dma_wait3A_549] : memref<6x128xf32, #tpu.memory_space<vmem>> -> memref<1x128xf32, #tpu.memory_space<vmem>>
      %dma_wait3A_551 = tpu.memref_squeeze %dma_wait3A_550 : memref<1x128xf32, #tpu.memory_space<vmem>> -> memref<128xf32, #tpu.memory_space<vmem>>
      %dma_wait3A_552 = tpu.memref_slice %arg3[%run_scoped3A_12, %mul3A_2] : memref<6x4096xf32, #tpu.memory_space<hbm>> -> memref<1x128xf32, #tpu.memory_space<hbm>>
      %dma_wait3A_553 = tpu.memref_squeeze %dma_wait3A_552 : memref<1x128xf32, #tpu.memory_space<hbm>> -> memref<128xf32, #tpu.memory_space<hbm>>
      tpu.wait_dma2 semaphore(%run_scoped3A_535 : memref<!tpu.dma_semaphore, #tpu.memory_space<semaphore_mem>>) src(%dma_wait3A_553 : memref<128xf32, #tpu.memory_space<hbm>>) dst(%dma_wait3A_551 : memref<128xf32, #tpu.memory_space<vmem>>)
      tpu.yield
    }) : () -> ()
    %run_scoped3A_14 = arith.constant 3 : i32
    %run_scoped3A_15 = arith.constant 3 : i32
    "tpu.region"() ({
      %run_scoped3A_535 = tpu.sem_alloc : memref<!tpu.dma_semaphore, #tpu.memory_space<semaphore_mem>>
      %dma_start3A = arith.constant 0 : i32
      %dma_start3A_536 = tpu.memref_slice %arg5[%run_scoped3A_15, %dma_start3A] : memref<6x128xf32, #tpu.memory_space<vmem>> -> memref<1x128xf32, #tpu.memory_space<vmem>>
      %dma_start3A_537 = tpu.memref_squeeze %dma_start3A_536 : memref<1x128xf32, #tpu.memory_space<vmem>> -> memref<128xf32, #tpu.memory_space<vmem>>
      %dma_start3A_538 = tpu.memref_slice %arg2[%run_scoped3A_14, %mul3A_2] : memref<8x4096xf32, #tpu.memory_space<hbm>> -> memref<1x128xf32, #tpu.memory_space<hbm>>
      %dma_start3A_539 = tpu.memref_squeeze %dma_start3A_538 : memref<1x128xf32, #tpu.memory_space<hbm>> -> memref<128xf32, #tpu.memory_space<hbm>>
      %dma_start3A_540 = arith.constant 0 : i32
      %dma_start3A_541 = tpu.memref_slice %arg5[%run_scoped3A_15, %dma_start3A_540] : memref<6x128xf32, #tpu.memory_space<vmem>> -> memref<1x128xf32, #tpu.memory_space<vmem>>
      %dma_start3A_542 = tpu.memref_squeeze %dma_start3A_541 : memref<1x128xf32, #tpu.memory_space<vmem>> -> memref<128xf32, #tpu.memory_space<vmem>>
      %dma_start3A_543 = tpu.memref_slice %arg2[%run_scoped3A_14, %mul3A_2] : memref<8x4096xf32, #tpu.memory_space<hbm>> -> memref<1x128xf32, #tpu.memory_space<hbm>>
      %dma_start3A_544 = tpu.memref_squeeze %dma_start3A_543 : memref<1x128xf32, #tpu.memory_space<hbm>> -> memref<128xf32, #tpu.memory_space<hbm>>
      tpu.enqueue_dma source(%dma_start3A_544 : memref<128xf32, #tpu.memory_space<hbm>>) target(%dma_start3A_542 : memref<128xf32, #tpu.memory_space<vmem>>) target_semaphore(%run_scoped3A_535 : memref<!tpu.dma_semaphore, #tpu.memory_space<semaphore_mem>>)
      %dma_wait3A = arith.constant 0 : i32
      %dma_wait3A_545 = tpu.memref_slice %arg5[%run_scoped3A_15, %dma_wait3A] : memref<6x128xf32, #tpu.memory_space<vmem>> -> memref<1x128xf32, #tpu.memory_space<vmem>>
      %dma_wait3A_546 = tpu.memref_squeeze %dma_wait3A_545 : memref<1x128xf32, #tpu.memory_space<vmem>> -> memref<128xf32, #tpu.memory_space<vmem>>
      %dma_wait3A_547 = tpu.memref_slice %arg2[%run_scoped3A_14, %mul3A_2] : memref<8x4096xf32, #tpu.memory_space<hbm>> -> memref<1x128xf32, #tpu.memory_space<hbm>>
      %dma_wait3A_548 = tpu.memref_squeeze %dma_wait3A_547 : memref<1x128xf32, #tpu.memory_space<hbm>> -> memref<128xf32, #tpu.memory_space<hbm>>
      %dma_wait3A_549 = arith.constant 0 : i32
      %dma_wait3A_550 = tpu.memref_slice %arg5[%run_scoped3A_15, %dma_wait3A_549] : memref<6x128xf32, #tpu.memory_space<vmem>> -> memref<1x128xf32, #tpu.memory_space<vmem>>
      %dma_wait3A_551 = tpu.memref_squeeze %dma_wait3A_550 : memref<1x128xf32, #tpu.memory_space<vmem>> -> memref<128xf32, #tpu.memory_space<vmem>>
      %dma_wait3A_552 = tpu.memref_slice %arg2[%run_scoped3A_14, %mul3A_2] : memref<8x4096xf32, #tpu.memory_space<hbm>> -> memref<1x128xf32, #tpu.memory_space<hbm>>
      %dma_wait3A_553 = tpu.memref_squeeze %dma_wait3A_552 : memref<1x128xf32, #tpu.memory_space<hbm>> -> memref<128xf32, #tpu.memory_space<hbm>>
      tpu.wait_dma2 semaphore(%run_scoped3A_535 : memref<!tpu.dma_semaphore, #tpu.memory_space<semaphore_mem>>) src(%dma_wait3A_553 : memref<128xf32, #tpu.memory_space<hbm>>) dst(%dma_wait3A_551 : memref<128xf32, #tpu.memory_space<vmem>>)
      tpu.yield
    }) : () -> ()
    %run_scoped3A_16 = arith.constant 3 : i32
    %run_scoped3A_17 = arith.constant 3 : i32
    "tpu.region"() ({
      %run_scoped3A_535 = tpu.sem_alloc : memref<!tpu.dma_semaphore, #tpu.memory_space<semaphore_mem>>
      %dma_start3A = arith.constant 0 : i32
      %dma_start3A_536 = tpu.memref_slice %arg6[%run_scoped3A_17, %dma_start3A] : memref<6x128xf32, #tpu.memory_space<vmem>> -> memref<1x128xf32, #tpu.memory_space<vmem>>
      %dma_start3A_537 = tpu.memref_squeeze %dma_start3A_536 : memref<1x128xf32, #tpu.memory_space<vmem>> -> memref<128xf32, #tpu.memory_space<vmem>>
      %dma_start3A_538 = tpu.memref_slice %arg3[%run_scoped3A_16, %mul3A_2] : memref<6x4096xf32, #tpu.memory_space<hbm>> -> memref<1x128xf32, #tpu.memory_space<hbm>>
      %dma_start3A_539 = tpu.memref_squeeze %dma_start3A_538 : memref<1x128xf32, #tpu.memory_space<hbm>> -> memref<128xf32, #tpu.memory_space<hbm>>
      %dma_start3A_540 = arith.constant 0 : i32
      %dma_start3A_541 = tpu.memref_slice %arg6[%run_scoped3A_17, %dma_start3A_540] : memref<6x128xf32, #tpu.memory_space<vmem>> -> memref<1x128xf32, #tpu.memory_space<vmem>>
      %dma_start3A_542 = tpu.memref_squeeze %dma_start3A_541 : memref<1x128xf32, #tpu.memory_space<vmem>> -> memref<128xf32, #tpu.memory_space<vmem>>
      %dma_start3A_543 = tpu.memref_slice %arg3[%run_scoped3A_16, %mul3A_2] : memref<6x4096xf32, #tpu.memory_space<hbm>> -> memref<1x128xf32, #tpu.memory_space<hbm>>
      %dma_start3A_544 = tpu.memref_squeeze %dma_start3A_543 : memref<1x128xf32, #tpu.memory_space<hbm>> -> memref<128xf32, #tpu.memory_space<hbm>>
      tpu.enqueue_dma source(%dma_start3A_544 : memref<128xf32, #tpu.memory_space<hbm>>) target(%dma_start3A_542 : memref<128xf32, #tpu.memory_space<vmem>>) target_semaphore(%run_scoped3A_535 : memref<!tpu.dma_semaphore, #tpu.memory_space<semaphore_mem>>)
      %dma_wait3A = arith.constant 0 : i32
      %dma_wait3A_545 = tpu.memref_slice %arg6[%run_scoped3A_17, %dma_wait3A] : memref<6x128xf32, #tpu.memory_space<vmem>> -> memref<1x128xf32, #tpu.memory_space<vmem>>
      %dma_wait3A_546 = tpu.memref_squeeze %dma_wait3A_545 : memref<1x128xf32, #tpu.memory_space<vmem>> -> memref<128xf32, #tpu.memory_space<vmem>>
      %dma_wait3A_547 = tpu.memref_slice %arg3[%run_scoped3A_16, %mul3A_2] : memref<6x4096xf32, #tpu.memory_space<hbm>> -> memref<1x128xf32, #tpu.memory_space<hbm>>
      %dma_wait3A_548 = tpu.memref_squeeze %dma_wait3A_547 : memref<1x128xf32, #tpu.memory_space<hbm>> -> memref<128xf32, #tpu.memory_space<hbm>>
      %dma_wait3A_549 = arith.constant 0 : i32
      %dma_wait3A_550 = tpu.memref_slice %arg6[%run_scoped3A_17, %dma_wait3A_549] : memref<6x128xf32, #tpu.memory_space<vmem>> -> memref<1x128xf32, #tpu.memory_space<vmem>>
      %dma_wait3A_551 = tpu.memref_squeeze %dma_wait3A_550 : memref<1x128xf32, #tpu.memory_space<vmem>> -> memref<128xf32, #tpu.memory_space<vmem>>
      %dma_wait3A_552 = tpu.memref_slice %arg3[%run_scoped3A_16, %mul3A_2] : memref<6x4096xf32, #tpu.memory_space<hbm>> -> memref<1x128xf32, #tpu.memory_space<hbm>>
      %dma_wait3A_553 = tpu.memref_squeeze %dma_wait3A_552 : memref<1x128xf32, #tpu.memory_space<hbm>> -> memref<128xf32, #tpu.memory_space<hbm>>
      tpu.wait_dma2 semaphore(%run_scoped3A_535 : memref<!tpu.dma_semaphore, #tpu.memory_space<semaphore_mem>>) src(%dma_wait3A_553 : memref<128xf32, #tpu.memory_space<hbm>>) dst(%dma_wait3A_551 : memref<128xf32, #tpu.memory_space<vmem>>)
      tpu.yield
    }) : () -> ()
    %run_scoped3A_18 = arith.constant 4 : i32
    %run_scoped3A_19 = arith.constant 4 : i32
    "tpu.region"() ({
      %run_scoped3A_535 = tpu.sem_alloc : memref<!tpu.dma_semaphore, #tpu.memory_space<semaphore_mem>>
      %dma_start3A = arith.constant 0 : i32
      %dma_start3A_536 = tpu.memref_slice %arg5[%run_scoped3A_19, %dma_start3A] : memref<6x128xf32, #tpu.memory_space<vmem>> -> memref<1x128xf32, #tpu.memory_space<vmem>>
      %dma_start3A_537 = tpu.memref_squeeze %dma_start3A_536 : memref<1x128xf32, #tpu.memory_space<vmem>> -> memref<128xf32, #tpu.memory_space<vmem>>
      %dma_start3A_538 = tpu.memref_slice %arg2[%run_scoped3A_18, %mul3A_2] : memref<8x4096xf32, #tpu.memory_space<hbm>> -> memref<1x128xf32, #tpu.memory_space<hbm>>
      %dma_start3A_539 = tpu.memref_squeeze %dma_start3A_538 : memref<1x128xf32, #tpu.memory_space<hbm>> -> memref<128xf32, #tpu.memory_space<hbm>>
      %dma_start3A_540 = arith.constant 0 : i32
      %dma_start3A_541 = tpu.memref_slice %arg5[%run_scoped3A_19, %dma_start3A_540] : memref<6x128xf32, #tpu.memory_space<vmem>> -> memref<1x128xf32, #tpu.memory_space<vmem>>
      %dma_start3A_542 = tpu.memref_squeeze %dma_start3A_541 : memref<1x128xf32, #tpu.memory_space<vmem>> -> memref<128xf32, #tpu.memory_space<vmem>>
      %dma_start3A_543 = tpu.memref_slice %arg2[%run_scoped3A_18, %mul3A_2] : memref<8x4096xf32, #tpu.memory_space<hbm>> -> memref<1x128xf32, #tpu.memory_space<hbm>>
      %dma_start3A_544 = tpu.memref_squeeze %dma_start3A_543 : memref<1x128xf32, #tpu.memory_space<hbm>> -> memref<128xf32, #tpu.memory_space<hbm>>
      tpu.enqueue_dma source(%dma_start3A_544 : memref<128xf32, #tpu.memory_space<hbm>>) target(%dma_start3A_542 : memref<128xf32, #tpu.memory_space<vmem>>) target_semaphore(%run_scoped3A_535 : memref<!tpu.dma_semaphore, #tpu.memory_space<semaphore_mem>>)
      %dma_wait3A = arith.constant 0 : i32
      %dma_wait3A_545 = tpu.memref_slice %arg5[%run_scoped3A_19, %dma_wait3A] : memref<6x128xf32, #tpu.memory_space<vmem>> -> memref<1x128xf32, #tpu.memory_space<vmem>>
      %dma_wait3A_546 = tpu.memref_squeeze %dma_wait3A_545 : memref<1x128xf32, #tpu.memory_space<vmem>> -> memref<128xf32, #tpu.memory_space<vmem>>
      %dma_wait3A_547 = tpu.memref_slice %arg2[%run_scoped3A_18, %mul3A_2] : memref<8x4096xf32, #tpu.memory_space<hbm>> -> memref<1x128xf32, #tpu.memory_space<hbm>>
      %dma_wait3A_548 = tpu.memref_squeeze %dma_wait3A_547 : memref<1x128xf32, #tpu.memory_space<hbm>> -> memref<128xf32, #tpu.memory_space<hbm>>
      %dma_wait3A_549 = arith.constant 0 : i32
      %dma_wait3A_550 = tpu.memref_slice %arg5[%run_scoped3A_19, %dma_wait3A_549] : memref<6x128xf32, #tpu.memory_space<vmem>> -> memref<1x128xf32, #tpu.memory_space<vmem>>
      %dma_wait3A_551 = tpu.memref_squeeze %dma_wait3A_550 : memref<1x128xf32, #tpu.memory_space<vmem>> -> memref<128xf32, #tpu.memory_space<vmem>>
      %dma_wait3A_552 = tpu.memref_slice %arg2[%run_scoped3A_18, %mul3A_2] : memref<8x4096xf32, #tpu.memory_space<hbm>> -> memref<1x128xf32, #tpu.memory_space<hbm>>
      %dma_wait3A_553 = tpu.memref_squeeze %dma_wait3A_552 : memref<1x128xf32, #tpu.memory_space<hbm>> -> memref<128xf32, #tpu.memory_space<hbm>>
      tpu.wait_dma2 semaphore(%run_scoped3A_535 : memref<!tpu.dma_semaphore, #tpu.memory_space<semaphore_mem>>) src(%dma_wait3A_553 : memref<128xf32, #tpu.memory_space<hbm>>) dst(%dma_wait3A_551 : memref<128xf32, #tpu.memory_space<vmem>>)
      tpu.yield
    }) : () -> ()
    %run_scoped3A_20 = arith.constant 4 : i32
    %run_scoped3A_21 = arith.constant 4 : i32
    "tpu.region"() ({
      %run_scoped3A_535 = tpu.sem_alloc : memref<!tpu.dma_semaphore, #tpu.memory_space<semaphore_mem>>
      %dma_start3A = arith.constant 0 : i32
      %dma_start3A_536 = tpu.memref_slice %arg6[%run_scoped3A_21, %dma_start3A] : memref<6x128xf32, #tpu.memory_space<vmem>> -> memref<1x128xf32, #tpu.memory_space<vmem>>
      %dma_start3A_537 = tpu.memref_squeeze %dma_start3A_536 : memref<1x128xf32, #tpu.memory_space<vmem>> -> memref<128xf32, #tpu.memory_space<vmem>>
      %dma_start3A_538 = tpu.memref_slice %arg3[%run_scoped3A_20, %mul3A_2] : memref<6x4096xf32, #tpu.memory_space<hbm>> -> memref<1x128xf32, #tpu.memory_space<hbm>>
      %dma_start3A_539 = tpu.memref_squeeze %dma_start3A_538 : memref<1x128xf32, #tpu.memory_space<hbm>> -> memref<128xf32, #tpu.memory_space<hbm>>
      %dma_start3A_540 = arith.constant 0 : i32
      %dma_start3A_541 = tpu.memref_slice %arg6[%run_scoped3A_21, %dma_start3A_540] : memref<6x128xf32, #tpu.memory_space<vmem>> -> memref<1x128xf32, #tpu.memory_space<vmem>>
      %dma_start3A_542 = tpu.memref_squeeze %dma_start3A_541 : memref<1x128xf32, #tpu.memory_space<vmem>> -> memref<128xf32, #tpu.memory_space<vmem>>
      %dma_start3A_543 = tpu.memref_slice %arg3[%run_scoped3A_20, %mul3A_2] : memref<6x4096xf32, #tpu.memory_space<hbm>> -> memref<1x128xf32, #tpu.memory_space<hbm>>
      %dma_start3A_544 = tpu.memref_squeeze %dma_start3A_543 : memref<1x128xf32, #tpu.memory_space<hbm>> -> memref<128xf32, #tpu.memory_space<hbm>>
      tpu.enqueue_dma source(%dma_start3A_544 : memref<128xf32, #tpu.memory_space<hbm>>) target(%dma_start3A_542 : memref<128xf32, #tpu.memory_space<vmem>>) target_semaphore(%run_scoped3A_535 : memref<!tpu.dma_semaphore, #tpu.memory_space<semaphore_mem>>)
      %dma_wait3A = arith.constant 0 : i32
      %dma_wait3A_545 = tpu.memref_slice %arg6[%run_scoped3A_21, %dma_wait3A] : memref<6x128xf32, #tpu.memory_space<vmem>> -> memref<1x128xf32, #tpu.memory_space<vmem>>
      %dma_wait3A_546 = tpu.memref_squeeze %dma_wait3A_545 : memref<1x128xf32, #tpu.memory_space<vmem>> -> memref<128xf32, #tpu.memory_space<vmem>>
      %dma_wait3A_547 = tpu.memref_slice %arg3[%run_scoped3A_20, %mul3A_2] : memref<6x4096xf32, #tpu.memory_space<hbm>> -> memref<1x128xf32, #tpu.memory_space<hbm>>
      %dma_wait3A_548 = tpu.memref_squeeze %dma_wait3A_547 : memref<1x128xf32, #tpu.memory_space<hbm>> -> memref<128xf32, #tpu.memory_space<hbm>>
      %dma_wait3A_549 = arith.constant 0 : i32
      %dma_wait3A_550 = tpu.memref_slice %arg6[%run_scoped3A_21, %dma_wait3A_549] : memref<6x128xf32, #tpu.memory_space<vmem>> -> memref<1x128xf32, #tpu.memory_space<vmem>>
      %dma_wait3A_551 = tpu.memref_squeeze %dma_wait3A_550 : memref<1x128xf32, #tpu.memory_space<vmem>> -> memref<128xf32, #tpu.memory_space<vmem>>
      %dma_wait3A_552 = tpu.memref_slice %arg3[%run_scoped3A_20, %mul3A_2] : memref<6x4096xf32, #tpu.memory_space<hbm>> -> memref<1x128xf32, #tpu.memory_space<hbm>>
      %dma_wait3A_553 = tpu.memref_squeeze %dma_wait3A_552 : memref<1x128xf32, #tpu.memory_space<hbm>> -> memref<128xf32, #tpu.memory_space<hbm>>
      tpu.wait_dma2 semaphore(%run_scoped3A_535 : memref<!tpu.dma_semaphore, #tpu.memory_space<semaphore_mem>>) src(%dma_wait3A_553 : memref<128xf32, #tpu.memory_space<hbm>>) dst(%dma_wait3A_551 : memref<128xf32, #tpu.memory_space<vmem>>)
      tpu.yield
    }) : () -> ()
    %run_scoped3A_22 = arith.constant 5 : i32
    %run_scoped3A_23 = arith.constant 5 : i32
    "tpu.region"() ({
      %run_scoped3A_535 = tpu.sem_alloc : memref<!tpu.dma_semaphore, #tpu.memory_space<semaphore_mem>>
      %dma_start3A = arith.constant 0 : i32
      %dma_start3A_536 = tpu.memref_slice %arg5[%run_scoped3A_23, %dma_start3A] : memref<6x128xf32, #tpu.memory_space<vmem>> -> memref<1x128xf32, #tpu.memory_space<vmem>>
      %dma_start3A_537 = tpu.memref_squeeze %dma_start3A_536 : memref<1x128xf32, #tpu.memory_space<vmem>> -> memref<128xf32, #tpu.memory_space<vmem>>
      %dma_start3A_538 = tpu.memref_slice %arg2[%run_scoped3A_22, %mul3A_2] : memref<8x4096xf32, #tpu.memory_space<hbm>> -> memref<1x128xf32, #tpu.memory_space<hbm>>
      %dma_start3A_539 = tpu.memref_squeeze %dma_start3A_538 : memref<1x128xf32, #tpu.memory_space<hbm>> -> memref<128xf32, #tpu.memory_space<hbm>>
      %dma_start3A_540 = arith.constant 0 : i32
      %dma_start3A_541 = tpu.memref_slice %arg5[%run_scoped3A_23, %dma_start3A_540] : memref<6x128xf32, #tpu.memory_space<vmem>> -> memref<1x128xf32, #tpu.memory_space<vmem>>
      %dma_start3A_542 = tpu.memref_squeeze %dma_start3A_541 : memref<1x128xf32, #tpu.memory_space<vmem>> -> memref<128xf32, #tpu.memory_space<vmem>>
      %dma_start3A_543 = tpu.memref_slice %arg2[%run_scoped3A_22, %mul3A_2] : memref<8x4096xf32, #tpu.memory_space<hbm>> -> memref<1x128xf32, #tpu.memory_space<hbm>>
      %dma_start3A_544 = tpu.memref_squeeze %dma_start3A_543 : memref<1x128xf32, #tpu.memory_space<hbm>> -> memref<128xf32, #tpu.memory_space<hbm>>
      tpu.enqueue_dma source(%dma_start3A_544 : memref<128xf32, #tpu.memory_space<hbm>>) target(%dma_start3A_542 : memref<128xf32, #tpu.memory_space<vmem>>) target_semaphore(%run_scoped3A_535 : memref<!tpu.dma_semaphore, #tpu.memory_space<semaphore_mem>>)
      %dma_wait3A = arith.constant 0 : i32
      %dma_wait3A_545 = tpu.memref_slice %arg5[%run_scoped3A_23, %dma_wait3A] : memref<6x128xf32, #tpu.memory_space<vmem>> -> memref<1x128xf32, #tpu.memory_space<vmem>>
      %dma_wait3A_546 = tpu.memref_squeeze %dma_wait3A_545 : memref<1x128xf32, #tpu.memory_space<vmem>> -> memref<128xf32, #tpu.memory_space<vmem>>
      %dma_wait3A_547 = tpu.memref_slice %arg2[%run_scoped3A_22, %mul3A_2] : memref<8x4096xf32, #tpu.memory_space<hbm>> -> memref<1x128xf32, #tpu.memory_space<hbm>>
      %dma_wait3A_548 = tpu.memref_squeeze %dma_wait3A_547 : memref<1x128xf32, #tpu.memory_space<hbm>> -> memref<128xf32, #tpu.memory_space<hbm>>
      %dma_wait3A_549 = arith.constant 0 : i32
      %dma_wait3A_550 = tpu.memref_slice %arg5[%run_scoped3A_23, %dma_wait3A_549] : memref<6x128xf32, #tpu.memory_space<vmem>> -> memref<1x128xf32, #tpu.memory_space<vmem>>
      %dma_wait3A_551 = tpu.memref_squeeze %dma_wait3A_550 : memref<1x128xf32, #tpu.memory_space<vmem>> -> memref<128xf32, #tpu.memory_space<vmem>>
      %dma_wait3A_552 = tpu.memref_slice %arg2[%run_scoped3A_22, %mul3A_2] : memref<8x4096xf32, #tpu.memory_space<hbm>> -> memref<1x128xf32, #tpu.memory_space<hbm>>
      %dma_wait3A_553 = tpu.memref_squeeze %dma_wait3A_552 : memref<1x128xf32, #tpu.memory_space<hbm>> -> memref<128xf32, #tpu.memory_space<hbm>>
      tpu.wait_dma2 semaphore(%run_scoped3A_535 : memref<!tpu.dma_semaphore, #tpu.memory_space<semaphore_mem>>) src(%dma_wait3A_553 : memref<128xf32, #tpu.memory_space<hbm>>) dst(%dma_wait3A_551 : memref<128xf32, #tpu.memory_space<vmem>>)
      tpu.yield
    }) : () -> ()
    %run_scoped3A_24 = arith.constant 5 : i32
    %run_scoped3A_25 = arith.constant 5 : i32
    "tpu.region"() ({
      %run_scoped3A_535 = tpu.sem_alloc : memref<!tpu.dma_semaphore, #tpu.memory_space<semaphore_mem>>
      %dma_start3A = arith.constant 0 : i32
      %dma_start3A_536 = tpu.memref_slice %arg6[%run_scoped3A_25, %dma_start3A] : memref<6x128xf32, #tpu.memory_space<vmem>> -> memref<1x128xf32, #tpu.memory_space<vmem>>
      %dma_start3A_537 = tpu.memref_squeeze %dma_start3A_536 : memref<1x128xf32, #tpu.memory_space<vmem>> -> memref<128xf32, #tpu.memory_space<vmem>>
      %dma_start3A_538 = tpu.memref_slice %arg3[%run_scoped3A_24, %mul3A_2] : memref<6x4096xf32, #tpu.memory_space<hbm>> -> memref<1x128xf32, #tpu.memory_space<hbm>>
      %dma_start3A_539 = tpu.memref_squeeze %dma_start3A_538 : memref<1x128xf32, #tpu.memory_space<hbm>> -> memref<128xf32, #tpu.memory_space<hbm>>
      %dma_start3A_540 = arith.constant 0 : i32
      %dma_start3A_541 = tpu.memref_slice %arg6[%run_scoped3A_25, %dma_start3A_540] : memref<6x128xf32, #tpu.memory_space<vmem>> -> memref<1x128xf32, #tpu.memory_space<vmem>>
      %dma_start3A_542 = tpu.memref_squeeze %dma_start3A_541 : memref<1x128xf32, #tpu.memory_space<vmem>> -> memref<128xf32, #tpu.memory_space<vmem>>
      %dma_start3A_543 = tpu.memref_slice %arg3[%run_scoped3A_24, %mul3A_2] : memref<6x4096xf32, #tpu.memory_space<hbm>> -> memref<1x128xf32, #tpu.memory_space<hbm>>
      %dma_start3A_544 = tpu.memref_squeeze %dma_start3A_543 : memref<1x128xf32, #tpu.memory_space<hbm>> -> memref<128xf32, #tpu.memory_space<hbm>>
      tpu.enqueue_dma source(%dma_start3A_544 : memref<128xf32, #tpu.memory_space<hbm>>) target(%dma_start3A_542 : memref<128xf32, #tpu.memory_space<vmem>>) target_semaphore(%run_scoped3A_535 : memref<!tpu.dma_semaphore, #tpu.memory_space<semaphore_mem>>)
      %dma_wait3A = arith.constant 0 : i32
      %dma_wait3A_545 = tpu.memref_slice %arg6[%run_scoped3A_25, %dma_wait3A] : memref<6x128xf32, #tpu.memory_space<vmem>> -> memref<1x128xf32, #tpu.memory_space<vmem>>
      %dma_wait3A_546 = tpu.memref_squeeze %dma_wait3A_545 : memref<1x128xf32, #tpu.memory_space<vmem>> -> memref<128xf32, #tpu.memory_space<vmem>>
      %dma_wait3A_547 = tpu.memref_slice %arg3[%run_scoped3A_24, %mul3A_2] : memref<6x4096xf32, #tpu.memory_space<hbm>> -> memref<1x128xf32, #tpu.memory_space<hbm>>
      %dma_wait3A_548 = tpu.memref_squeeze %dma_wait3A_547 : memref<1x128xf32, #tpu.memory_space<hbm>> -> memref<128xf32, #tpu.memory_space<hbm>>
      %dma_wait3A_549 = arith.constant 0 : i32
      %dma_wait3A_550 = tpu.memref_slice %arg6[%run_scoped3A_25, %dma_wait3A_549] : memref<6x128xf32, #tpu.memory_space<vmem>> -> memref<1x128xf32, #tpu.memory_space<vmem>>
      %dma_wait3A_551 = tpu.memref_squeeze %dma_wait3A_550 : memref<1x128xf32, #tpu.memory_space<vmem>> -> memref<128xf32, #tpu.memory_space<vmem>>
      %dma_wait3A_552 = tpu.memref_slice %arg3[%run_scoped3A_24, %mul3A_2] : memref<6x4096xf32, #tpu.memory_space<hbm>> -> memref<1x128xf32, #tpu.memory_space<hbm>>
      %dma_wait3A_553 = tpu.memref_squeeze %dma_wait3A_552 : memref<1x128xf32, #tpu.memory_space<hbm>> -> memref<128xf32, #tpu.memory_space<hbm>>
      tpu.wait_dma2 semaphore(%run_scoped3A_535 : memref<!tpu.dma_semaphore, #tpu.memory_space<semaphore_mem>>) src(%dma_wait3A_553 : memref<128xf32, #tpu.memory_space<hbm>>) dst(%dma_wait3A_551 : memref<128xf32, #tpu.memory_space<vmem>>)
      tpu.yield
    }) : () -> ()
    %get3A = arith.constant 0 : i32
    %get3A_26 = arith.index_cast %get3A : i32 to index
    %get3A_27 = arith.constant 0 : index
    %get3A_28 = tpu.vector_load %arg5[%get3A_26, %get3A_27] {strides = array<i32>} : memref<6x128xf32, #tpu.memory_space<vmem>>, vector<16xf32>,
    %get3A_29 = arith.constant 0 : i32
    %get3A_30 = arith.index_cast %get3A_29 : i32 to index
    %get3A_31 = arith.constant 0 : index
    %get3A_32 = tpu.vector_load %arg6[%get3A_30, %get3A_31] {strides = array<i32>} : memref<6x128xf32, #tpu.memory_space<vmem>>, vector<16xf32>,
    %mul3A_33 = arith.mulf %get3A_28, %get3A_32 : vector<16xf32>
    %get3A_34 = arith.constant 1 : i32
    %get3A_35 = arith.index_cast %get3A_34 : i32 to index
    %get3A_36 = arith.constant 0 : index
    %get3A_37 = tpu.vector_load %arg5[%get3A_35, %get3A_36] {strides = array<i32>} : memref<6x128xf32, #tpu.memory_space<vmem>>, vector<16xf32>,
    %get3A_38 = arith.constant 1 : i32
    %get3A_39 = arith.index_cast %get3A_38 : i32 to index
    %get3A_40 = arith.constant 0 : index
    %get3A_41 = tpu.vector_load %arg6[%get3A_39, %get3A_40] {strides = array<i32>} : memref<6x128xf32, #tpu.memory_space<vmem>>, vector<16xf32>,
    %mul3A_42 = arith.mulf %get3A_37, %get3A_41 : vector<16xf32>
    %add3A_43 = arith.addf %mul3A_33, %mul3A_42 : vector<16xf32>
    %get3A_44 = arith.constant 2 : i32
    %get3A_45 = arith.index_cast %get3A_44 : i32 to index
    %get3A_46 = arith.constant 0 : index
    %get3A_47 = tpu.vector_load %arg5[%get3A_45, %get3A_46] {strides = array<i32>} : memref<6x128xf32, #tpu.memory_space<vmem>>, vector<16xf32>,
    %get3A_48 = arith.constant 2 : i32
    %get3A_49 = arith.index_cast %get3A_48 : i32 to index
    %get3A_50 = arith.constant 0 : index
    %get3A_51 = tpu.vector_load %arg6[%get3A_49, %get3A_50] {strides = array<i32>} : memref<6x128xf32, #tpu.memory_space<vmem>>, vector<16xf32>,
    %mul3A_52 = arith.mulf %get3A_47, %get3A_51 : vector<16xf32>
    %add3A_53 = arith.addf %add3A_43, %mul3A_52 : vector<16xf32>
    %get3A_54 = arith.constant 3 : i32
    %get3A_55 = arith.index_cast %get3A_54 : i32 to index
    %get3A_56 = arith.constant 0 : index
    %get3A_57 = tpu.vector_load %arg5[%get3A_55, %get3A_56] {strides = array<i32>} : memref<6x128xf32, #tpu.memory_space<vmem>>, vector<16xf32>,
    %get3A_58 = arith.constant 3 : i32
    %get3A_59 = arith.index_cast %get3A_58 : i32 to index
    %get3A_60 = arith.constant 0 : index
    %get3A_61 = tpu.vector_load %arg6[%get3A_59, %get3A_60] {strides = array<i32>} : memref<6x128xf32, #tpu.memory_space<vmem>>, vector<16xf32>,
    %mul3A_62 = arith.mulf %get3A_57, %get3A_61 : vector<16xf32>
    %add3A_63 = arith.addf %add3A_53, %mul3A_62 : vector<16xf32>
    %get3A_64 = arith.constant 4 : i32
    %get3A_65 = arith.index_cast %get3A_64 : i32 to index
    %get3A_66 = arith.constant 0 : index
    %get3A_67 = tpu.vector_load %arg5[%get3A_65, %get3A_66] {strides = array<i32>} : memref<6x128xf32, #tpu.memory_space<vmem>>, vector<16xf32>,
    %get3A_68 = arith.constant 4 : i32
    %get3A_69 = arith.index_cast %get3A_68 : i32 to index
    %get3A_70 = arith.constant 0 : index
    %get3A_71 = tpu.vector_load %arg6[%get3A_69, %get3A_70] {strides = array<i32>} : memref<6x128xf32, #tpu.memory_space<vmem>>, vector<16xf32>,
    %mul3A_72 = arith.mulf %get3A_67, %get3A_71 : vector<16xf32>
    %add3A_73 = arith.addf %add3A_63, %mul3A_72 : vector<16xf32>
    %get3A_74 = arith.constant 5 : i32
    %get3A_75 = arith.index_cast %get3A_74 : i32 to index
    %get3A_76 = arith.constant 0 : index
    %get3A_77 = tpu.vector_load %arg5[%get3A_75, %get3A_76] {strides = array<i32>} : memref<6x128xf32, #tpu.memory_space<vmem>>, vector<16xf32>,
    %get3A_78 = arith.constant 5 : i32
    %get3A_79 = arith.index_cast %get3A_78 : i32 to index
    %get3A_80 = arith.constant 0 : index
    %get3A_81 = tpu.vector_load %arg6[%get3A_79, %get3A_80] {strides = array<i32>} : memref<6x128xf32, #tpu.memory_space<vmem>>, vector<16xf32>,
    %mul3A_82 = arith.mulf %get3A_77, %get3A_81 : vector<16xf32>
    %add3A_83 = arith.addf %add3A_73, %mul3A_82 : vector<16xf32>
    %div3A = arith.constant 6.000000e+00 : f32
    %div3A_84 = vector.broadcast %div3A : f32 to vector<16xf32>
    %div3A_85 = arith.divf %add3A_83, %div3A_84 : vector<16xf32>
    %swap3A = arith.constant 0 : index
    %swap3A_86 = tpu.vector_load %arg7[%swap3A] {strides = array<i32>} : memref<128xf32, #tpu.memory_space<vmem>>, vector<16xf32>,
    tpu.vector_store %arg7[%swap3A], %div3A_85 {strides = array<i32>} : memref<128xf32, #tpu.memory_space<vmem>>, vector<16xf32>,
    %get3A_87 = arith.constant 0 : i32
    %get3A_88 = arith.index_cast %get3A_87 : i32 to index
    %get3A_89 = arith.constant 16 : index
    %get3A_90 = tpu.vector_load %arg5[%get3A_88, %get3A_89] {strides = array<i32>} : memref<6x128xf32, #tpu.memory_space<vmem>>, vector<16xf32>,
    %get3A_91 = arith.constant 0 : i32
    %get3A_92 = arith.index_cast %get3A_91 : i32 to index
    %get3A_93 = arith.constant 16 : index
    %get3A_94 = tpu.vector_load %arg6[%get3A_92, %get3A_93] {strides = array<i32>} : memref<6x128xf32, #tpu.memory_space<vmem>>, vector<16xf32>,
    %mul3A_95 = arith.mulf %get3A_90, %get3A_94 : vector<16xf32>
    %get3A_96 = arith.constant 1 : i32
    %get3A_97 = arith.index_cast %get3A_96 : i32 to index
    %get3A_98 = arith.constant 16 : index
    %get3A_99 = tpu.vector_load %arg5[%get3A_97, %get3A_98] {strides = array<i32>} : memref<6x128xf32, #tpu.memory_space<vmem>>, vector<16xf32>,
    %get3A_100 = arith.constant 1 : i32
    %get3A_101 = arith.index_cast %get3A_100 : i32 to index
    %get3A_102 = arith.constant 16 : index
    %get3A_103 = tpu.vector_load %arg6[%get3A_101, %get3A_102] {strides = array<i32>} : memref<6x128xf32, #tpu.memory_space<vmem>>, vector<16xf32>,
    %mul3A_104 = arith.mulf %get3A_99, %get3A_103 : vector<16xf32>
    %add3A_105 = arith.addf %mul3A_95, %mul3A_104 : vector<16xf32>
    %get3A_106 = arith.constant 2 : i32
    %get3A_107 = arith.index_cast %get3A_106 : i32 to index
    %get3A_108 = arith.constant 16 : index
    %get3A_109 = tpu.vector_load %arg5[%get3A_107, %get3A_108] {strides = array<i32>} : memref<6x128xf32, #tpu.memory_space<vmem>>, vector<16xf32>,
    %get3A_110 = arith.constant 2 : i32
    %get3A_111 = arith.index_cast %get3A_110 : i32 to index
    %get3A_112 = arith.constant 16 : index
    %get3A_113 = tpu.vector_load %arg6[%get3A_111, %get3A_112] {strides = array<i32>} : memref<6x128xf32, #tpu.memory_space<vmem>>, vector<16xf32>,
    %mul3A_114 = arith.mulf %get3A_109, %get3A_113 : vector<16xf32>
    %add3A_115 = arith.addf %add3A_105, %mul3A_114 : vector<16xf32>
    %get3A_116 = arith.constant 3 : i32
    %get3A_117 = arith.index_cast %get3A_116 : i32 to index
    %get3A_118 = arith.constant 16 : index
    %get3A_119 = tpu.vector_load %arg5[%get3A_117, %get3A_118] {strides = array<i32>} : memref<6x128xf32, #tpu.memory_space<vmem>>, vector<16xf32>,
    %get3A_120 = arith.constant 3 : i32
    %get3A_121 = arith.index_cast %get3A_120 : i32 to index
    %get3A_122 = arith.constant 16 : index
    %get3A_123 = tpu.vector_load %arg6[%get3A_121, %get3A_122] {strides = array<i32>} : memref<6x128xf32, #tpu.memory_space<vmem>>, vector<16xf32>,
    %mul3A_124 = arith.mulf %get3A_119, %get3A_123 : vector<16xf32>
    %add3A_125 = arith.addf %add3A_115, %mul3A_124 : vector<16xf32>
    %get3A_126 = arith.constant 4 : i32
    %get3A_127 = arith.index_cast %get3A_126 : i32 to index
    %get3A_128 = arith.constant 16 : index
    %get3A_129 = tpu.vector_load %arg5[%get3A_127, %get3A_128] {strides = array<i32>} : memref<6x128xf32, #tpu.memory_space<vmem>>, vector<16xf32>,
    %get3A_130 = arith.constant 4 : i32
    %get3A_131 = arith.index_cast %get3A_130 : i32 to index
    %get3A_132 = arith.constant 16 : index
    %get3A_133 = tpu.vector_load %arg6[%get3A_131, %get3A_132] {strides = array<i32>} : memref<6x128xf32, #tpu.memory_space<vmem>>, vector<16xf32>,
    %mul3A_134 = arith.mulf %get3A_129, %get3A_133 : vector<16xf32>
    %add3A_135 = arith.addf %add3A_125, %mul3A_134 : vector<16xf32>
    %get3A_136 = arith.constant 5 : i32
    %get3A_137 = arith.index_cast %get3A_136 : i32 to index
    %get3A_138 = arith.constant 16 : index
    %get3A_139 = tpu.vector_load %arg5[%get3A_137, %get3A_138] {strides = array<i32>} : memref<6x128xf32, #tpu.memory_space<vmem>>, vector<16xf32>,
    %get3A_140 = arith.constant 5 : i32
    %get3A_141 = arith.index_cast %get3A_140 : i32 to index
    %get3A_142 = arith.constant 16 : index
    %get3A_143 = tpu.vector_load %arg6[%get3A_141, %get3A_142] {strides = array<i32>} : memref<6x128xf32, #tpu.memory_space<vmem>>, vector<16xf32>,
    %mul3A_144 = arith.mulf %get3A_139, %get3A_143 : vector<16xf32>
    %add3A_145 = arith.addf %add3A_135, %mul3A_144 : vector<16xf32>
    %div3A_146 = arith.constant 6.000000e+00 : f32
    %div3A_147 = vector.broadcast %div3A_146 : f32 to vector<16xf32>
    %div3A_148 = arith.divf %add3A_145, %div3A_147 : vector<16xf32>
    %swap3A_149 = arith.constant 16 : index
    %swap3A_150 = tpu.vector_load %arg7[%swap3A_149] {strides = array<i32>} : memref<128xf32, #tpu.memory_space<vmem>>, vector<16xf32>,
    tpu.vector_store %arg7[%swap3A_149], %div3A_148 {strides = array<i32>} : memref<128xf32, #tpu.memory_space<vmem>>, vector<16xf32>,
    %get3A_151 = arith.constant 0 : i32
    %get3A_152 = arith.index_cast %get3A_151 : i32 to index
    %get3A_153 = arith.constant 32 : index
    %get3A_154 = tpu.vector_load %arg5[%get3A_152, %get3A_153] {strides = array<i32>} : memref<6x128xf32, #tpu.memory_space<vmem>>, vector<16xf32>,
    %get3A_155 = arith.constant 0 : i32
    %get3A_156 = arith.index_cast %get3A_155 : i32 to index
    %get3A_157 = arith.constant 32 : index
    %get3A_158 = tpu.vector_load %arg6[%get3A_156, %get3A_157] {strides = array<i32>} : memref<6x128xf32, #tpu.memory_space<vmem>>, vector<16xf32>,
    %mul3A_159 = arith.mulf %get3A_154, %get3A_158 : vector<16xf32>
    %get3A_160 = arith.constant 1 : i32
    %get3A_161 = arith.index_cast %get3A_160 : i32 to index
    %get3A_162 = arith.constant 32 : index
    %get3A_163 = tpu.vector_load %arg5[%get3A_161, %get3A_162] {strides = array<i32>} : memref<6x128xf32, #tpu.memory_space<vmem>>, vector<16xf32>,
    %get3A_164 = arith.constant 1 : i32
    %get3A_165 = arith.index_cast %get3A_164 : i32 to index
    %get3A_166 = arith.constant 32 : index
    %get3A_167 = tpu.vector_load %arg6[%get3A_165, %get3A_166] {strides = array<i32>} : memref<6x128xf32, #tpu.memory_space<vmem>>, vector<16xf32>,
    %mul3A_168 = arith.mulf %get3A_163, %get3A_167 : vector<16xf32>
    %add3A_169 = arith.addf %mul3A_159, %mul3A_168 : vector<16xf32>
    %get3A_170 = arith.constant 2 : i32
    %get3A_171 = arith.index_cast %get3A_170 : i32 to index
    %get3A_172 = arith.constant 32 : index
    %get3A_173 = tpu.vector_load %arg5[%get3A_171, %get3A_172] {strides = array<i32>} : memref<6x128xf32, #tpu.memory_space<vmem>>, vector<16xf32>,
    %get3A_174 = arith.constant 2 : i32
    %get3A_175 = arith.index_cast %get3A_174 : i32 to index
    %get3A_176 = arith.constant 32 : index
    %get3A_177 = tpu.vector_load %arg6[%get3A_175, %get3A_176] {strides = array<i32>} : memref<6x128xf32, #tpu.memory_space<vmem>>, vector<16xf32>,
    %mul3A_178 = arith.mulf %get3A_173, %get3A_177 : vector<16xf32>
    %add3A_179 = arith.addf %add3A_169, %mul3A_178 : vector<16xf32>
    %get3A_180 = arith.constant 3 : i32
    %get3A_181 = arith.index_cast %get3A_180 : i32 to index
    %get3A_182 = arith.constant 32 : index
    %get3A_183 = tpu.vector_load %arg5[%get3A_181, %get3A_182] {strides = array<i32>} : memref<6x128xf32, #tpu.memory_space<vmem>>, vector<16xf32>,
    %get3A_184 = arith.constant 3 : i32
    %get3A_185 = arith.index_cast %get3A_184 : i32 to index
    %get3A_186 = arith.constant 32 : index
    %get3A_187 = tpu.vector_load %arg6[%get3A_185, %get3A_186] {strides = array<i32>} : memref<6x128xf32, #tpu.memory_space<vmem>>, vector<16xf32>,
    %mul3A_188 = arith.mulf %get3A_183, %get3A_187 : vector<16xf32>
    %add3A_189 = arith.addf %add3A_179, %mul3A_188 : vector<16xf32>
    %get3A_190 = arith.constant 4 : i32
    %get3A_191 = arith.index_cast %get3A_190 : i32 to index
    %get3A_192 = arith.constant 32 : index
    %get3A_193 = tpu.vector_load %arg5[%get3A_191, %get3A_192] {strides = array<i32>} : memref<6x128xf32, #tpu.memory_space<vmem>>, vector<16xf32>,
    %get3A_194 = arith.constant 4 : i32
    %get3A_195 = arith.index_cast %get3A_194 : i32 to index
    %get3A_196 = arith.constant 32 : index
    %get3A_197 = tpu.vector_load %arg6[%get3A_195, %get3A_196] {strides = array<i32>} : memref<6x128xf32, #tpu.memory_space<vmem>>, vector<16xf32>,
    %mul3A_198 = arith.mulf %get3A_193, %get3A_197 : vector<16xf32>
    %add3A_199 = arith.addf %add3A_189, %mul3A_198 : vector<16xf32>
    %get3A_200 = arith.constant 5 : i32
    %get3A_201 = arith.index_cast %get3A_200 : i32 to index
    %get3A_202 = arith.constant 32 : index
    %get3A_203 = tpu.vector_load %arg5[%get3A_201, %get3A_202] {strides = array<i32>} : memref<6x128xf32, #tpu.memory_space<vmem>>, vector<16xf32>,
    %get3A_204 = arith.constant 5 : i32
    %get3A_205 = arith.index_cast %get3A_204 : i32 to index
    %get3A_206 = arith.constant 32 : index
    %get3A_207 = tpu.vector_load %arg6[%get3A_205, %get3A_206] {strides = array<i32>} : memref<6x128xf32, #tpu.memory_space<vmem>>, vector<16xf32>,
    %mul3A_208 = arith.mulf %get3A_203, %get3A_207 : vector<16xf32>
    %add3A_209 = arith.addf %add3A_199, %mul3A_208 : vector<16xf32>
    %div3A_210 = arith.constant 6.000000e+00 : f32
    %div3A_211 = vector.broadcast %div3A_210 : f32 to vector<16xf32>
    %div3A_212 = arith.divf %add3A_209, %div3A_211 : vector<16xf32>
    %swap3A_213 = arith.constant 32 : index
    %swap3A_214 = tpu.vector_load %arg7[%swap3A_213] {strides = array<i32>} : memref<128xf32, #tpu.memory_space<vmem>>, vector<16xf32>,
    tpu.vector_store %arg7[%swap3A_213], %div3A_212 {strides = array<i32>} : memref<128xf32, #tpu.memory_space<vmem>>, vector<16xf32>,
    %get3A_215 = arith.constant 0 : i32
    %get3A_216 = arith.index_cast %get3A_215 : i32 to index
    %get3A_217 = arith.constant 48 : index
    %get3A_218 = tpu.vector_load %arg5[%get3A_216, %get3A_217] {strides = array<i32>} : memref<6x128xf32, #tpu.memory_space<vmem>>, vector<16xf32>,
    %get3A_219 = arith.constant 0 : i32
    %get3A_220 = arith.index_cast %get3A_219 : i32 to index
    %get3A_221 = arith.constant 48 : index
    %get3A_222 = tpu.vector_load %arg6[%get3A_220, %get3A_221] {strides = array<i32>} : memref<6x128xf32, #tpu.memory_space<vmem>>, vector<16xf32>,
    %mul3A_223 = arith.mulf %get3A_218, %get3A_222 : vector<16xf32>
    %get3A_224 = arith.constant 1 : i32
    %get3A_225 = arith.index_cast %get3A_224 : i32 to index
    %get3A_226 = arith.constant 48 : index
    %get3A_227 = tpu.vector_load %arg5[%get3A_225, %get3A_226] {strides = array<i32>} : memref<6x128xf32, #tpu.memory_space<vmem>>, vector<16xf32>,
    %get3A_228 = arith.constant 1 : i32
    %get3A_229 = arith.index_cast %get3A_228 : i32 to index
    %get3A_230 = arith.constant 48 : index
    %get3A_231 = tpu.vector_load %arg6[%get3A_229, %get3A_230] {strides = array<i32>} : memref<6x128xf32, #tpu.memory_space<vmem>>, vector<16xf32>,
    %mul3A_232 = arith.mulf %get3A_227, %get3A_231 : vector<16xf32>
    %add3A_233 = arith.addf %mul3A_223, %mul3A_232 : vector<16xf32>
    %get3A_234 = arith.constant 2 : i32
    %get3A_235 = arith.index_cast %get3A_234 : i32 to index
    %get3A_236 = arith.constant 48 : index
    %get3A_237 = tpu.vector_load %arg5[%get3A_235, %get3A_236] {strides = array<i32>} : memref<6x128xf32, #tpu.memory_space<vmem>>, vector<16xf32>,
    %get3A_238 = arith.constant 2 : i32
    %get3A_239 = arith.index_cast %get3A_238 : i32 to index
    %get3A_240 = arith.constant 48 : index
    %get3A_241 = tpu.vector_load %arg6[%get3A_239, %get3A_240] {strides = array<i32>} : memref<6x128xf32, #tpu.memory_space<vmem>>, vector<16xf32>,
    %mul3A_242 = arith.mulf %get3A_237, %get3A_241 : vector<16xf32>
    %add3A_243 = arith.addf %add3A_233, %mul3A_242 : vector<16xf32>
    %get3A_244 = arith.constant 3 : i32
    %get3A_245 = arith.index_cast %get3A_244 : i32 to index
    %get3A_246 = arith.constant 48 : index
    %get3A_247 = tpu.vector_load %arg5[%get3A_245, %get3A_246] {strides = array<i32>} : memref<6x128xf32, #tpu.memory_space<vmem>>, vector<16xf32>,
    %get3A_248 = arith.constant 3 : i32
    %get3A_249 = arith.index_cast %get3A_248 : i32 to index
    %get3A_250 = arith.constant 48 : index
    %get3A_251 = tpu.vector_load %arg6[%get3A_249, %get3A_250] {strides = array<i32>} : memref<6x128xf32, #tpu.memory_space<vmem>>, vector<16xf32>,
    %mul3A_252 = arith.mulf %get3A_247, %get3A_251 : vector<16xf32>
    %add3A_253 = arith.addf %add3A_243, %mul3A_252 : vector<16xf32>
    %get3A_254 = arith.constant 4 : i32
    %get3A_255 = arith.index_cast %get3A_254 : i32 to index
    %get3A_256 = arith.constant 48 : index
    %get3A_257 = tpu.vector_load %arg5[%get3A_255, %get3A_256] {strides = array<i32>} : memref<6x128xf32, #tpu.memory_space<vmem>>, vector<16xf32>,
    %get3A_258 = arith.constant 4 : i32
    %get3A_259 = arith.index_cast %get3A_258 : i32 to index
    %get3A_260 = arith.constant 48 : index
    %get3A_261 = tpu.vector_load %arg6[%get3A_259, %get3A_260] {strides = array<i32>} : memref<6x128xf32, #tpu.memory_space<vmem>>, vector<16xf32>,
    %mul3A_262 = arith.mulf %get3A_257, %get3A_261 : vector<16xf32>
    %add3A_263 = arith.addf %add3A_253, %mul3A_262 : vector<16xf32>
    %get3A_264 = arith.constant 5 : i32
    %get3A_265 = arith.index_cast %get3A_264 : i32 to index
    %get3A_266 = arith.constant 48 : index
    %get3A_267 = tpu.vector_load %arg5[%get3A_265, %get3A_266] {strides = array<i32>} : memref<6x128xf32, #tpu.memory_space<vmem>>, vector<16xf32>,
    %get3A_268 = arith.constant 5 : i32
    %get3A_269 = arith.index_cast %get3A_268 : i32 to index
    %get3A_270 = arith.constant 48 : index
    %get3A_271 = tpu.vector_load %arg6[%get3A_269, %get3A_270] {strides = array<i32>} : memref<6x128xf32, #tpu.memory_space<vmem>>, vector<16xf32>,
    %mul3A_272 = arith.mulf %get3A_267, %get3A_271 : vector<16xf32>
    %add3A_273 = arith.addf %add3A_263, %mul3A_272 : vector<16xf32>
    %div3A_274 = arith.constant 6.000000e+00 : f32
    %div3A_275 = vector.broadcast %div3A_274 : f32 to vector<16xf32>
    %div3A_276 = arith.divf %add3A_273, %div3A_275 : vector<16xf32>
    %swap3A_277 = arith.constant 48 : index
    %swap3A_278 = tpu.vector_load %arg7[%swap3A_277] {strides = array<i32>} : memref<128xf32, #tpu.memory_space<vmem>>, vector<16xf32>,
    tpu.vector_store %arg7[%swap3A_277], %div3A_276 {strides = array<i32>} : memref<128xf32, #tpu.memory_space<vmem>>, vector<16xf32>,
    %get3A_279 = arith.constant 0 : i32
    %get3A_280 = arith.index_cast %get3A_279 : i32 to index
    %get3A_281 = arith.constant 64 : index
    %get3A_282 = tpu.vector_load %arg5[%get3A_280, %get3A_281] {strides = array<i32>} : memref<6x128xf32, #tpu.memory_space<vmem>>, vector<16xf32>,
    %get3A_283 = arith.constant 0 : i32
    %get3A_284 = arith.index_cast %get3A_283 : i32 to index
    %get3A_285 = arith.constant 64 : index
    %get3A_286 = tpu.vector_load %arg6[%get3A_284, %get3A_285] {strides = array<i32>} : memref<6x128xf32, #tpu.memory_space<vmem>>, vector<16xf32>,
    %mul3A_287 = arith.mulf %get3A_282, %get3A_286 : vector<16xf32>
    %get3A_288 = arith.constant 1 : i32
    %get3A_289 = arith.index_cast %get3A_288 : i32 to index
    %get3A_290 = arith.constant 64 : index
    %get3A_291 = tpu.vector_load %arg5[%get3A_289, %get3A_290] {strides = array<i32>} : memref<6x128xf32, #tpu.memory_space<vmem>>, vector<16xf32>,
    %get3A_292 = arith.constant 1 : i32
    %get3A_293 = arith.index_cast %get3A_292 : i32 to index
    %get3A_294 = arith.constant 64 : index
    %get3A_295 = tpu.vector_load %arg6[%get3A_293, %get3A_294] {strides = array<i32>} : memref<6x128xf32, #tpu.memory_space<vmem>>, vector<16xf32>,
    %mul3A_296 = arith.mulf %get3A_291, %get3A_295 : vector<16xf32>
    %add3A_297 = arith.addf %mul3A_287, %mul3A_296 : vector<16xf32>
    %get3A_298 = arith.constant 2 : i32
    %get3A_299 = arith.index_cast %get3A_298 : i32 to index
    %get3A_300 = arith.constant 64 : index
    %get3A_301 = tpu.vector_load %arg5[%get3A_299, %get3A_300] {strides = array<i32>} : memref<6x128xf32, #tpu.memory_space<vmem>>, vector<16xf32>,
    %get3A_302 = arith.constant 2 : i32
    %get3A_303 = arith.index_cast %get3A_302 : i32 to index
    %get3A_304 = arith.constant 64 : index
    %get3A_305 = tpu.vector_load %arg6[%get3A_303, %get3A_304] {strides = array<i32>} : memref<6x128xf32, #tpu.memory_space<vmem>>, vector<16xf32>,
    %mul3A_306 = arith.mulf %get3A_301, %get3A_305 : vector<16xf32>
    %add3A_307 = arith.addf %add3A_297, %mul3A_306 : vector<16xf32>
    %get3A_308 = arith.constant 3 : i32
    %get3A_309 = arith.index_cast %get3A_308 : i32 to index
    %get3A_310 = arith.constant 64 : index
    %get3A_311 = tpu.vector_load %arg5[%get3A_309, %get3A_310] {strides = array<i32>} : memref<6x128xf32, #tpu.memory_space<vmem>>, vector<16xf32>,
    %get3A_312 = arith.constant 3 : i32
    %get3A_313 = arith.index_cast %get3A_312 : i32 to index
    %get3A_314 = arith.constant 64 : index
    %get3A_315 = tpu.vector_load %arg6[%get3A_313, %get3A_314] {strides = array<i32>} : memref<6x128xf32, #tpu.memory_space<vmem>>, vector<16xf32>,
    %mul3A_316 = arith.mulf %get3A_311, %get3A_315 : vector<16xf32>
    %add3A_317 = arith.addf %add3A_307, %mul3A_316 : vector<16xf32>
    %get3A_318 = arith.constant 4 : i32
    %get3A_319 = arith.index_cast %get3A_318 : i32 to index
    %get3A_320 = arith.constant 64 : index
    %get3A_321 = tpu.vector_load %arg5[%get3A_319, %get3A_320] {strides = array<i32>} : memref<6x128xf32, #tpu.memory_space<vmem>>, vector<16xf32>,
    %get3A_322 = arith.constant 4 : i32
    %get3A_323 = arith.index_cast %get3A_322 : i32 to index
    %get3A_324 = arith.constant 64 : index
    %get3A_325 = tpu.vector_load %arg6[%get3A_323, %get3A_324] {strides = array<i32>} : memref<6x128xf32, #tpu.memory_space<vmem>>, vector<16xf32>,
    %mul3A_326 = arith.mulf %get3A_321, %get3A_325 : vector<16xf32>
    %add3A_327 = arith.addf %add3A_317, %mul3A_326 : vector<16xf32>
    %get3A_328 = arith.constant 5 : i32
    %get3A_329 = arith.index_cast %get3A_328 : i32 to index
    %get3A_330 = arith.constant 64 : index
    %get3A_331 = tpu.vector_load %arg5[%get3A_329, %get3A_330] {strides = array<i32>} : memref<6x128xf32, #tpu.memory_space<vmem>>, vector<16xf32>,
    %get3A_332 = arith.constant 5 : i32
    %get3A_333 = arith.index_cast %get3A_332 : i32 to index
    %get3A_334 = arith.constant 64 : index
    %get3A_335 = tpu.vector_load %arg6[%get3A_333, %get3A_334] {strides = array<i32>} : memref<6x128xf32, #tpu.memory_space<vmem>>, vector<16xf32>,
    %mul3A_336 = arith.mulf %get3A_331, %get3A_335 : vector<16xf32>
    %add3A_337 = arith.addf %add3A_327, %mul3A_336 : vector<16xf32>
    %div3A_338 = arith.constant 6.000000e+00 : f32
    %div3A_339 = vector.broadcast %div3A_338 : f32 to vector<16xf32>
    %div3A_340 = arith.divf %add3A_337, %div3A_339 : vector<16xf32>
    %swap3A_341 = arith.constant 64 : index
    %swap3A_342 = tpu.vector_load %arg7[%swap3A_341] {strides = array<i32>} : memref<128xf32, #tpu.memory_space<vmem>>, vector<16xf32>,
    tpu.vector_store %arg7[%swap3A_341], %div3A_340 {strides = array<i32>} : memref<128xf32, #tpu.memory_space<vmem>>, vector<16xf32>,
    %get3A_343 = arith.constant 0 : i32
    %get3A_344 = arith.index_cast %get3A_343 : i32 to index
    %get3A_345 = arith.constant 80 : index
    %get3A_346 = tpu.vector_load %arg5[%get3A_344, %get3A_345] {strides = array<i32>} : memref<6x128xf32, #tpu.memory_space<vmem>>, vector<16xf32>,
    %get3A_347 = arith.constant 0 : i32
    %get3A_348 = arith.index_cast %get3A_347 : i32 to index
    %get3A_349 = arith.constant 80 : index
    %get3A_350 = tpu.vector_load %arg6[%get3A_348, %get3A_349] {strides = array<i32>} : memref<6x128xf32, #tpu.memory_space<vmem>>, vector<16xf32>,
    %mul3A_351 = arith.mulf %get3A_346, %get3A_350 : vector<16xf32>
    %get3A_352 = arith.constant 1 : i32
    %get3A_353 = arith.index_cast %get3A_352 : i32 to index
    %get3A_354 = arith.constant 80 : index
    %get3A_355 = tpu.vector_load %arg5[%get3A_353, %get3A_354] {strides = array<i32>} : memref<6x128xf32, #tpu.memory_space<vmem>>, vector<16xf32>,
    %get3A_356 = arith.constant 1 : i32
    %get3A_357 = arith.index_cast %get3A_356 : i32 to index
    %get3A_358 = arith.constant 80 : index
    %get3A_359 = tpu.vector_load %arg6[%get3A_357, %get3A_358] {strides = array<i32>} : memref<6x128xf32, #tpu.memory_space<vmem>>, vector<16xf32>,
    %mul3A_360 = arith.mulf %get3A_355, %get3A_359 : vector<16xf32>
    %add3A_361 = arith.addf %mul3A_351, %mul3A_360 : vector<16xf32>
    %get3A_362 = arith.constant 2 : i32
    %get3A_363 = arith.index_cast %get3A_362 : i32 to index
    %get3A_364 = arith.constant 80 : index
    %get3A_365 = tpu.vector_load %arg5[%get3A_363, %get3A_364] {strides = array<i32>} : memref<6x128xf32, #tpu.memory_space<vmem>>, vector<16xf32>,
    %get3A_366 = arith.constant 2 : i32
    %get3A_367 = arith.index_cast %get3A_366 : i32 to index
    %get3A_368 = arith.constant 80 : index
    %get3A_369 = tpu.vector_load %arg6[%get3A_367, %get3A_368] {strides = array<i32>} : memref<6x128xf32, #tpu.memory_space<vmem>>, vector<16xf32>,
    %mul3A_370 = arith.mulf %get3A_365, %get3A_369 : vector<16xf32>
    %add3A_371 = arith.addf %add3A_361, %mul3A_370 : vector<16xf32>
    %get3A_372 = arith.constant 3 : i32
    %get3A_373 = arith.index_cast %get3A_372 : i32 to index
    %get3A_374 = arith.constant 80 : index
    %get3A_375 = tpu.vector_load %arg5[%get3A_373, %get3A_374] {strides = array<i32>} : memref<6x128xf32, #tpu.memory_space<vmem>>, vector<16xf32>,
    %get3A_376 = arith.constant 3 : i32
    %get3A_377 = arith.index_cast %get3A_376 : i32 to index
    %get3A_378 = arith.constant 80 : index
    %get3A_379 = tpu.vector_load %arg6[%get3A_377, %get3A_378] {strides = array<i32>} : memref<6x128xf32, #tpu.memory_space<vmem>>, vector<16xf32>,
    %mul3A_380 = arith.mulf %get3A_375, %get3A_379 : vector<16xf32>
    %add3A_381 = arith.addf %add3A_371, %mul3A_380 : vector<16xf32>
    %get3A_382 = arith.constant 4 : i32
    %get3A_383 = arith.index_cast %get3A_382 : i32 to index
    %get3A_384 = arith.constant 80 : index
    %get3A_385 = tpu.vector_load %arg5[%get3A_383, %get3A_384] {strides = array<i32>} : memref<6x128xf32, #tpu.memory_space<vmem>>, vector<16xf32>,
    %get3A_386 = arith.constant 4 : i32
    %get3A_387 = arith.index_cast %get3A_386 : i32 to index
    %get3A_388 = arith.constant 80 : index
    %get3A_389 = tpu.vector_load %arg6[%get3A_387, %get3A_388] {strides = array<i32>} : memref<6x128xf32, #tpu.memory_space<vmem>>, vector<16xf32>,
    %mul3A_390 = arith.mulf %get3A_385, %get3A_389 : vector<16xf32>
    %add3A_391 = arith.addf %add3A_381, %mul3A_390 : vector<16xf32>
    %get3A_392 = arith.constant 5 : i32
    %get3A_393 = arith.index_cast %get3A_392 : i32 to index
    %get3A_394 = arith.constant 80 : index
    %get3A_395 = tpu.vector_load %arg5[%get3A_393, %get3A_394] {strides = array<i32>} : memref<6x128xf32, #tpu.memory_space<vmem>>, vector<16xf32>,
    %get3A_396 = arith.constant 5 : i32
    %get3A_397 = arith.index_cast %get3A_396 : i32 to index
    %get3A_398 = arith.constant 80 : index
    %get3A_399 = tpu.vector_load %arg6[%get3A_397, %get3A_398] {strides = array<i32>} : memref<6x128xf32, #tpu.memory_space<vmem>>, vector<16xf32>,
    %mul3A_400 = arith.mulf %get3A_395, %get3A_399 : vector<16xf32>
    %add3A_401 = arith.addf %add3A_391, %mul3A_400 : vector<16xf32>
    %div3A_402 = arith.constant 6.000000e+00 : f32
    %div3A_403 = vector.broadcast %div3A_402 : f32 to vector<16xf32>
    %div3A_404 = arith.divf %add3A_401, %div3A_403 : vector<16xf32>
    %swap3A_405 = arith.constant 80 : index
    %swap3A_406 = tpu.vector_load %arg7[%swap3A_405] {strides = array<i32>} : memref<128xf32, #tpu.memory_space<vmem>>, vector<16xf32>,
    tpu.vector_store %arg7[%swap3A_405], %div3A_404 {strides = array<i32>} : memref<128xf32, #tpu.memory_space<vmem>>, vector<16xf32>,
    %get3A_407 = arith.constant 0 : i32
    %get3A_408 = arith.index_cast %get3A_407 : i32 to index
    %get3A_409 = arith.constant 96 : index
    %get3A_410 = tpu.vector_load %arg5[%get3A_408, %get3A_409] {strides = array<i32>} : memref<6x128xf32, #tpu.memory_space<vmem>>, vector<16xf32>,
    %get3A_411 = arith.constant 0 : i32
    %get3A_412 = arith.index_cast %get3A_411 : i32 to index
    %get3A_413 = arith.constant 96 : index
    %get3A_414 = tpu.vector_load %arg6[%get3A_412, %get3A_413] {strides = array<i32>} : memref<6x128xf32, #tpu.memory_space<vmem>>, vector<16xf32>,
    %mul3A_415 = arith.mulf %get3A_410, %get3A_414 : vector<16xf32>
    %get3A_416 = arith.constant 1 : i32
    %get3A_417 = arith.index_cast %get3A_416 : i32 to index
    %get3A_418 = arith.constant 96 : index
    %get3A_419 = tpu.vector_load %arg5[%get3A_417, %get3A_418] {strides = array<i32>} : memref<6x128xf32, #tpu.memory_space<vmem>>, vector<16xf32>,
    %get3A_420 = arith.constant 1 : i32
    %get3A_421 = arith.index_cast %get3A_420 : i32 to index
    %get3A_422 = arith.constant 96 : index
    %get3A_423 = tpu.vector_load %arg6[%get3A_421, %get3A_422] {strides = array<i32>} : memref<6x128xf32, #tpu.memory_space<vmem>>, vector<16xf32>,
    %mul3A_424 = arith.mulf %get3A_419, %get3A_423 : vector<16xf32>
    %add3A_425 = arith.addf %mul3A_415, %mul3A_424 : vector<16xf32>
    %get3A_426 = arith.constant 2 : i32
    %get3A_427 = arith.index_cast %get3A_426 : i32 to index
    %get3A_428 = arith.constant 96 : index
    %get3A_429 = tpu.vector_load %arg5[%get3A_427, %get3A_428] {strides = array<i32>} : memref<6x128xf32, #tpu.memory_space<vmem>>, vector<16xf32>,
    %get3A_430 = arith.constant 2 : i32
    %get3A_431 = arith.index_cast %get3A_430 : i32 to index
    %get3A_432 = arith.constant 96 : index
    %get3A_433 = tpu.vector_load %arg6[%get3A_431, %get3A_432] {strides = array<i32>} : memref<6x128xf32, #tpu.memory_space<vmem>>, vector<16xf32>,
    %mul3A_434 = arith.mulf %get3A_429, %get3A_433 : vector<16xf32>
    %add3A_435 = arith.addf %add3A_425, %mul3A_434 : vector<16xf32>
    %get3A_436 = arith.constant 3 : i32
    %get3A_437 = arith.index_cast %get3A_436 : i32 to index
    %get3A_438 = arith.constant 96 : index
    %get3A_439 = tpu.vector_load %arg5[%get3A_437, %get3A_438] {strides = array<i32>} : memref<6x128xf32, #tpu.memory_space<vmem>>, vector<16xf32>,
    %get3A_440 = arith.constant 3 : i32
    %get3A_441 = arith.index_cast %get3A_440 : i32 to index
    %get3A_442 = arith.constant 96 : index
    %get3A_443 = tpu.vector_load %arg6[%get3A_441, %get3A_442] {strides = array<i32>} : memref<6x128xf32, #tpu.memory_space<vmem>>, vector<16xf32>,
    %mul3A_444 = arith.mulf %get3A_439, %get3A_443 : vector<16xf32>
    %add3A_445 = arith.addf %add3A_435, %mul3A_444 : vector<16xf32>
    %get3A_446 = arith.constant 4 : i32
    %get3A_447 = arith.index_cast %get3A_446 : i32 to index
    %get3A_448 = arith.constant 96 : index
    %get3A_449 = tpu.vector_load %arg5[%get3A_447, %get3A_448] {strides = array<i32>} : memref<6x128xf32, #tpu.memory_space<vmem>>, vector<16xf32>,
    %get3A_450 = arith.constant 4 : i32
    %get3A_451 = arith.index_cast %get3A_450 : i32 to index
    %get3A_452 = arith.constant 96 : index
    %get3A_453 = tpu.vector_load %arg6[%get3A_451, %get3A_452] {strides = array<i32>} : memref<6x128xf32, #tpu.memory_space<vmem>>, vector<16xf32>,
    %mul3A_454 = arith.mulf %get3A_449, %get3A_453 : vector<16xf32>
    %add3A_455 = arith.addf %add3A_445, %mul3A_454 : vector<16xf32>
    %get3A_456 = arith.constant 5 : i32
    %get3A_457 = arith.index_cast %get3A_456 : i32 to index
    %get3A_458 = arith.constant 96 : index
    %get3A_459 = tpu.vector_load %arg5[%get3A_457, %get3A_458] {strides = array<i32>} : memref<6x128xf32, #tpu.memory_space<vmem>>, vector<16xf32>,
    %get3A_460 = arith.constant 5 : i32
    %get3A_461 = arith.index_cast %get3A_460 : i32 to index
    %get3A_462 = arith.constant 96 : index
    %get3A_463 = tpu.vector_load %arg6[%get3A_461, %get3A_462] {strides = array<i32>} : memref<6x128xf32, #tpu.memory_space<vmem>>, vector<16xf32>,
    %mul3A_464 = arith.mulf %get3A_459, %get3A_463 : vector<16xf32>
    %add3A_465 = arith.addf %add3A_455, %mul3A_464 : vector<16xf32>
    %div3A_466 = arith.constant 6.000000e+00 : f32
    %div3A_467 = vector.broadcast %div3A_466 : f32 to vector<16xf32>
    %div3A_468 = arith.divf %add3A_465, %div3A_467 : vector<16xf32>
    %swap3A_469 = arith.constant 96 : index
    %swap3A_470 = tpu.vector_load %arg7[%swap3A_469] {strides = array<i32>} : memref<128xf32, #tpu.memory_space<vmem>>, vector<16xf32>,
    tpu.vector_store %arg7[%swap3A_469], %div3A_468 {strides = array<i32>} : memref<128xf32, #tpu.memory_space<vmem>>, vector<16xf32>,
    %get3A_471 = arith.constant 0 : i32
    %get3A_472 = arith.index_cast %get3A_471 : i32 to index
    %get3A_473 = arith.constant 112 : index
    %get3A_474 = tpu.vector_load %arg5[%get3A_472, %get3A_473] {strides = array<i32>} : memref<6x128xf32, #tpu.memory_space<vmem>>, vector<16xf32>,
    %get3A_475 = arith.constant 0 : i32
    %get3A_476 = arith.index_cast %get3A_475 : i32 to index
    %get3A_477 = arith.constant 112 : index
    %get3A_478 = tpu.vector_load %arg6[%get3A_476, %get3A_477] {strides = array<i32>} : memref<6x128xf32, #tpu.memory_space<vmem>>, vector<16xf32>,
    %mul3A_479 = arith.mulf %get3A_474, %get3A_478 : vector<16xf32>
    %get3A_480 = arith.constant 1 : i32
    %get3A_481 = arith.index_cast %get3A_480 : i32 to index
    %get3A_482 = arith.constant 112 : index
    %get3A_483 = tpu.vector_load %arg5[%get3A_481, %get3A_482] {strides = array<i32>} : memref<6x128xf32, #tpu.memory_space<vmem>>, vector<16xf32>,
    %get3A_484 = arith.constant 1 : i32
    %get3A_485 = arith.index_cast %get3A_484 : i32 to index
    %get3A_486 = arith.constant 112 : index
    %get3A_487 = tpu.vector_load %arg6[%get3A_485, %get3A_486] {strides = array<i32>} : memref<6x128xf32, #tpu.memory_space<vmem>>, vector<16xf32>,
    %mul3A_488 = arith.mulf %get3A_483, %get3A_487 : vector<16xf32>
    %add3A_489 = arith.addf %mul3A_479, %mul3A_488 : vector<16xf32>
    %get3A_490 = arith.constant 2 : i32
    %get3A_491 = arith.index_cast %get3A_490 : i32 to index
    %get3A_492 = arith.constant 112 : index
    %get3A_493 = tpu.vector_load %arg5[%get3A_491, %get3A_492] {strides = array<i32>} : memref<6x128xf32, #tpu.memory_space<vmem>>, vector<16xf32>,
    %get3A_494 = arith.constant 2 : i32
    %get3A_495 = arith.index_cast %get3A_494 : i32 to index
    %get3A_496 = arith.constant 112 : index
    %get3A_497 = tpu.vector_load %arg6[%get3A_495, %get3A_496] {strides = array<i32>} : memref<6x128xf32, #tpu.memory_space<vmem>>, vector<16xf32>,
    %mul3A_498 = arith.mulf %get3A_493, %get3A_497 : vector<16xf32>
    %add3A_499 = arith.addf %add3A_489, %mul3A_498 : vector<16xf32>
    %get3A_500 = arith.constant 3 : i32
    %get3A_501 = arith.index_cast %get3A_500 : i32 to index
    %get3A_502 = arith.constant 112 : index
    %get3A_503 = tpu.vector_load %arg5[%get3A_501, %get3A_502] {strides = array<i32>} : memref<6x128xf32, #tpu.memory_space<vmem>>, vector<16xf32>,
    %get3A_504 = arith.constant 3 : i32
    %get3A_505 = arith.index_cast %get3A_504 : i32 to index
    %get3A_506 = arith.constant 112 : index
    %get3A_507 = tpu.vector_load %arg6[%get3A_505, %get3A_506] {strides = array<i32>} : memref<6x128xf32, #tpu.memory_space<vmem>>, vector<16xf32>,
    %mul3A_508 = arith.mulf %get3A_503, %get3A_507 : vector<16xf32>
    %add3A_509 = arith.addf %add3A_499, %mul3A_508 : vector<16xf32>
    %get3A_510 = arith.constant 4 : i32
    %get3A_511 = arith.index_cast %get3A_510 : i32 to index
    %get3A_512 = arith.constant 112 : index
    %get3A_513 = tpu.vector_load %arg5[%get3A_511, %get3A_512] {strides = array<i32>} : memref<6x128xf32, #tpu.memory_space<vmem>>, vector<16xf32>,
    %get3A_514 = arith.constant 4 : i32
    %get3A_515 = arith.index_cast %get3A_514 : i32 to index
    %get3A_516 = arith.constant 112 : index
    %get3A_517 = tpu.vector_load %arg6[%get3A_515, %get3A_516] {strides = array<i32>} : memref<6x128xf32, #tpu.memory_space<vmem>>, vector<16xf32>,
    %mul3A_518 = arith.mulf %get3A_513, %get3A_517 : vector<16xf32>
    %add3A_519 = arith.addf %add3A_509, %mul3A_518 : vector<16xf32>
    %get3A_520 = arith.constant 5 : i32
    %get3A_521 = arith.index_cast %get3A_520 : i32 to index
    %get3A_522 = arith.constant 112 : index
    %get3A_523 = tpu.vector_load %arg5[%get3A_521, %get3A_522] {strides = array<i32>} : memref<6x128xf32, #tpu.memory_space<vmem>>, vector<16xf32>,
    %get3A_524 = arith.constant 5 : i32
    %get3A_525 = arith.index_cast %get3A_524 : i32 to index
    %get3A_526 = arith.constant 112 : index
    %get3A_527 = tpu.vector_load %arg6[%get3A_525, %get3A_526] {strides = array<i32>} : memref<6x128xf32, #tpu.memory_space<vmem>>, vector<16xf32>,
    %mul3A_528 = arith.mulf %get3A_523, %get3A_527 : vector<16xf32>
    %add3A_529 = arith.addf %add3A_519, %mul3A_528 : vector<16xf32>
    %div3A_530 = arith.constant 6.000000e+00 : f32
    %div3A_531 = vector.broadcast %div3A_530 : f32 to vector<16xf32>
    %div3A_532 = arith.divf %add3A_529, %div3A_531 : vector<16xf32>
    %swap3A_533 = arith.constant 112 : index
    %swap3A_534 = tpu.vector_load %arg7[%swap3A_533] {strides = array<i32>} : memref<128xf32, #tpu.memory_space<vmem>>, vector<16xf32>,
    tpu.vector_store %arg7[%swap3A_533], %div3A_532 {strides = array<i32>} : memref<128xf32, #tpu.memory_space<vmem>>, vector<16xf32>,
    "tpu.region"() ({
      %run_scoped3A_535 = tpu.sem_alloc : memref<!tpu.dma_semaphore, #tpu.memory_space<semaphore_mem>>
      %dma_start3A = tpu.memref_slice %arg4[%mul3A_2] : memref<4096xf32, #tpu.memory_space<hbm>> -> memref<128xf32, #tpu.memory_space<hbm>>
      %dma_start3A_536 = tpu.memref_slice %arg4[%mul3A_2] : memref<4096xf32, #tpu.memory_space<hbm>> -> memref<128xf32, #tpu.memory_space<hbm>>
      tpu.enqueue_dma source(%arg7 : memref<128xf32, #tpu.memory_space<vmem>>) target(%dma_start3A_536 : memref<128xf32, #tpu.memory_space<hbm>>) target_semaphore(%run_scoped3A_535 : memref<!tpu.dma_semaphore, #tpu.memory_space<semaphore_mem>>)
      %dma_wait3A = tpu.memref_slice %arg4[%mul3A_2] : memref<4096xf32, #tpu.memory_space<hbm>> -> memref<128xf32, #tpu.memory_space<hbm>>
      %dma_wait3A_537 = tpu.memref_slice %arg4[%mul3A_2] : memref<4096xf32, #tpu.memory_space<hbm>> -> memref<128xf32, #tpu.memory_space<hbm>>
      tpu.wait_dma2 semaphore(%run_scoped3A_535 : memref<!tpu.dma_semaphore, #tpu.memory_space<semaphore_mem>>) src(%arg7 : memref<128xf32, #tpu.memory_space<vmem>>) dst(%dma_wait3A_537 : memref<128xf32, #tpu.memory_space<hbm>>)
      tpu.yield
    }) : () -> ()
    return
  }
}

module attributes {stable_mosaic.version = 14 : i64} {
  func.func @_topk_body(%arg0: i32, %arg1: memref<1024x16xf32, #tpu.memory_space<vmem>>, %arg2: memref<4096x16xf32, #tpu.memory_space<vmem>>, %arg3: memref<8x1024xf32, #tpu.memory_space<vmem>>, %arg4: memref<8x1024xi32, #tpu.memory_space<vmem>>) attributes {dimension_semantics = [#tpu.dimension_semantics<arbitrary>], iteration_bounds = array<i64: 4>, scalar_prefetch = 0 : i64, scratch_operands = 0 : i64, tpu.core_type = #tpu.core_type<tc>, window_params = [{transform_indices = @transform_0, window_bounds = array<i64: 1024, 16>}, {pipeline_mode = #tpu.pipeline_mode<synchronous>, transform_indices = @transform_1, window_bounds = array<i64: 4096, 16>}, {transform_indices = @transform_2, window_bounds = array<i64: 8, 1024>}, {transform_indices = @transform_3, window_bounds = array<i64: 8, 1024>}]} {
    %get3A = arith.constant 0 : index
    %get3A_0 = arith.constant 0 : index
    %get3A_1 = vector.load %arg2[%get3A, %get3A_0] : memref<4096x16xf32, #tpu.memory_space<vmem>>, vector<4096x16xf32>
    %mul3A = arith.mulf %get3A_1, %get3A_1 : vector<4096x16xf32>
    %reduce_sum3A = arith.constant dense<0.000000e+00> : vector<4096xf32>
    %reduce_sum3A_2 = vector.multi_reduction <add>, %mul3A, %reduce_sum3A [1] : vector<4096x16xf32> to vector<4096xf32>
    %broadcast_in_dim3A = vector.shape_cast %reduce_sum3A_2 : vector<4096xf32> to vector<4096x1xf32>
    %sqrt3A = math.sqrt %broadcast_in_dim3A : vector<4096x1xf32>
    %div3A = vector.broadcast %sqrt3A : vector<4096x1xf32> to vector<4096x16xf32>
    %div3A_3 = arith.divf %get3A_1, %div3A : vector<4096x16xf32>
    %get3A_4 = arith.constant 0 : index
    %get3A_5 = arith.constant 0 : index
    %get3A_6 = vector.load %arg1[%get3A_4, %get3A_5] : memref<1024x16xf32, #tpu.memory_space<vmem>>, vector<1024x16xf32>
    %mul3A_7 = arith.mulf %get3A_6, %get3A_6 : vector<1024x16xf32>
    %reduce_sum3A_8 = arith.constant dense<0.000000e+00> : vector<1024xf32>
    %reduce_sum3A_9 = vector.multi_reduction <add>, %mul3A_7, %reduce_sum3A_8 [1] : vector<1024x16xf32> to vector<1024xf32>
    %broadcast_in_dim3A_10 = vector.shape_cast %reduce_sum3A_9 : vector<1024xf32> to vector<1024x1xf32>
    %sqrt3A_11 = math.sqrt %broadcast_in_dim3A_10 : vector<1024x1xf32>
    %div3A_12 = vector.broadcast %sqrt3A_11 : vector<1024x1xf32> to vector<1024x16xf32>
    %div3A_13 = arith.divf %get3A_6, %div3A_12 : vector<1024x16xf32>
    %dot_general3A = arith.constant dense<0.000000e+00> : vector<1024x4096xf32>
    %dot_general3A_14 = tpu.matmul %div3A_13, %div3A_3, %dot_general3A {dimension_numbers = #tpu.dot_dimension_numbers<[1], [1], [0], [0], [0, 0, 1, 0], [], []>, transpose_lhs_hint = false} : vector<1024x16xf32>, vector<4096x16xf32>, vector<1024x4096xf32> -> vector<1024x4096xf32>
    %iota3A = tpu.iota {dimensions = array<i32: 1>} : vector<1024x4096xi32>
    %reduce_max3A = arith.constant dense<0xFF800000> : vector<1024xf32>
    %reduce_max3A_15 = vector.multi_reduction <maximumf>, %dot_general3A_14, %reduce_max3A [1] : vector<1024x4096xf32> to vector<1024xf32>
    %broadcast_in_dim3A_16 = vector.shape_cast %reduce_max3A_15 : vector<1024xf32> to vector<1024x1xf32>
    %eq3A = vector.broadcast %broadcast_in_dim3A_16 : vector<1024x1xf32> to vector<1024x4096xf32>
    %eq3A_17 = arith.cmpf oeq, %dot_general3A_14, %eq3A : vector<1024x4096xf32>
    %jit3A = arith.constant 4096 : i32
    %broadcast_in_dim3A_18 = vector.broadcast %jit3A : i32 to vector<1024x4096xi32>
    %select_n3A = arith.select %eq3A_17, %iota3A, %broadcast_in_dim3A_18 : vector<1024x4096xi1>, vector<1024x4096xi32>
    %reduce_min3A = arith.constant dense<2147483647> : vector<1024xi32>
    %reduce_min3A_19 = vector.multi_reduction <minsi>, %select_n3A, %reduce_min3A [1] : vector<1024x4096xi32> to vector<1024xi32>
    %broadcast_in_dim3A_20 = vector.shape_cast %reduce_min3A_19 : vector<1024xi32> to vector<1024x1xi32>
    %eq3A_21 = vector.broadcast %broadcast_in_dim3A_20 : vector<1024x1xi32> to vector<1024x4096xi32>
    %eq3A_22 = arith.cmpi eq, %iota3A, %eq3A_21 : vector<1024x4096xi32>
    %jit3A_23 = arith.constant 0xFF800000 : f32
    %broadcast_in_dim3A_24 = vector.broadcast %jit3A_23 : f32 to vector<1024x4096xf32>
    %select_n3A_25 = arith.select %eq3A_22, %broadcast_in_dim3A_24, %dot_general3A_14 : vector<1024x4096xi1>, vector<1024x4096xf32>
    %reduce_max3A_26 = arith.constant dense<0xFF800000> : vector<1024xf32>
    %reduce_max3A_27 = vector.multi_reduction <maximumf>, %select_n3A_25, %reduce_max3A_26 [1] : vector<1024x4096xf32> to vector<1024xf32>
    %broadcast_in_dim3A_28 = vector.shape_cast %reduce_max3A_27 : vector<1024xf32> to vector<1024x1xf32>
    %eq3A_29 = vector.broadcast %broadcast_in_dim3A_28 : vector<1024x1xf32> to vector<1024x4096xf32>
    %eq3A_30 = arith.cmpf oeq, %select_n3A_25, %eq3A_29 : vector<1024x4096xf32>
    %jit3A_31 = arith.constant 4096 : i32
    %broadcast_in_dim3A_32 = vector.broadcast %jit3A_31 : i32 to vector<1024x4096xi32>
    %select_n3A_33 = arith.select %eq3A_30, %iota3A, %broadcast_in_dim3A_32 : vector<1024x4096xi1>, vector<1024x4096xi32>
    %reduce_min3A_34 = arith.constant dense<2147483647> : vector<1024xi32>
    %reduce_min3A_35 = vector.multi_reduction <minsi>, %select_n3A_33, %reduce_min3A_34 [1] : vector<1024x4096xi32> to vector<1024xi32>
    %broadcast_in_dim3A_36 = vector.shape_cast %reduce_min3A_35 : vector<1024xi32> to vector<1024x1xi32>
    %eq3A_37 = vector.broadcast %broadcast_in_dim3A_36 : vector<1024x1xi32> to vector<1024x4096xi32>
    %eq3A_38 = arith.cmpi eq, %iota3A, %eq3A_37 : vector<1024x4096xi32>
    %jit3A_39 = arith.constant 0xFF800000 : f32
    %broadcast_in_dim3A_40 = vector.broadcast %jit3A_39 : f32 to vector<1024x4096xf32>
    %select_n3A_41 = arith.select %eq3A_38, %broadcast_in_dim3A_40, %select_n3A_25 : vector<1024x4096xi1>, vector<1024x4096xf32>
    %reduce_max3A_42 = arith.constant dense<0xFF800000> : vector<1024xf32>
    %reduce_max3A_43 = vector.multi_reduction <maximumf>, %select_n3A_41, %reduce_max3A_42 [1] : vector<1024x4096xf32> to vector<1024xf32>
    %broadcast_in_dim3A_44 = vector.shape_cast %reduce_max3A_43 : vector<1024xf32> to vector<1024x1xf32>
    %eq3A_45 = vector.broadcast %broadcast_in_dim3A_44 : vector<1024x1xf32> to vector<1024x4096xf32>
    %eq3A_46 = arith.cmpf oeq, %select_n3A_41, %eq3A_45 : vector<1024x4096xf32>
    %jit3A_47 = arith.constant 4096 : i32
    %broadcast_in_dim3A_48 = vector.broadcast %jit3A_47 : i32 to vector<1024x4096xi32>
    %select_n3A_49 = arith.select %eq3A_46, %iota3A, %broadcast_in_dim3A_48 : vector<1024x4096xi1>, vector<1024x4096xi32>
    %reduce_min3A_50 = arith.constant dense<2147483647> : vector<1024xi32>
    %reduce_min3A_51 = vector.multi_reduction <minsi>, %select_n3A_49, %reduce_min3A_50 [1] : vector<1024x4096xi32> to vector<1024xi32>
    %broadcast_in_dim3A_52 = vector.shape_cast %reduce_min3A_51 : vector<1024xi32> to vector<1024x1xi32>
    %eq3A_53 = vector.broadcast %broadcast_in_dim3A_52 : vector<1024x1xi32> to vector<1024x4096xi32>
    %eq3A_54 = arith.cmpi eq, %iota3A, %eq3A_53 : vector<1024x4096xi32>
    %jit3A_55 = arith.constant 0xFF800000 : f32
    %broadcast_in_dim3A_56 = vector.broadcast %jit3A_55 : f32 to vector<1024x4096xf32>
    %select_n3A_57 = arith.select %eq3A_54, %broadcast_in_dim3A_56, %select_n3A_41 : vector<1024x4096xi1>, vector<1024x4096xf32>
    %reduce_max3A_58 = arith.constant dense<0xFF800000> : vector<1024xf32>
    %reduce_max3A_59 = vector.multi_reduction <maximumf>, %select_n3A_57, %reduce_max3A_58 [1] : vector<1024x4096xf32> to vector<1024xf32>
    %broadcast_in_dim3A_60 = vector.shape_cast %reduce_max3A_59 : vector<1024xf32> to vector<1024x1xf32>
    %eq3A_61 = vector.broadcast %broadcast_in_dim3A_60 : vector<1024x1xf32> to vector<1024x4096xf32>
    %eq3A_62 = arith.cmpf oeq, %select_n3A_57, %eq3A_61 : vector<1024x4096xf32>
    %jit3A_63 = arith.constant 4096 : i32
    %broadcast_in_dim3A_64 = vector.broadcast %jit3A_63 : i32 to vector<1024x4096xi32>
    %select_n3A_65 = arith.select %eq3A_62, %iota3A, %broadcast_in_dim3A_64 : vector<1024x4096xi1>, vector<1024x4096xi32>
    %reduce_min3A_66 = arith.constant dense<2147483647> : vector<1024xi32>
    %reduce_min3A_67 = vector.multi_reduction <minsi>, %select_n3A_65, %reduce_min3A_66 [1] : vector<1024x4096xi32> to vector<1024xi32>
    %broadcast_in_dim3A_68 = vector.shape_cast %reduce_min3A_67 : vector<1024xi32> to vector<1024x1xi32>
    %eq3A_69 = vector.broadcast %broadcast_in_dim3A_68 : vector<1024x1xi32> to vector<1024x4096xi32>
    %eq3A_70 = arith.cmpi eq, %iota3A, %eq3A_69 : vector<1024x4096xi32>
    %jit3A_71 = arith.constant 0xFF800000 : f32
    %broadcast_in_dim3A_72 = vector.broadcast %jit3A_71 : f32 to vector<1024x4096xf32>
    %select_n3A_73 = arith.select %eq3A_70, %broadcast_in_dim3A_72, %select_n3A_57 : vector<1024x4096xi1>, vector<1024x4096xf32>
    %reduce_max3A_74 = arith.constant dense<0xFF800000> : vector<1024xf32>
    %reduce_max3A_75 = vector.multi_reduction <maximumf>, %select_n3A_73, %reduce_max3A_74 [1] : vector<1024x4096xf32> to vector<1024xf32>
    %broadcast_in_dim3A_76 = vector.shape_cast %reduce_max3A_75 : vector<1024xf32> to vector<1024x1xf32>
    %eq3A_77 = vector.broadcast %broadcast_in_dim3A_76 : vector<1024x1xf32> to vector<1024x4096xf32>
    %eq3A_78 = arith.cmpf oeq, %select_n3A_73, %eq3A_77 : vector<1024x4096xf32>
    %jit3A_79 = arith.constant 4096 : i32
    %broadcast_in_dim3A_80 = vector.broadcast %jit3A_79 : i32 to vector<1024x4096xi32>
    %select_n3A_81 = arith.select %eq3A_78, %iota3A, %broadcast_in_dim3A_80 : vector<1024x4096xi1>, vector<1024x4096xi32>
    %reduce_min3A_82 = arith.constant dense<2147483647> : vector<1024xi32>
    %reduce_min3A_83 = vector.multi_reduction <minsi>, %select_n3A_81, %reduce_min3A_82 [1] : vector<1024x4096xi32> to vector<1024xi32>
    %broadcast_in_dim3A_84 = vector.shape_cast %reduce_min3A_83 : vector<1024xi32> to vector<1024x1xi32>
    %eq3A_85 = vector.broadcast %broadcast_in_dim3A_84 : vector<1024x1xi32> to vector<1024x4096xi32>
    %eq3A_86 = arith.cmpi eq, %iota3A, %eq3A_85 : vector<1024x4096xi32>
    %jit3A_87 = arith.constant 0xFF800000 : f32
    %broadcast_in_dim3A_88 = vector.broadcast %jit3A_87 : f32 to vector<1024x4096xf32>
    %select_n3A_89 = arith.select %eq3A_86, %broadcast_in_dim3A_88, %select_n3A_73 : vector<1024x4096xi1>, vector<1024x4096xf32>
    %reduce_max3A_90 = arith.constant dense<0xFF800000> : vector<1024xf32>
    %reduce_max3A_91 = vector.multi_reduction <maximumf>, %select_n3A_89, %reduce_max3A_90 [1] : vector<1024x4096xf32> to vector<1024xf32>
    %broadcast_in_dim3A_92 = vector.shape_cast %reduce_max3A_91 : vector<1024xf32> to vector<1024x1xf32>
    %eq3A_93 = vector.broadcast %broadcast_in_dim3A_92 : vector<1024x1xf32> to vector<1024x4096xf32>
    %eq3A_94 = arith.cmpf oeq, %select_n3A_89, %eq3A_93 : vector<1024x4096xf32>
    %jit3A_95 = arith.constant 4096 : i32
    %broadcast_in_dim3A_96 = vector.broadcast %jit3A_95 : i32 to vector<1024x4096xi32>
    %select_n3A_97 = arith.select %eq3A_94, %iota3A, %broadcast_in_dim3A_96 : vector<1024x4096xi1>, vector<1024x4096xi32>
    %reduce_min3A_98 = arith.constant dense<2147483647> : vector<1024xi32>
    %reduce_min3A_99 = vector.multi_reduction <minsi>, %select_n3A_97, %reduce_min3A_98 [1] : vector<1024x4096xi32> to vector<1024xi32>
    %broadcast_in_dim3A_100 = arith.constant 0.000000e+00 : f32
    %broadcast_in_dim3A_101 = vector.broadcast %broadcast_in_dim3A_100 : f32 to vector<1024xf32>
    %broadcast_in_dim3A_102 = arith.constant 0 : i32
    %broadcast_in_dim3A_103 = vector.broadcast %broadcast_in_dim3A_102 : i32 to vector<1024xi32>
    %stack3A = vector.shape_cast %reduce_max3A_15 : vector<1024xf32> to vector<1x1024xf32>
    %stack3A_104 = vector.shape_cast %reduce_max3A_27 : vector<1024xf32> to vector<1x1024xf32>
    %stack3A_105 = vector.shape_cast %reduce_max3A_43 : vector<1024xf32> to vector<1x1024xf32>
    %stack3A_106 = vector.shape_cast %reduce_max3A_59 : vector<1024xf32> to vector<1x1024xf32>
    %stack3A_107 = vector.shape_cast %reduce_max3A_75 : vector<1024xf32> to vector<1x1024xf32>
    %stack3A_108 = vector.shape_cast %reduce_max3A_91 : vector<1024xf32> to vector<1x1024xf32>
    %stack3A_109 = vector.shape_cast %broadcast_in_dim3A_101 : vector<1024xf32> to vector<1x1024xf32>
    %stack3A_110 = vector.shape_cast %broadcast_in_dim3A_101 : vector<1024xf32> to vector<1x1024xf32>
    %stack3A_111 = tpu.concatenate %stack3A, %stack3A_104, %stack3A_105, %stack3A_106, %stack3A_107, %stack3A_108, %stack3A_109, %stack3A_110 in 0 : vector<1x1024xf32>, vector<1x1024xf32>, vector<1x1024xf32>, vector<1x1024xf32>, vector<1x1024xf32>, vector<1x1024xf32>, vector<1x1024xf32>, vector<1x1024xf32> -> vector<8x1024xf32>
    %swap3A = arith.constant 0 : index
    %swap3A_112 = arith.constant 0 : index
    %swap3A_113 = vector.load %arg3[%swap3A, %swap3A_112] : memref<8x1024xf32, #tpu.memory_space<vmem>>, vector<8x1024xf32>
    tpu.vector_store %arg3[%swap3A, %swap3A_112], %stack3A_111 {strides = array<i32>} : memref<8x1024xf32, #tpu.memory_space<vmem>>, vector<8x1024xf32>,
    %stack3A_114 = vector.shape_cast %reduce_min3A_19 : vector<1024xi32> to vector<1x1024xi32>
    %stack3A_115 = vector.shape_cast %reduce_min3A_35 : vector<1024xi32> to vector<1x1024xi32>
    %stack3A_116 = vector.shape_cast %reduce_min3A_51 : vector<1024xi32> to vector<1x1024xi32>
    %stack3A_117 = vector.shape_cast %reduce_min3A_67 : vector<1024xi32> to vector<1x1024xi32>
    %stack3A_118 = vector.shape_cast %reduce_min3A_83 : vector<1024xi32> to vector<1x1024xi32>
    %stack3A_119 = vector.shape_cast %reduce_min3A_99 : vector<1024xi32> to vector<1x1024xi32>
    %stack3A_120 = vector.shape_cast %broadcast_in_dim3A_103 : vector<1024xi32> to vector<1x1024xi32>
    %stack3A_121 = vector.shape_cast %broadcast_in_dim3A_103 : vector<1024xi32> to vector<1x1024xi32>
    %stack3A_122 = tpu.concatenate %stack3A_114, %stack3A_115, %stack3A_116, %stack3A_117, %stack3A_118, %stack3A_119, %stack3A_120, %stack3A_121 in 0 : vector<1x1024xi32>, vector<1x1024xi32>, vector<1x1024xi32>, vector<1x1024xi32>, vector<1x1024xi32>, vector<1x1024xi32>, vector<1x1024xi32>, vector<1x1024xi32> -> vector<8x1024xi32>
    %swap3A_123 = arith.constant 0 : index
    %swap3A_124 = arith.constant 0 : index
    %swap3A_125 = vector.load %arg4[%swap3A_123, %swap3A_124] : memref<8x1024xi32, #tpu.memory_space<vmem>>, vector<8x1024xi32>
    tpu.vector_store %arg4[%swap3A_123, %swap3A_124], %stack3A_122 {strides = array<i32>} : memref<8x1024xi32, #tpu.memory_space<vmem>>, vector<8x1024xi32>,
    return
  }
  func.func @transform_0(%arg0: i32) -> (i32, i32) {
    %c0_i32 = arith.constant 0 : i32
    %c0_i32_0 = arith.constant 0 : i32
    return %arg0, %c0_i32 : i32, i32
  }
  func.func @transform_1(%arg0: i32) -> (i32, i32) {
    %c0_i32 = arith.constant 0 : i32
    %c0_i32_0 = arith.constant 0 : i32
    %c0_i32_1 = arith.constant 0 : i32
    return %c0_i32, %c0_i32_0 : i32, i32
  }
  func.func @transform_2(%arg0: i32) -> (i32, i32) {
    %c0_i32 = arith.constant 0 : i32
    %c0_i32_0 = arith.constant 0 : i32
    return %c0_i32, %arg0 : i32, i32
  }
  func.func @transform_3(%arg0: i32) -> (i32, i32) {
    %c0_i32 = arith.constant 0 : i32
    %c0_i32_0 = arith.constant 0 : i32
    return %c0_i32, %arg0 : i32, i32
  }
}

</mosaic_0001>

<sc_bundles>
// kernel: gather_offload_async_start
scs
__scs_entry_jumppad:
0x0: {  	(pc) =	sbr.rel $0x88, $3  }
0x1: {  	(tag) =	ssettag $0x0;
	lr =	simm.s32 $0x1  }
0x2: {  	[smem:$0x3F9D] =	sst lr;
	_ =	strace $0xD0000000  }
0x3: {  	_ = 	snop  }
0x4: {  	_ = 	snop  }
0x5: {  	_ = 	snop  }
0x6: {  	_ = 	snop  }
0x7: {  	_ = 	snop  }
__scs_overlays_trampoline_lowered:
0x8: {  	[smem:$0x3FAC] =	sst s0  }
0x9: {  	[smem:$0x3FAD] =	sst s1  }
0xa: {  	[smem:$0x3FAE] =	sst s2  }
0xb: {  	[smem:$0x3FAF] =	sst s3  }
0xc: {  	[smem:$0x3FB0] =	sst s4  }
0xd: {  	[smem:$0x3FB1] =	sst s5  }
0xe: {  	[smem:$0x3FB2] =	sst s6  }
0xf: {  	[smem:$0x3FB3] =	sst s7  }
0x10: {  	[smem:$0x3FB4] =	sst s8  }
0x11: {  	[smem:$0x3FB5] =	sst s9;
	s0 =	simm.s32 @!p0 $0x0  }
0x12: {  	s1 =	sld [smem:$0x3F9B];
	s0 =	simm.s32 @p0 $0x1  }
0x13: {  	[smem:$0x3FB6] =	sst s0;
	s0 =	simm.s32 @!p1 $0x0  }
0x14: {  	s2 =	sld [smem:$0x3F9A];
	s0 =	simm.s32 @p1 $0x1  }
0x15: {  	[smem:$0x3FB7] =	sst s0;
	s0 =	simm.s32 @!p2 $0x0  }
0x16: {  	s3 =	sld [smem:$0x3FDB];
	s0 =	simm.s32 @p2 $0x1  }
0x17: {  	s4 =	simm.s32 $0x1BF5;
	[smem:$0x3FB9] =	sst s0  }
0x18: {  	s0 =	sld [smem:$0x3F9C];
	_ =	swait.ge [sflag:s4], $0x0  }
0x19: {  	s7 =	sld [smem:$0x3F9D]  }
0x1a: {  	s8 =	sadd.s32 $0xFFFFE003, lr  }
0x1b: {  	s9 =	sadd.s32 $0xFFFFFEF7, lr;
	s5 =	simm.s32 $0xFFFFFFFF;
	p2 =	slt.u32 s8, $0xFFFFF086  }
0x1c: {  	p1 =	slt.u32 s9, $0xF7A;
	s5 =	simm.s32 @!p2 $0x0  }
0x1d: {  	s5 =	simm.s32 @p1 $0x1;
	p0 =	seq.s32 s7, s2  }
0x1e: {  	s7 =	smul.u32 @!p0 $0xF7A, s2;
	p2 =	seq.s32 @!p0 s5, $0x0  }
0x1f: {  	s9 =	smul.u32 $0xF7A, s1;
	s8 =	simm.s32 @!p0 $0x1BF5;
	p2 =	por !p2, p0  }
0x20: {  	[sflag:s8] =	ssyncset.s32 @!p0 $0xFFFFF086;
	s6 =	sadd.s32 @!p0 s3, s7;
	s7 =	simm.s32 @!p0 $0x108  }
0x21: {  	s3 =	sadd.s32 s3, s9;
	s6 =	sadd.s32 @!p0 $0x88, s6;
	s7 =	simm.s32 @p2 $0x1082  }
0x22: {  	[simem:s7], [sflag:s8] =	dma.local @!p0 [hbm:s6], $0xF7A  }
0x23: {  	s9 =	sor.u32 $0xD0000000, s2;
	s6 =	simm.s32 $0x108;
	_ =	swait.ge @!p0 [sflag:s8], $0x0  }
0x24: {  	s3 =	sadd.s32 $0x88, s3;
	s6 =	simm.s32 @!p1 $0x1082;
	[sflag:s4] =	ssyncset.s32 $0xFFFFF086  }
0x25: {  	[simem:s6], [sflag:s4] =	dma.local [hbm:s3], $0xF7A  }
0x26: {  	[smem:$0x3F9D] =	sst s1;
	(tag) =	ssettag s2;
	_ =	strace s9  }
0x27: {  	s1 =	sld [smem:$0x3FAD]  }
0x28: {  	s2 =	sld [smem:$0x3FAE]  }
0x29: {  	s4 =	sld [smem:$0x3FB0]  }
0x2a: {  	p0 =	seq.s32 s5, $0x0;
	s5 =	sld [smem:$0x3FB1]  }
0x2b: {  	s6 =	sld [smem:$0x3FB2]  }
0x2c: {  	s7 =	sld [smem:$0x3FB3]  }
0x2d: {  	s3 =	simm.s32 $0x108;
	s8 =	sld [smem:$0x3FB4]  }
0x2e: {  	s3 =	simm.s32 @!p0 $0x1082;
	s9 =	sld [smem:$0x3FB5]  }
0x2f: {  	lr =	sadd.s32 s0, s3;
	s0 =	sld [smem:$0x3FAC]  }
0x30: {  	s3 =	sld [smem:$0x3FAF]  }
0x31: {  	[smem:$0x3FB8] =	sst s10  }
0x32: {  	s10 =	sld [smem:$0x3FB6];
	_ =	sdelay $0x3  }
0x33: {  	p0 =	seq.s32 s10, $0x1;
	s10 =	sld [smem:$0x3FB8];
	_ =	sdelay $0x3  }
0x34: {  	[smem:$0x3FB8] =	sst s10  }
0x35: {  	s10 =	sld [smem:$0x3FB7];
	_ =	sdelay $0x3  }
0x36: {  	p1 =	seq.s32 s10, $0x1;
	s10 =	sld [smem:$0x3FB8];
	_ =	sdelay $0x3  }
0x37: {  	[smem:$0x3FB8] =	sst s10  }
0x38: {  	s10 =	sld [smem:$0x3FB9]  }
0x39: {  	_ = 	snop;
	(pc) =	sbr.ind lr, $3  }
0x3a: {  	_ = 	snop  }
0x3b: {  	_ = 	snop  }
0x3c: {  	p2 =	seq.s32 s10, $0x1;
	s10 =	sld [smem:$0x3FB8]  }
0x3d: {  	_ =	shalt  }
0x3e: {  	_ =	shalt  }
0x3f: {  	_ =	shalt  }
0x40: {  	_ =	shalt  }
0x41: {  	_ =	shalt  }
0x42: {  	_ =	shalt  }
0x43: {  	_ =	shalt  }
0x44: {  	_ =	shalt  }
0x45: {  	_ =	shalt  }
0x46: {  	_ =	shalt  }
0x47: {  	_ =	shalt  }
0x48: {  	_ =	shalt  }
0x49: {  	_ =	shalt  }
0x4a: {  	_ =	shalt  }
0x4b: {  	_ =	shalt  }
0x4c: {  	_ =	shalt  }
0x4d: {  	_ =	shalt  }
0x4e: {  	_ =	shalt  }
0x4f: {  	_ =	shalt  }
0x50: {  	_ =	shalt  }
0x51: {  	_ =	shalt  }
0x52: {  	_ =	shalt  }
0x53: {  	_ =	shalt  }
0x54: {  	_ =	shalt  }
0x55: {  	_ =	shalt  }
0x56: {  	_ =	shalt  }
0x57: {  	_ =	shalt  }
0x58: {  	_ =	shalt  }
0x59: {  	_ =	shalt  }
0x5a: {  	_ =	shalt  }
0x5b: {  	_ =	shalt  }
0x5c: {  	_ =	shalt  }
0x5d: {  	_ =	shalt  }
0x5e: {  	_ =	shalt  }
0x5f: {  	_ =	shalt  }
0x60: {  	_ =	shalt  }
0x61: {  	_ =	shalt  }
0x62: {  	_ =	shalt  }
0x63: {  	_ =	shalt  }
0x64: {  	_ =	shalt  }
0x65: {  	_ =	shalt  }
0x66: {  	_ =	shalt  }
0x67: {  	_ =	shalt  }
0x68: {  	_ =	shalt  }
0x69: {  	_ =	shalt  }
0x6a: {  	_ =	shalt  }
0x6b: {  	_ =	shalt  }
0x6c: {  	_ =	shalt  }
0x6d: {  	_ =	shalt  }
0x6e: {  	_ =	shalt  }
0x6f: {  	_ =	shalt  }
0x70: {  	_ =	shalt  }
0x71: {  	_ =	shalt  }
0x72: {  	_ =	shalt  }
0x73: {  	_ =	shalt  }
0x74: {  	_ =	shalt  }
0x75: {  	_ =	shalt  }
0x76: {  	_ =	shalt  }
0x77: {  	_ =	shalt  }
0x78: {  	_ =	shalt  }
0x79: {  	_ =	shalt  }
0x7a: {  	_ =	shalt  }
0x7b: {  	_ =	shalt  }
0x7c: {  	_ =	shalt  }
0x7d: {  	_ =	shalt  }
0x7e: {  	_ =	shalt  }
0x7f: {  	_ =	shalt  }
0x80: {  	_ =	shalt  }
0x81: {  	_ =	shalt  }
0x82: {  	_ =	shalt  }
0x83: {  	_ =	shalt  }
0x84: {  	_ =	shalt  }
0x85: {  	_ =	shalt  }
0x86: {  	_ =	shalt  }
0x87: {  	_ =	shalt  }
.Lfunc_end0:
.L_simem_size_0:
called_computation_lowered:
.L_overlay_start_0:
0x88: {  	s2 =	sld [smem:$0x3FD9]  }
0x89: {  	s3 =	sld [smem:$0x3FFE];
	_ =	sdelay $0x1  }
0x8a: {  	s1 =	srdreg.scid  }
0x8b: {  	s0 =	sand.u32 $0x1, s1  }
0x8c: {  	s17 =	sshll.u32 s0, $0xA;
	s2 =	sadd.s32 s3, s2  }
0x8d: {  	s2 =	sadd.s32 s2, s17  }
0x8e: {  	[smem:$0x3FC4] =	sst s2  }
0x8f: {  	_ = 	snop  }
0x90: {  	s2 =	sld [smem:$0x3FC8];
	(tm) =	ssettm $0x1  }
0x91: {  	s18 =	sld [smem:$0x3FFB];
	_ =	sdelay $0x3  }
0x92: {  	_ =	strace s18  }
0x93: {  	s3 =	sld [smem:$0x3FFC];
	_ =	sdelay $0x3  }
0x94: {  	_ =	strace s3  }
0x95: {  	s3 =	sld [smem:$0x3FFD];
	_ =	sdelay $0x3  }
0x96: {  	_ =	strace s3  }
0x97: {  	_ =	strace $0x8FFFFFFF  }
0x98: {  	s19 =	sld [smem:$0x3FDB];
	_ =	sdelay $0x1  }
0x99: {  	s4 =	simm.s32 $_scs_section_size  }
0x9a: {  	s5 =	simm.s32 $_size__tile_overlayer_lowered;
	s6 =	simm.s32 $_tile_overlayer_lowered  }
0x9b: {  	s22 =	simm.s32 $0x1BFF;
	s21 =	sshll.u32 s6, $0x1;
	s3 =	sadd.s32 s4, s19  }
0x9c: {  	s7 =	simm.s32 $0x0;
	s20 =	sshll.u32 s5, $0x1;
	s5 =	sadd.s32 s21, s3  }
0x9d: {  	[timem:s7], [sflag:s22] =	dma.local [hbm:s5], s20  }
0x9e: {  	_ =	swait.ge [sflag:s22], s20  }
0x9f: {  	s4 =	ssub.s32 $0x0, s20;
	[sflag:s22] =	ssyncset.done $0x0  }
0xa0: {  	[sflag:s22] =	ssyncadd.s32 s4;
	_ =	sdelay $0x1  }
0xa1: {  	s23 =	simm.s32 $0x1B8B  }
0xa2: {  	_ =	swait.ge [sflag:s23], $0x1  }
0xa3: {  	[sflag:s23] =	ssyncset.done $0x0  }
0xa4: {  	s25 =	simm.s32 $0x1B8E;
	s24 =	sld [smem:$0x3FFE];
	[sflag:s23] =	ssyncadd.s32 $0xFFFFFFFF  }
0xa5: {  	s26 =	simm.s32 $execute0_lowered;
	[smem:$0x3FD2] =	sst s25  }
0xa6: {  	s5 =	sshll.u32 s26, $0x1;
	_ =	strace $0x80000049;
	[dreg:$0x1] =	wrdreg $0xFFFFFFFF  }
0xa7: {  	s28 =	simm.s32 $_size_execute0_lowered;
	s3 =	sadd.s32 s3, s5;
	[dreg:$0x0] =	wrdreg $0x0  }
0xa8: {  	s5 =	sshll.u32 s28, $0x1;
	[dreg:$0x2] =	wrdreg s3  }
0xa9: {  	[dreg:$0x3] =	wrdreg s5  }
0xaa: {  	[dreg:$0x4] =	wrdreg $0xC0  }
0xab: {  	_ =	task [dreg:s7], $0x5FFFF  }
0xac: {  	[dreg:$0x1] =	wrdreg $0xFFFFFFFF  }
0xad: {  	[dreg:$0x0] =	wrdreg $0x60  }
0xae: {  	[dreg:$0x2] =	wrdreg s2  }
0xaf: {  	[dreg:$0x3] =	wrdreg s24  }
0xb0: {  	[dreg:$0x4] =	wrdreg $0x9  }
0xb1: {  	_ =	task.clear_ibuf [dreg:s7], $0x5FFFF;
	_ =	strace $0x90000049  }
0xb2: {  	s29 =	simm.s32 $0x9;
	_ =	strace $0x8000004B  }
0xb3: {  	_ =	swait.ge [sflag:s29], $0x1  }
0xb4: {  	[sflag:s29] =	ssyncadd.s32 $0xFFFFFFFF  }
0xb5: {  	_ =	strace $0x9000004B  }
0xb6: {  	_ =	sfence  }
0xb7: {  	s30 =	sld [smem:$0x0];
	_ =	sdelay $0x2  }
0xb8: {  	s31 =	sshll.u32 s1, $0xD;
	s1 =	sshrl.u32 s1, $0x2  }
0xb9: {  	s3 =	sand.u32 $0x4000, s31;
	s1 =	sadd.s32 s1, s30  }
0xba: {  	s0 =	sor.u32 s3, s0;
	s1 =	sshll.u32 s1, $0x11  }
0xbb: {  	s0 =	sor.u32 s1, s0  }
0xbc: {  	s0 =	sadd.s32 $0x8F2B, s0  }
0xbd: {  	[sflag:s0] =	ssyncadd.remote.s32 $0x1  }
0xbe: {  	_ =	sfence.sel $0xFFFF  }
0xbf: {  	[dreg:$0x0] =	wrdreg $0xFFFFFFFF;
	(pc) =	sbr.abs _section_cstart, $3  }
0xc0: {  	[dreg:$0x1] =	wrdreg $0xFFFFFFFF  }
0xc1: {  	_ =	task.clear_ibuf [dreg:s7], $0x2FFFF;
	_ =	strace $0x9FFFFFFF  }
0xc2: {  	(tm) =	ssettm $0x7FFFFFFF  }
0xc3: {  	_ =	shalt  }
tec
execute0_lowered:
.L_overlay_start_1:
0x0: {  	(tag) =	ssettag $0x1  }
0x1: {  	s2 =	rddreg [dreg:$0x0]  }
0x2: {  	s0 =	srdreg.scid;
	s4 =	simm.s32 $0x400;
	s6 =	rddreg [dreg:$0x1]  }
0x3: {  	s7 =	simm.s32 $0x1;
	s8 =	simm.s32 $0x3;
	s1 =	sshll.u32 s0, $0x4  }
0x4: {  	s10 =	simm.s32 $0x4;
	s0 =	stileid.u32;
	s1 =	sand.u32 $0x10, s1  }
0x5: {  	s11 =	simm.s32 $0x0;
	s12 =	simm.s32 $0xFFFFF000;
	s1 =	sor.u32 s0, s1  }
0x6: {  	s13 =	simm.s32 $0xFFFFFC00;
	s3 =	smin.u32 s1, $0x18;
	p0 =	slt.u32 s1, $0x18  }
0x7: {  	s14 =	simm.s32 $0xFFFFFFFF;
	s3 =	sshll.u32 s3, $0xA;
	s4 =	simm.s32 @!p0 $0x0  }
0x8: {  	s18 =	simm.s32 $0x0;
	s15 =	simm.s32 $0x0;
	s5 =	sadd.s32 s4, s3  }
0x9: {  	s17 =	simm.s32 $0x0;
	s1 =	rddreg [dreg:$0x2];
	s5 =	smin.u32 s5, $0x6000  }
.Ltmp0:
0xa: {  	_ =	strace $0x8000004A;
	s9 =	ssub.s32 s5, s3;
	(pc) =	sbr.rel .LBB2_1-.Ltmp0, $4  }
0xb: {  	[sflag:s7] =	ssyncpa.u1 $0x0;
	s7 =	simm.s32 $0x2;
	p0 =	sgt.s32 s9, $0x0  }
0xc: {  	s4 =	sadd.s32 $0x1200, s6;
	[sflag:s7] =	ssyncpa.u1 $0x0;
	s9 =	simm.s32 @!p0 $0x0  }
0xd: {  	s6 =	sadd.s32 $0x1E00, s6;
	[sflag:s8] =	ssyncpa.u1 $0x0;
	s9 =	sshrl.u32 s9, $0xA  }
0xe: {  	v0 =	vlaneseq.u32;
	vm0 =	vmmov $0xffff;
	s16 =	smov.u32 s3;
	[sflag:s10] =	ssyncpa.u1 $0x0;
	s10 =	sadd.s32 $0x2, s9  }
.LBB2_7:
0xf: {  	p0 =	slt.u32 s17, $0x3  }
0x10: {  	s18 =	simm.s32 @!p0 $0x4  }
0x11: {  	_ =	swait.ge @!p0 [sflag:s18], $0x100  }
0x12: {  	s19 =	sadd.s32 $0x400, s16;
	[sflag:s18] =	ssyncset.done @!p0 $0x0  }
0x13: {  	s20 =	smov.u32 s3;
	[sflag:s18] =	ssyncadd.s32 @!p0 $0xFFFFFF00;
	p0 =	slt.s32 s19, s5  }
0x14: {  	s20 =	smov.u32 @p0 s19;
	p0 =	sne.s32 s17, s10  }
.Ltmp1:
0x15: {  	_ = 	snop;
	(pc) =	sbr.rel @!p0 .LBB2_8-.Ltmp1, $4  }
0x16: {  	_ = 	snop  }
0x17: {  	s31 =	sadd.s32 $0x1, s17;
	s12 =	sadd.s32 $0x1000, s12  }
0x18: {  	s13 =	sadd.s32 $0x400, s13;
	s14 =	sadd.s32 $0x1, s14;
	s18 =	smov.u32 s15  }
0x19: {  	s15 =	smov.u32 s16;
	s17 =	smov.u32 s31;
	s16 =	smov.u32 s20  }
.LBB2_1:
0x1a: {  	p0 =	sge.u32 s17, s9  }
0x1b: {  	s19 =	smulhi.u32 @!p0 $0xAAAAAAAB, s17;
	_ =	sdelay $0x1  }
0x1c: {  	s19 =	sshrl.u32 @!p0 s19, $0x1  }
0x1d: {  	s19 =	smul.u32 @!p0 $0x3, s19;
	_ =	sdelay $0x1  }
0x1e: {  	s31 =	sadd.s32 $0xFFFFFFFF, s17;
	s20 =	sshrl.u32 @!p0 s16, $0x3;
	s19 =	ssub.s32 @!p0 s17, s19  }
0x1f: {  	s21 =	sand.u32 @!p0 $0x7, s16;
	s20 =	sadd.s32 @!p0 s4, s20;
	s19 =	sshll.u32 @!p0 s19, $0xA  }
0x20: {  	[tilespmem:s19], [sflag:$0x2] =	stream.linear.gather @!p0 [hbm4b:s20+s21], $0x400, $0x38;
	[tilespmem:$0x1600] =	vst v63  }
0x21: {  	p0 =	sge.u32 s31, s9  }
.Ltmp2:
0x22: {  	_ = 	snop;
	(pc) =	sbr.rel @p0 .LBB2_5-.Ltmp2, $1  }
0x23: {  	_ =	sdelay $0x3  }
0x24: {  	s19 =	smulhi.u32 $0xAAAAAAAB, s14;
	_ =	sdelay $0x1  }
0x25: {  	s19 =	sshrl.u32 s19, $0x1  }
0x26: {  	s19 =	smul.u32 $0xFFFFD000, s19;
	_ =	sdelay $0x1  }
0x27: {  	_ =	swait.ge [sflag:s7], $0x400;
	s19 =	sshra.s32 s19, $0x2  }
0x28: {  	[sflag:s7] =	ssyncset.done $0x0;
	s21 =	sadd.s32 s19, s13  }
0x29: {  	[sflag:s7] =	ssyncadd.s32 $0xFFFFFC00;
	(ifvalue) =	ssetifvalue $0x7FFFFFFF;
	v1 =	vld.msk [tilespmem:s21+$0x0 ss:$0x1], $0xffff;
	_ =	sdelay $0x4  }
0x2a: {  	s22 =	ssub.s32 $0x6000, s15;
	v2 =	vshrl.u32 v1, $0x11  }
0x2b: {  	p0 =	slt.s32 s22, $0x400;
	s19 =	sadd.s32 $0x10, s21;
	vm1 =	veq.s32 v1, $0x80000000;
	v2 =	vand.u32 $0x3FF, v2  }
0x2c: {  	s22 =	simm.s32 @!p0 $0x400;
	v1 =	vand.u32 $0x1FFFF, v1;
	v3 =	vsel vm1, $0xFFFFFFFF, v2;
	v2 =	vld.msk [tilespmem:s19+$0x0 ss:$0x1], $0xffff  }
0x2d: {  	p0 =	sgt.s32 s22, $0x0;
	s20 =	smov.u32 s22;
	v1 =	vsel vm1, $0xFFFFFFFF, v1;
	v4 =	vshrl.u32 v3, $0x3  }
0x2e: {  	s20 =	simm.s32 @!p0 $0x0;
	v5 =	vshll.u32 v1, $0x3;
	v1 =	vshll.u32 v1, $0x2;
	v4 =	vmul.u32 $0xC3800, v4  }
0x2f: {  	s20 =	smin.u32 s20, $0x10;
	v5 =	vand.u32 $0xFFFFFC00, v5;
	v6 =	vshll.u32 v3, $0x7;
	v1 =	vand.u32 $0x1FC, v1  }
0x30: {  	v4 =	vadd.s32 v5, v4;
	v5 =	vand.u32 $0x200, v6;
	v6 =	vmov s20  }
0x31: {  	v4 =	vor.u32 v5, v4;
	v5 =	vshrl.u32 v2, $0x11;
	vm1 =	vgt.u32 v6, v0  }
0x32: {  	s20 =	sadd.s32 $0x10, s19;
	vm2 =	veq.s32 v2, $0x80000000;
	v1 =	vor.u32 v1, v4;
	v4 =	vand.u32 $0x3FF, v5  }
0x33: {  	v6 =	vand.u32 $0x1FFFF, v2;
	v2 =	vld.msk [tilespmem:s20+$0x0 ss:$0x1], $0xffff;
	v5 =	vshrl.u32 v1, $0x2;
	v1 =	vsel vm2, $0xFFFFFFFF, v4  }
0x34: {  	v4 =	vnsel vm1, $0x7FFFFFFF, v5;
	v5 =	vsel vm2, $0xFFFFFFFF, v6;
	v6 =	vshrl.u32 v1, $0x3  }
0x35: {  	s22 =	sadd.s32 $0xFFFFFFF0, s22;
	v6 =	vmul.u32 $0xC3800, v6;
	v7 =	vshll.u32 v5, $0x3  }
0x36: {  	s23 =	sshrl.u32 s12, $0x2;
	p0 =	sgt.s32 s22, $0x0;
	s24 =	smov.u32 s22;
	v3 =	vand.u32 $0x3, v3;
	v8 =	vshll.u32 v1, $0x7;
	v7 =	vand.u32 $0xFFFFFC00, v7  }
0x37: {  	s23 =	sand.u32 $0x400, s23;
	s24 =	simm.s32 @!p0 $0x0;
	[tilespmem:s21+$0x0] =	vst v3;
	v5 =	vshll.u32 v5, $0x2;
	v3 =	vadd.s32 v7, v6;
	v6 =	vand.u32 $0x200, v8  }
0x38: {  	s31 =	smin.u32 s24, $0x10;
	s21 =	sadd.s32 $0xC00, s23;
	(ifvalue) =	ssetifvalue $0x7FFFFFFF;
	v5 =	vand.u32 $0x1FC, v5;
	vm2 =	veq.s32 v2, $0x80000000;
	v3 =	vor.u32 v6, v3  }
0x39: {  	v7 =	vmov s31;
	[tilespmem:s21], [sflag:$0x3] =	stream.indirect_vreg.gather [hbm4b:s2+s11], $0x1, v4, vm0, $0x4038;
	v4 =	vshrl.u32 v2, $0x11;
	v3 =	vor.u32 v5, v3;
	[tilespmem:$0x1600] =	vst v63  }
0x3a: {  	s23 =	simm.s32 $0x20;
	s24 =	sadd.s32 $0x10, s20;
	vm1 =	vgt.u32 v7, v0;
	v4 =	vand.u32 $0x3FF, v4;
	v3 =	vshrl.u32 v3, $0x2  }
.LBB2_3:
0x3b: {  	s23 =	sadd.s32 $0x10, s23;
	v5 =	vand.u32 $0x1FFFF, v2;
	v2 =	vld.msk [tilespmem:s24+$0x0 ss:$0x1], $0xffff;
	v4 =	vsel vm2, $0xFFFFFFFF, v4;
	v3 =	vnsel vm1, $0x7FFFFFFF, v3  }
0x3c: {  	s22 =	sadd.s32 $0xFFFFFFF0, s22;
	p0 =	slt.u32 s23, $0x3F0;
	v5 =	vsel vm2, $0xFFFFFFFF, v5;
	v6 =	vshrl.u32 v4, $0x3  }
0x3d: {  	p1 =	sgt.s32 s22, $0x0;
	s25 =	smov.u32 s22;
	v6 =	vmul.u32 $0xC3800, v6;
	v7 =	vshll.u32 v5, $0x3  }
.Ltmp3:
0x3e: {  	v9 =	vand.u32 $0x3, v1;
	v8 =	vshll.u32 v4, $0x7;
	v1 =	vmovc v4;
	s25 =	simm.s32 @!p1 $0x0;
	v7 =	vand.u32 $0xFFFFFC00, v7;
	(pc) =	sbr.rel @p0 .LBB2_3-.Ltmp3, $4  }
0x3f: {  	s21 =	sadd.s32 $0x10, s21;
	v5 =	vshll.u32 v5, $0x2;
	s25 =	smin.u32 s25, $0x10;
	v4 =	vadd.s32 v7, v6;
	v6 =	vand.u32 $0x200, v8;
	[tilespmem:s19+$0x0] =	vst v9;
	(ifvalue) =	ssetifvalue $0x7FFFFFFF  }
0x40: {  	v5 =	vand.u32 $0x1FC, v5;
	v7 =	vmov s25;
	v4 =	vor.u32 v6, v4;
	[tilespmem:s21], [sflag:$0x3] =	stream.indirect_vreg.gather [hbm4b:s2+s11], $0x1, v3, vm0, $0x4038;
	[tilespmem:$0x1600] =	vst v63  }
0x41: {  	s19 =	smov.u32 s20;
	s20 =	smov.u32 s24;
	v3 =	vshrl.u32 v2, $0x11;
	vm1 =	vgt.u32 v7, v0;
	v5 =	vor.u32 v5, v4  }
0x42: {  	s24 =	sadd.s32 $0x10, s24;
	vm2 =	veq.s32 v2, $0x80000000;
	v4 =	vand.u32 $0x3FF, v3;
	v3 =	vshrl.u32 v5, $0x2  }
0x43: {  	v2 =	vand.u32 $0x1FFFF, v2;
	v4 =	vsel vm2, $0xFFFFFFFF, v4  }
0x44: {  	v2 =	vsel vm2, $0xFFFFFFFF, v2;
	v5 =	vshrl.u32 v4, $0x3  }
0x45: {  	s22 =	sadd.s32 $0xFFFFFFF0, s22;
	v5 =	vmul.u32 $0xC3800, v5;
	v6 =	vshll.u32 v2, $0x3  }
0x46: {  	p0 =	sgt.s32 s22, $0x0;
	v7 =	vshll.u32 v4, $0x7;
	v6 =	vand.u32 $0xFFFFFC00, v6  }
0x47: {  	s22 =	simm.s32 @!p0 $0x0;
	v62 =	vand.u32 $0x200, v7;
	v2 =	vshll.u32 v2, $0x2;
	v5 =	vadd.s32 v6, v5  }
0x48: {  	s22 =	smin.u32 s22, $0x10;
	v2 =	vand.u32 $0x1FC, v2;
	v5 =	vor.u32 v62, v5  }
0x49: {  	v3 =	vnsel vm1, $0x7FFFFFFF, v3;
	v63 =	vmov s22;
	v2 =	vor.u32 v2, v5  }
0x4a: {  	vm1 =	vgt.u32 v63, v0;
	v2 =	vshrl.u32 v2, $0x2  }
0x4b: {  	v2 =	vnsel vm1, $0x7FFFFFFF, v2  }
0x4c: {  	v1 =	vand.u32 $0x3, v1  }
0x4d: {  	s31 =	sadd.s32 $0x10, s21;
	[tilespmem:s19+$0x0] =	vst v1;
	(ifvalue) =	ssetifvalue $0x7FFFFFFF  }
0x4e: {  	v1 =	vand.u32 $0x3, v4;
	[tilespmem:s31], [sflag:$0x3] =	stream.indirect_vreg.gather [hbm4b:s2+s11], $0x1, v3, vm0, $0x4038;
	[tilespmem:$0x1600] =	vst v63  }
0x4f: {  	s19 =	sadd.s32 $0x10, s31;
	[tilespmem:s20+$0x0] =	vst v1;
	(ifvalue) =	ssetifvalue $0x7FFFFFFF  }
0x50: {  	[tilespmem:s19], [sflag:$0x3] =	stream.indirect_vreg.gather [hbm4b:s2+s11], $0x1, v2, vm0, $0x4038;
	[tilespmem:$0x1600] =	vst v63  }
.LBB2_5:
0x51: {  	p0 =	slt.u32 s17, $0x2  }
0x52: {  	p1 =	sge.u32 @!p0 s17, s10  }
0x53: {  	p0 =	por p0, p1  }
.Ltmp4:
0x54: {  	_ = 	snop;
	(pc) =	sbr.rel @p0 .LBB2_7-.Ltmp4, $1  }
0x55: {  	_ =	sdelay $0x3  }
0x56: {  	s19 =	sadd.s32 $0xFFFFFFFE, s17  }
0x57: {  	s20 =	smulhi.u32 $0xAAAAAAAB, s19  }
0x58: {  	_ =	swait.ge [sflag:s8], $0x400  }
0x59: {  	s21 =	sand.u32 $0x1, s17;
	[sflag:s8] =	ssyncset.done $0x0;
	s20 =	sshrl.u32 s20, $0x1  }
0x5a: {  	s28 =	sshll.u32 s21, $0xA;
	[sflag:s8] =	ssyncadd.s32 $0xFFFFFC00;
	s20 =	smul.u32 $0x3, s20  }
0x5b: {  	v1 =	vld [tilespmem:s28+$0xC00]  }
0x5c: {  	v3 =	vld [tilespmem:s28+$0xC80];
	s20 =	ssub.s32 s19, s20  }
0x5d: {  	v6 =	vld [tilespmem:s28+$0xD00];
	s20 =	sshll.u32 s20, $0xA  }
0x5e: {  	v2 =	vld [tilespmem:s20+$0x0]  }
0x5f: {  	v4 =	vld [tilespmem:s20+$0x80]  }
0x60: {  	v5 =	vld [tilespmem:s20+$0x100]  }
0x61: {  	v7 =	vld [tilespmem:s20+$0x180];
	_ =	sdelay $0x1  }
0x62: {  	v8 =	vld [tilespmem:s28+$0xD80]  }
0x63: {  	v9 =	vld [tilespmem:s28+$0xE00];
	v2 =	vshll.u32 v2, $0x3;
	v4 =	vshll.u32 v4, $0x3  }
0x64: {  	v23 =	vld [tilespmem:s28+$0xE80];
	v1 =	vshrl.u32 v1, v2;
	v2 =	vshrl.u32 v3, v4;
	v3 =	vshll.u32 v5, $0x3  }
0x65: {  	v22 =	vld [tilespmem:s20+$0x200];
	v24 =	vshll.u32 v7, $0x3;
	v2 =	vshll.u32 v2, $0x8;
	v3 =	vshrl.u32 v6, v3  }
0x66: {  	v25 =	vld [tilespmem:s20+$0x280];
	v1 =	vand.u32 $0xFF, v1;
	v2 =	vand.u32 $0xFF00, v2;
	v3 =	vshll.u32 v3, $0x10  }
0x67: {  	v26 =	vld [tilespmem:s20+$0x300];
	v1 =	vor.u32 v1, v2;
	v2 =	vand.u32 $0xFF0000, v3;
	v3 =	vshrl.u32 v8, v24  }
0x68: {  	v1 =	vor.u32 v2, v1;
	v2 =	vshll.u32 v3, $0x18;
	v3 =	vld [tilespmem:s28+$0xF00]  }
0x69: {  	s21 =	sshll.u32 s21, $0x8;
	v1 =	vor.u32 v2, v1;
	v2 =	vld [tilespmem:s20+$0x380]  }
0x6a: {  	[tilespmem:s21+$0x1400] =	vst v1;
	v1 =	vld [tilespmem:s28+$0xF80]  }
0x6b: {  	v27 =	vld [tilespmem:s28+$0xC10]  }
0x6c: {  	v7 =	vshll.u32 v25, $0x3;
	v4 =	vshll.u32 v22, $0x3;
	v10 =	vld [tilespmem:s20+$0x10]  }
0x6d: {  	v5 =	vshrl.u32 v23, v7;
	v4 =	vshrl.u32 v9, v4;
	v6 =	vshll.u32 v26, $0x3;
	v28 =	vld [tilespmem:s28+$0xC90]  }
0x6e: {  	v5 =	vshll.u32 v5, $0x8;
	v4 =	vand.u32 $0xFF, v4;
	v29 =	vld [tilespmem:s20+$0x90];
	v3 =	vshrl.u32 v3, v6  }
0x6f: {  	v5 =	vand.u32 $0xFF00, v5;
	v30 =	vld [tilespmem:s20+$0x110];
	v3 =	vshll.u32 v3, $0x10;
	v2 =	vshll.u32 v2, $0x3  }
0x70: {  	v4 =	vor.u32 v4, v5;
	v31 =	vld [tilespmem:s20+$0x190];
	v3 =	vand.u32 $0xFF0000, v3;
	v1 =	vshrl.u32 v1, v2  }
0x71: {  	v2 =	vld [tilespmem:s28+$0xD10];
	v3 =	vor.u32 v3, v4;
	v1 =	vshll.u32 v1, $0x18  }
0x72: {  	v1 =	vor.u32 v1, v3  }
0x73: {  	v3 =	vld [tilespmem:s28+$0xD90];
	[tilespmem:s21+$0x1480] =	vst v1  }
0x74: {  	v32 =	vshll.u32 v29, $0x3;
	v34 =	vshll.u32 v30, $0x3;
	v33 =	vld [tilespmem:s28+$0xE10]  }
0x75: {  	v4 =	vshll.u32 v31, $0x3;
	v5 =	vshrl.u32 v28, v32;
	v1 =	vshll.u32 v10, $0x3;
	v35 =	vld [tilespmem:s20+$0x210]  }
0x76: {  	v5 =	vshll.u32 v5, $0x8;
	v1 =	vshrl.u32 v27, v1;
	v36 =	vld [tilespmem:s28+$0xE90];
	v2 =	vshrl.u32 v2, v34  }
0x77: {  	v5 =	vand.u32 $0xFF00, v5;
	v37 =	vld [tilespmem:s20+$0x290];
	v1 =	vand.u32 $0xFF, v1;
	v2 =	vshll.u32 v2, $0x10  }
0x78: {  	v38 =	vld [tilespmem:s20+$0x310];
	v1 =	vor.u32 v1, v5;
	v2 =	vand.u32 $0xFF0000, v2;
	v3 =	vshrl.u32 v3, v4  }
0x79: {  	v1 =	vor.u32 v2, v1;
	v2 =	vshll.u32 v3, $0x18;
	v3 =	vld [tilespmem:s28+$0xF10]  }
0x7a: {  	v1 =	vor.u32 v2, v1;
	v2 =	vld [tilespmem:s20+$0x390]  }
0x7b: {  	[tilespmem:s21+$0x1410] =	vst v1;
	v1 =	vld [tilespmem:s28+$0xF90]  }
0x7c: {  	v39 =	vld [tilespmem:s28+$0xC20]  }
0x7d: {  	v8 =	vshll.u32 v35, $0x3;
	v9 =	vshll.u32 v37, $0x3;
	v40 =	vld [tilespmem:s20+$0x20]  }
0x7e: {  	v4 =	vshll.u32 v38, $0x3;
	v6 =	vshrl.u32 v33, v8;
	v7 =	vshrl.u32 v36, v9;
	v41 =	vld [tilespmem:s28+$0xCA0]  }
0x7f: {  	v6 =	vand.u32 $0xFF, v6;
	v7 =	vshll.u32 v7, $0x8;
	v42 =	vld [tilespmem:s20+$0xA0];
	v3 =	vshrl.u32 v3, v4  }
0x80: {  	v43 =	vld [tilespmem:s20+$0x120];
	v7 =	vand.u32 $0xFF00, v7;
	v3 =	vshll.u32 v3, $0x10;
	v2 =	vshll.u32 v2, $0x3  }
0x81: {  	v44 =	vld [tilespmem:s20+$0x1A0];
	v6 =	vor.u32 v6, v7;
	v3 =	vand.u32 $0xFF0000, v3;
	v1 =	vshrl.u32 v1, v2  }
0x82: {  	v2 =	vld [tilespmem:s28+$0xD20];
	v3 =	vor.u32 v3, v6;
	v1 =	vshll.u32 v1, $0x18  }
0x83: {  	v1 =	vor.u32 v1, v3  }
0x84: {  	v3 =	vld [tilespmem:s28+$0xDA0];
	[tilespmem:s21+$0x1490] =	vst v1  }
0x85: {  	v4 =	vshll.u32 v42, $0x3;
	v46 =	vshll.u32 v43, $0x3;
	v45 =	vld [tilespmem:s28+$0xE20]  }
0x86: {  	v6 =	vshll.u32 v44, $0x3;
	v4 =	vshrl.u32 v41, v4;
	v1 =	vshll.u32 v40, $0x3;
	v47 =	vld [tilespmem:s20+$0x220]  }
0x87: {  	v4 =	vshll.u32 v4, $0x8;
	v1 =	vshrl.u32 v39, v1;
	v48 =	vld [tilespmem:s28+$0xEA0];
	v2 =	vshrl.u32 v2, v46  }
0x88: {  	v4 =	vand.u32 $0xFF00, v4;
	v49 =	vld [tilespmem:s20+$0x2A0];
	v1 =	vand.u32 $0xFF, v1;
	v2 =	vshll.u32 v2, $0x10  }
0x89: {  	v50 =	vld [tilespmem:s20+$0x320];
	v1 =	vor.u32 v1, v4;
	v2 =	vand.u32 $0xFF0000, v2;
	v3 =	vshrl.u32 v3, v6  }
0x8a: {  	v1 =	vor.u32 v2, v1;
	v2 =	vshll.u32 v3, $0x18;
	v3 =	vld [tilespmem:s28+$0xF20]  }
0x8b: {  	v1 =	vor.u32 v2, v1;
	v2 =	vld [tilespmem:s20+$0x3A0]  }
0x8c: {  	[tilespmem:s21+$0x1420] =	vst v1;
	v1 =	vld [tilespmem:s28+$0xFA0]  }
0x8d: {  	v51 =	vld [tilespmem:s28+$0xC30]  }
0x8e: {  	v8 =	vshll.u32 v47, $0x3;
	v9 =	vshll.u32 v49, $0x3;
	v52 =	vld [tilespmem:s20+$0x30]  }
0x8f: {  	v4 =	vshll.u32 v50, $0x3;
	v7 =	vshrl.u32 v45, v8;
	v5 =	vshrl.u32 v48, v9;
	v53 =	vld [tilespmem:s28+$0xCB0]  }
0x90: {  	v7 =	vand.u32 $0xFF, v7;
	v5 =	vshll.u32 v5, $0x8;
	v54 =	vld [tilespmem:s20+$0xB0];
	v3 =	vshrl.u32 v3, v4  }
0x91: {  	v55 =	vld [tilespmem:s20+$0x130];
	v5 =	vand.u32 $0xFF00, v5;
	v3 =	vshll.u32 v3, $0x10;
	v2 =	vshll.u32 v2, $0x3  }
0x92: {  	v56 =	vld [tilespmem:s20+$0x1B0];
	v5 =	vor.u32 v7, v5;
	v3 =	vand.u32 $0xFF0000, v3;
	v1 =	vshrl.u32 v1, v2  }
0x93: {  	v2 =	vld [tilespmem:s28+$0xD30];
	v3 =	vor.u32 v3, v5;
	v1 =	vshll.u32 v1, $0x18  }
0x94: {  	v1 =	vor.u32 v1, v3  }
0x95: {  	v3 =	vld [tilespmem:s28+$0xDB0];
	[tilespmem:s21+$0x14A0] =	vst v1  }
0x96: {  	v4 =	vshll.u32 v54, $0x3;
	v58 =	vshll.u32 v55, $0x3;
	v57 =	vld [tilespmem:s28+$0xE30]  }
0x97: {  	v5 =	vshll.u32 v56, $0x3;
	v4 =	vshrl.u32 v53, v4;
	v1 =	vshll.u32 v52, $0x3;
	v59 =	vld [tilespmem:s20+$0x230]  }
0x98: {  	v4 =	vshll.u32 v4, $0x8;
	v1 =	vshrl.u32 v51, v1;
	v60 =	vld [tilespmem:s28+$0xEB0];
	v2 =	vshrl.u32 v2, v58  }
0x99: {  	v4 =	vand.u32 $0xFF00, v4;
	v61 =	vld [tilespmem:s20+$0x2B0];
	v1 =	vand.u32 $0xFF, v1;
	v2 =	vshll.u32 v2, $0x10  }
0x9a: {  	v62 =	vld [tilespmem:s20+$0x330];
	v1 =	vor.u32 v1, v4;
	v2 =	vand.u32 $0xFF0000, v2;
	v3 =	vshrl.u32 v3, v5  }
0x9b: {  	v1 =	vor.u32 v2, v1;
	v2 =	vshll.u32 v3, $0x18;
	v3 =	vld [tilespmem:s28+$0xF30]  }
0x9c: {  	v1 =	vor.u32 v2, v1;
	v2 =	vld [tilespmem:s20+$0x3B0]  }
0x9d: {  	[tilespmem:s21+$0x1430] =	vst v1;
	v1 =	vld [tilespmem:s28+$0xFB0]  }
0x9e: {  	v63 =	vld [tilespmem:s28+$0xC40]  }
0x9f: {  	v8 =	vshll.u32 v59, $0x3;
	v9 =	vshll.u32 v61, $0x3;
	v12 =	vld [tilespmem:s20+$0x40]  }
0xa0: {  	v4 =	vshll.u32 v62, $0x3;
	v7 =	vshrl.u32 v57, v8;
	v6 =	vshrl.u32 v60, v9;
	v13 =	vld [tilespmem:s28+$0xCC0]  }
0xa1: {  	v7 =	vand.u32 $0xFF, v7;
	v6 =	vshll.u32 v6, $0x8;
	v14 =	vld [tilespmem:s20+$0xC0];
	v3 =	vshrl.u32 v3, v4  }
0xa2: {  	v15 =	vld [tilespmem:s20+$0x140];
	v6 =	vand.u32 $0xFF00, v6;
	v3 =	vshll.u32 v3, $0x10;
	v2 =	vshll.u32 v2, $0x3  }
0xa3: {  	v16 =	vld [tilespmem:s20+$0x1C0];
	v6 =	vor.u32 v7, v6;
	v3 =	vand.u32 $0xFF0000, v3;
	v1 =	vshrl.u32 v1, v2  }
0xa4: {  	v2 =	vld [tilespmem:s28+$0xD40];
	v3 =	vor.u32 v3, v6;
	v1 =	vshll.u32 v1, $0x18  }
0xa5: {  	v1 =	vor.u32 v1, v3  }
0xa6: {  	v3 =	vld [tilespmem:s28+$0xDC0];
	[tilespmem:s21+$0x14B0] =	vst v1  }
0xa7: {  	v4 =	vshll.u32 v14, $0x3;
	v18 =	vshll.u32 v15, $0x3;
	v17 =	vld [tilespmem:s28+$0xE40]  }
0xa8: {  	v6 =	vshll.u32 v16, $0x3;
	v4 =	vshrl.u32 v13, v4;
	v1 =	vshll.u32 v12, $0x3;
	v19 =	vld [tilespmem:s20+$0x240]  }
0xa9: {  	v4 =	vshll.u32 v4, $0x8;
	v1 =	vshrl.u32 v63, v1;
	v20 =	vld [tilespmem:s28+$0xEC0];
	v2 =	vshrl.u32 v2, v18  }
0xaa: {  	v4 =	vand.u32 $0xFF00, v4;
	v21 =	vld [tilespmem:s20+$0x2C0];
	v1 =	vand.u32 $0xFF, v1;
	v2 =	vshll.u32 v2, $0x10  }
0xab: {  	v22 =	vld [tilespmem:s20+$0x340];
	v1 =	vor.u32 v1, v4;
	v2 =	vand.u32 $0xFF0000, v2;
	v3 =	vshrl.u32 v3, v6  }
0xac: {  	v1 =	vor.u32 v2, v1;
	v2 =	vshll.u32 v3, $0x18;
	v3 =	vld [tilespmem:s28+$0xF40]  }
0xad: {  	v1 =	vor.u32 v2, v1;
	v2 =	vld [tilespmem:s20+$0x3C0]  }
0xae: {  	[tilespmem:s21+$0x1440] =	vst v1;
	v1 =	vld [tilespmem:s28+$0xFC0]  }
0xaf: {  	v23 =	vld [tilespmem:s28+$0xC50]  }
0xb0: {  	v8 =	vshll.u32 v19, $0x3;
	v9 =	vshll.u32 v21, $0x3;
	v24 =	vld [tilespmem:s20+$0x50]  }
0xb1: {  	v4 =	vshll.u32 v22, $0x3;
	v7 =	vshrl.u32 v17, v8;
	v5 =	vshrl.u32 v20, v9;
	v25 =	vld [tilespmem:s28+$0xCD0]  }
0xb2: {  	v7 =	vand.u32 $0xFF, v7;
	v5 =	vshll.u32 v5, $0x8;
	v26 =	vld [tilespmem:s20+$0xD0];
	v3 =	vshrl.u32 v3, v4  }
0xb3: {  	v27 =	vld [tilespmem:s20+$0x150];
	v5 =	vand.u32 $0xFF00, v5;
	v3 =	vshll.u32 v3, $0x10;
	v2 =	vshll.u32 v2, $0x3  }
0xb4: {  	v28 =	vld [tilespmem:s20+$0x1D0];
	v5 =	vor.u32 v7, v5;
	v3 =	vand.u32 $0xFF0000, v3;
	v1 =	vshrl.u32 v1, v2  }
0xb5: {  	v2 =	vld [tilespmem:s28+$0xD50];
	v3 =	vor.u32 v3, v5;
	v1 =	vshll.u32 v1, $0x18  }
0xb6: {  	v1 =	vor.u32 v1, v3  }
0xb7: {  	v3 =	vld [tilespmem:s28+$0xDD0];
	[tilespmem:s21+$0x14C0] =	vst v1  }
0xb8: {  	v4 =	vshll.u32 v26, $0x3;
	v30 =	vshll.u32 v27, $0x3;
	v29 =	vld [tilespmem:s28+$0xE50]  }
0xb9: {  	v5 =	vshll.u32 v28, $0x3;
	v4 =	vshrl.u32 v25, v4;
	v1 =	vshll.u32 v24, $0x3;
	v31 =	vld [tilespmem:s20+$0x250]  }
0xba: {  	v4 =	vshll.u32 v4, $0x8;
	v1 =	vshrl.u32 v23, v1;
	v32 =	vld [tilespmem:s28+$0xED0];
	v2 =	vshrl.u32 v2, v30  }
0xbb: {  	v4 =	vand.u32 $0xFF00, v4;
	v33 =	vld [tilespmem:s20+$0x2D0];
	v1 =	vand.u32 $0xFF, v1;
	v2 =	vshll.u32 v2, $0x10  }
0xbc: {  	v34 =	vld [tilespmem:s20+$0x350];
	v1 =	vor.u32 v1, v4;
	v2 =	vand.u32 $0xFF0000, v2;
	v3 =	vshrl.u32 v3, v5  }
0xbd: {  	v1 =	vor.u32 v2, v1;
	v2 =	vshll.u32 v3, $0x18;
	v3 =	vld [tilespmem:s28+$0xF50]  }
0xbe: {  	v1 =	vor.u32 v2, v1;
	v2 =	vld [tilespmem:s20+$0x3D0]  }
0xbf: {  	[tilespmem:s21+$0x1450] =	vst v1;
	v1 =	vld [tilespmem:s28+$0xFD0]  }
0xc0: {  	v35 =	vld [tilespmem:s28+$0xC60]  }
0xc1: {  	v8 =	vshll.u32 v31, $0x3;
	v9 =	vshll.u32 v33, $0x3;
	v36 =	vld [tilespmem:s20+$0x60]  }
0xc2: {  	v4 =	vshll.u32 v34, $0x3;
	v7 =	vshrl.u32 v29, v8;
	v6 =	vshrl.u32 v32, v9;
	v37 =	vld [tilespmem:s28+$0xCE0]  }
0xc3: {  	v7 =	vand.u32 $0xFF, v7;
	v6 =	vshll.u32 v6, $0x8;
	v38 =	vld [tilespmem:s20+$0xE0];
	v3 =	vshrl.u32 v3, v4  }
0xc4: {  	v39 =	vld [tilespmem:s20+$0x160];
	v6 =	vand.u32 $0xFF00, v6;
	v3 =	vshll.u32 v3, $0x10;
	v2 =	vshll.u32 v2, $0x3  }
0xc5: {  	v40 =	vld [tilespmem:s20+$0x1E0];
	v6 =	vor.u32 v7, v6;
	v3 =	vand.u32 $0xFF0000, v3;
	v1 =	vshrl.u32 v1, v2  }
0xc6: {  	v2 =	vld [tilespmem:s28+$0xD60];
	v3 =	vor.u32 v3, v6;
	v1 =	vshll.u32 v1, $0x18  }
0xc7: {  	v1 =	vor.u32 v1, v3  }
0xc8: {  	v3 =	vld [tilespmem:s28+$0xDE0];
	[tilespmem:s21+$0x14D0] =	vst v1  }
0xc9: {  	v4 =	vshll.u32 v38, $0x3;
	v42 =	vshll.u32 v39, $0x3;
	v41 =	vld [tilespmem:s28+$0xE60]  }
0xca: {  	v6 =	vshll.u32 v40, $0x3;
	v4 =	vshrl.u32 v37, v4;
	v1 =	vshll.u32 v36, $0x3;
	v43 =	vld [tilespmem:s20+$0x260]  }
0xcb: {  	v4 =	vshll.u32 v4, $0x8;
	v1 =	vshrl.u32 v35, v1;
	v44 =	vld [tilespmem:s28+$0xEE0];
	v2 =	vshrl.u32 v2, v42  }
0xcc: {  	v4 =	vand.u32 $0xFF00, v4;
	v45 =	vld [tilespmem:s20+$0x2E0];
	v1 =	vand.u32 $0xFF, v1;
	v2 =	vshll.u32 v2, $0x10  }
0xcd: {  	v46 =	vld [tilespmem:s20+$0x360];
	v1 =	vor.u32 v1, v4;
	v2 =	vand.u32 $0xFF0000, v2;
	v3 =	vshrl.u32 v3, v6  }
0xce: {  	v1 =	vor.u32 v2, v1;
	v2 =	vshll.u32 v3, $0x18;
	v3 =	vld [tilespmem:s28+$0xF60]  }
0xcf: {  	v1 =	vor.u32 v2, v1;
	v2 =	vld [tilespmem:s20+$0x3E0]  }
0xd0: {  	[tilespmem:s21+$0x1460] =	vst v1;
	v1 =	vld [tilespmem:s28+$0xFE0]  }
0xd1: {  	v8 =	vshll.u32 v43, $0x3;
	v9 =	vshll.u32 v45, $0x3;
	v47 =	vld [tilespmem:s28+$0xC70]  }
0xd2: {  	v4 =	vshll.u32 v46, $0x3;
	v7 =	vshrl.u32 v41, v8;
	v5 =	vshrl.u32 v44, v9;
	v48 =	vld [tilespmem:s20+$0x70]  }
0xd3: {  	v49 =	vld [tilespmem:s28+$0xCF0];
	v7 =	vand.u32 $0xFF, v7;
	v5 =	vshll.u32 v5, $0x8;
	v3 =	vshrl.u32 v3, v4  }
0xd4: {  	v50 =	vld [tilespmem:s20+$0xF0];
	v5 =	vand.u32 $0xFF00, v5;
	v3 =	vshll.u32 v3, $0x10;
	v2 =	vshll.u32 v2, $0x3  }
0xd5: {  	v51 =	vld [tilespmem:s28+$0xD70];
	v5 =	vor.u32 v7, v5;
	v3 =	vand.u32 $0xFF0000, v3;
	v1 =	vshrl.u32 v1, v2  }
0xd6: {  	v52 =	vld [tilespmem:s28+$0xDF0];
	v3 =	vor.u32 v3, v5;
	v1 =	vshll.u32 v1, $0x18  }
0xd7: {  	v2 =	vld [tilespmem:s20+$0x170];
	v1 =	vor.u32 v1, v3  }
0xd8: {  	v3 =	vld [tilespmem:s20+$0x1F0];
	[tilespmem:s21+$0x14E0] =	vst v1  }
0xd9: {  	v1 =	vld [tilespmem:s28+$0xE70]  }
0xda: {  	v53 =	vld [tilespmem:s20+$0x270]  }
0xdb: {  	v11 =	vld [tilespmem:s20+$0x2F0]  }
0xdc: {  	v4 =	vshll.u32 v50, $0x3;
	v54 =	vld [tilespmem:s28+$0xEF0]  }
0xdd: {  	v10 =	vshll.u32 v48, $0x3;
	v4 =	vshrl.u32 v49, v4;
	v55 =	vld [tilespmem:s20+$0x370];
	v2 =	vshll.u32 v2, $0x3  }
0xde: {  	v6 =	vshrl.u32 v47, v10;
	v4 =	vshll.u32 v4, $0x8;
	v57 =	vld [tilespmem:s20+$0x3F0];
	v2 =	vshrl.u32 v51, v2  }
0xdf: {  	v6 =	vand.u32 $0xFF, v6;
	v4 =	vand.u32 $0xFF00, v4;
	v56 =	vld [tilespmem:s28+$0xF70];
	v2 =	vshll.u32 v2, $0x10  }
0xe0: {  	v4 =	vor.u32 v6, v4;
	v3 =	vshll.u32 v3, $0x3;
	v2 =	vand.u32 $0xFF0000, v2  }
0xe1: {  	v59 =	vld [tilespmem:s28+$0xFF0];
	v3 =	vshrl.u32 v52, v3;
	v2 =	vor.u32 v2, v4  }
0xe2: {  	v58 =	vshll.u32 v11, $0x3;
	v60 =	vshll.u32 v53, $0x3;
	v61 =	vshll.u32 v55, $0x3  }
0xe3: {  	v63 =	vshll.u32 v57, $0x3;
	v3 =	vshll.u32 v3, $0x18;
	v4 =	vshrl.u32 v54, v58  }
0xe4: {  	v1 =	vshrl.u32 v1, v60;
	v5 =	vshrl.u32 v56, v61;
	v4 =	vshll.u32 v4, $0x8  }
0xe5: {  	v1 =	vand.u32 $0xFF, v1;
	v62 =	vshll.u32 v5, $0x10;
	v4 =	vand.u32 $0xFF00, v4  }
.Ltmp5:
0xe6: {  	v5 =	vshrl.u32 v59, v63;
	v1 =	vor.u32 v1, v4;
	v4 =	vand.u32 $0xFF0000, v62;
	(pc) =	sbr.rel .LBB2_7-.Ltmp5, $4  }
0xe7: {  	v2 =	vor.u32 v3, v2;
	v3 =	vshll.u32 v5, $0x18;
	v1 =	vor.u32 v4, v1  }
0xe8: {  	s29 =	sshrl.u32 s18, $0x2;
	s30 =	sshrl.u32 s18, $0x5;
	[tilespmem:s21+$0x1470] =	vst v2;
	v1 =	vor.u32 v3, v1  }
0xe9: {  	s18 =	sadd.s32 s30, s6;
	s31 =	sor.u32 $0x1400, s21;
	s19 =	sand.u32 $0x7, s29;
	[tilespmem:s21+$0x14F0] =	vst v1  }
0xea: {  	[hbm4b:s18+s19] =	stream.linear.scatter [tilespmem:s31], [sflag:$0x4], $0x100, $0x38;
	[tilespmem:$0x1600] =	vst v63  }
.LBB2_8:
0xeb: {  	_ =	sfence.sel $0x180000  }
0xec: {  	s2 =	simm.s32 $0x2;
	[bflag:$0x0] =	sbarrier.arrive $0xFFFF  }
0xed: {  	s29 =	simm.s32 $0x3;
	[sflag:s2] =	ssyncpa.u1 $0x1  }
0xee: {  	s30 =	simm.s32 $0x4;
	[sflag:s29] =	ssyncpa.u1 $0x1  }
0xef: {  	s31 =	simm.s32 $0x1;
	[sflag:s30] =	ssyncpa.u1 $0x1  }
0xf0: {  	[sflag:s31] =	ssyncpa.u1 $0x1  }
0xf1: {  	p0 =	sne.s32 s0, $0x0;
	_ =	strace $0x9000004A  }
0xf2: {  	s0 =	sadd.s32 @!p0 $0x100000, s1;
	[bflag:$0x2] =	sbarrier.arrive $0xFFFF  }
0xf3: {  	[sflag:s0] =	ssyncadd.tile.s32 @!p0 $0x1;
	_ =	shalt  }
.Lfunc_end2:
_tile_overlayer_lowered:
.L_overlay_start_2:
0xf4: {  	(tag) =	ssettag $0x2  }
0xf5: {  	s0 =	rddreg [dreg:$0x0];
	s2 =	stileid.u32  }
0xf6: {  	s1 =	rddreg [dreg:$0x1];
	p0 =	sne.s32 s2, $0x0  }
0xf7: {  	s3 =	rddreg [dreg:$0x2];
	[bflag:$0x3] =	sbarrier.arrive $0xFFFF;
	s2 =	simm.s32 @!p0 $0x1C01  }
0xf8: {  	[timem:s3], [sflag:s2] =	dma.local @!p0 [hbm:s0], s1  }
0xf9: {  	s0 =	simm.s32 @!p0 $0x1  }
0xfa: {  	_ =	swait.ge @!p0 [sflag:s0], s1  }
0xfb: {  	s1 =	ssub.s32 @!p0 $0x0, s1;
	[sflag:s0] =	ssyncset.done @!p0 $0x0  }
0xfc: {  	[sflag:s0] =	ssyncadd.s32 @!p0 s1  }
0xfd: {  	[bflag:$0x3] =	sbarrier.arrive $0xFFFF  }
0xfe: {  	_ =	shalt  }

// kernel: kernel.5.cloned.1.call-start
scs
__scs_entry_jumppad:
0x0: {  	(pc) =	sbr.rel $0x88, $3  }
0x1: {  	(tag) =	ssettag $0x0;
	lr =	simm.s32 $0x1  }
0x2: {  	[smem:$0x3F9D] =	sst lr;
	_ =	strace $0xD0000000  }
0x3: {  	_ = 	snop  }
0x4: {  	_ = 	snop  }
0x5: {  	_ = 	snop  }
0x6: {  	_ = 	snop  }
0x7: {  	_ = 	snop  }
__scs_overlays_trampoline_lowered:
0x8: {  	[smem:$0x3FAC] =	sst s0  }
0x9: {  	[smem:$0x3FAD] =	sst s1  }
0xa: {  	[smem:$0x3FAE] =	sst s2  }
0xb: {  	[smem:$0x3FAF] =	sst s3  }
0xc: {  	[smem:$0x3FB0] =	sst s4  }
0xd: {  	[smem:$0x3FB1] =	sst s5  }
0xe: {  	[smem:$0x3FB2] =	sst s6  }
0xf: {  	[smem:$0x3FB3] =	sst s7  }
0x10: {  	[smem:$0x3FB4] =	sst s8  }
0x11: {  	[smem:$0x3FB5] =	sst s9;
	s0 =	simm.s32 @!p0 $0x0  }
0x12: {  	s1 =	sld [smem:$0x3F9B];
	s0 =	simm.s32 @p0 $0x1  }
0x13: {  	[smem:$0x3FB6] =	sst s0;
	s0 =	simm.s32 @!p1 $0x0  }
0x14: {  	s2 =	sld [smem:$0x3F9A];
	s0 =	simm.s32 @p1 $0x1  }
0x15: {  	[smem:$0x3FB7] =	sst s0;
	s0 =	simm.s32 @!p2 $0x0  }
0x16: {  	s3 =	sld [smem:$0x3FDB];
	s0 =	simm.s32 @p2 $0x1  }
0x17: {  	s4 =	simm.s32 $0x1BF5;
	[smem:$0x3FB9] =	sst s0  }
0x18: {  	s0 =	sld [smem:$0x3F9C];
	_ =	swait.ge [sflag:s4], $0x0  }
0x19: {  	s7 =	sld [smem:$0x3F9D]  }
0x1a: {  	s8 =	sadd.s32 $0xFFFFE003, lr  }
0x1b: {  	s9 =	sadd.s32 $0xFFFFFEF7, lr;
	s5 =	simm.s32 $0xFFFFFFFF;
	p2 =	slt.u32 s8, $0xFFFFF086  }
0x1c: {  	p1 =	slt.u32 s9, $0xF7A;
	s5 =	simm.s32 @!p2 $0x0  }
0x1d: {  	s5 =	simm.s32 @p1 $0x1;
	p0 =	seq.s32 s7, s2  }
0x1e: {  	s7 =	smul.u32 @!p0 $0xF7A, s2;
	p2 =	seq.s32 @!p0 s5, $0x0  }
0x1f: {  	s9 =	smul.u32 $0xF7A, s1;
	s8 =	simm.s32 @!p0 $0x1BF5;
	p2 =	por !p2, p0  }
0x20: {  	[sflag:s8] =	ssyncset.s32 @!p0 $0xFFFFF086;
	s6 =	sadd.s32 @!p0 s3, s7;
	s7 =	simm.s32 @!p0 $0x108  }
0x21: {  	s3 =	sadd.s32 s3, s9;
	s6 =	sadd.s32 @!p0 $0x88, s6;
	s7 =	simm.s32 @p2 $0x1082  }
0x22: {  	[simem:s7], [sflag:s8] =	dma.local @!p0 [hbm:s6], $0xF7A  }
0x23: {  	s9 =	sor.u32 $0xD0000000, s2;
	s6 =	simm.s32 $0x108;
	_ =	swait.ge @!p0 [sflag:s8], $0x0  }
0x24: {  	s3 =	sadd.s32 $0x88, s3;
	s6 =	simm.s32 @!p1 $0x1082;
	[sflag:s4] =	ssyncset.s32 $0xFFFFF086  }
0x25: {  	[simem:s6], [sflag:s4] =	dma.local [hbm:s3], $0xF7A  }
0x26: {  	[smem:$0x3F9D] =	sst s1;
	(tag) =	ssettag s2;
	_ =	strace s9  }
0x27: {  	s1 =	sld [smem:$0x3FAD]  }
0x28: {  	s2 =	sld [smem:$0x3FAE]  }
0x29: {  	s4 =	sld [smem:$0x3FB0]  }
0x2a: {  	p0 =	seq.s32 s5, $0x0;
	s5 =	sld [smem:$0x3FB1]  }
0x2b: {  	s6 =	sld [smem:$0x3FB2]  }
0x2c: {  	s7 =	sld [smem:$0x3FB3]  }
0x2d: {  	s3 =	simm.s32 $0x108;
	s8 =	sld [smem:$0x3FB4]  }
0x2e: {  	s3 =	simm.s32 @!p0 $0x1082;
	s9 =	sld [smem:$0x3FB5]  }
0x2f: {  	lr =	sadd.s32 s0, s3;
	s0 =	sld [smem:$0x3FAC]  }
0x30: {  	s3 =	sld [smem:$0x3FAF]  }
0x31: {  	[smem:$0x3FB8] =	sst s10  }
0x32: {  	s10 =	sld [smem:$0x3FB6];
	_ =	sdelay $0x3  }
0x33: {  	p0 =	seq.s32 s10, $0x1;
	s10 =	sld [smem:$0x3FB8];
	_ =	sdelay $0x3  }
0x34: {  	[smem:$0x3FB8] =	sst s10  }
0x35: {  	s10 =	sld [smem:$0x3FB7];
	_ =	sdelay $0x3  }
0x36: {  	p1 =	seq.s32 s10, $0x1;
	s10 =	sld [smem:$0x3FB8];
	_ =	sdelay $0x3  }
0x37: {  	[smem:$0x3FB8] =	sst s10  }
0x38: {  	s10 =	sld [smem:$0x3FB9]  }
0x39: {  	_ = 	snop;
	(pc) =	sbr.ind lr, $3  }
0x3a: {  	_ = 	snop  }
0x3b: {  	_ = 	snop  }
0x3c: {  	p2 =	seq.s32 s10, $0x1;
	s10 =	sld [smem:$0x3FB8]  }
0x3d: {  	_ =	shalt  }
0x3e: {  	_ =	shalt  }
0x3f: {  	_ =	shalt  }
0x40: {  	_ =	shalt  }
0x41: {  	_ =	shalt  }
0x42: {  	_ =	shalt  }
0x43: {  	_ =	shalt  }
0x44: {  	_ =	shalt  }
0x45: {  	_ =	shalt  }
0x46: {  	_ =	shalt  }
0x47: {  	_ =	shalt  }
0x48: {  	_ =	shalt  }
0x49: {  	_ =	shalt  }
0x4a: {  	_ =	shalt  }
0x4b: {  	_ =	shalt  }
0x4c: {  	_ =	shalt  }
0x4d: {  	_ =	shalt  }
0x4e: {  	_ =	shalt  }
0x4f: {  	_ =	shalt  }
0x50: {  	_ =	shalt  }
0x51: {  	_ =	shalt  }
0x52: {  	_ =	shalt  }
0x53: {  	_ =	shalt  }
0x54: {  	_ =	shalt  }
0x55: {  	_ =	shalt  }
0x56: {  	_ =	shalt  }
0x57: {  	_ =	shalt  }
0x58: {  	_ =	shalt  }
0x59: {  	_ =	shalt  }
0x5a: {  	_ =	shalt  }
0x5b: {  	_ =	shalt  }
0x5c: {  	_ =	shalt  }
0x5d: {  	_ =	shalt  }
0x5e: {  	_ =	shalt  }
0x5f: {  	_ =	shalt  }
0x60: {  	_ =	shalt  }
0x61: {  	_ =	shalt  }
0x62: {  	_ =	shalt  }
0x63: {  	_ =	shalt  }
0x64: {  	_ =	shalt  }
0x65: {  	_ =	shalt  }
0x66: {  	_ =	shalt  }
0x67: {  	_ =	shalt  }
0x68: {  	_ =	shalt  }
0x69: {  	_ =	shalt  }
0x6a: {  	_ =	shalt  }
0x6b: {  	_ =	shalt  }
0x6c: {  	_ =	shalt  }
0x6d: {  	_ =	shalt  }
0x6e: {  	_ =	shalt  }
0x6f: {  	_ =	shalt  }
0x70: {  	_ =	shalt  }
0x71: {  	_ =	shalt  }
0x72: {  	_ =	shalt  }
0x73: {  	_ =	shalt  }
0x74: {  	_ =	shalt  }
0x75: {  	_ =	shalt  }
0x76: {  	_ =	shalt  }
0x77: {  	_ =	shalt  }
0x78: {  	_ =	shalt  }
0x79: {  	_ =	shalt  }
0x7a: {  	_ =	shalt  }
0x7b: {  	_ =	shalt  }
0x7c: {  	_ =	shalt  }
0x7d: {  	_ =	shalt  }
0x7e: {  	_ =	shalt  }
0x7f: {  	_ =	shalt  }
0x80: {  	_ =	shalt  }
0x81: {  	_ =	shalt  }
0x82: {  	_ =	shalt  }
0x83: {  	_ =	shalt  }
0x84: {  	_ =	shalt  }
0x85: {  	_ =	shalt  }
0x86: {  	_ =	shalt  }
0x87: {  	_ =	shalt  }
.Lfunc_end0:
.L_simem_size_0:
called_computation.1_lowered:
.L_overlay_start_0:
0x88: {  	s2 =	sld [smem:$0x3FD9]  }
0x89: {  	s3 =	sld [smem:$0x3FFE];
	_ =	sdelay $0x1  }
0x8a: {  	s1 =	srdreg.scid  }
0x8b: {  	s0 =	sand.u32 $0x1, s1  }
0x8c: {  	s17 =	sshll.u32 s0, $0xA;
	s2 =	sadd.s32 s3, s2  }
0x8d: {  	s2 =	sadd.s32 s2, s17  }
0x8e: {  	[smem:$0x3FC4] =	sst s2  }
0x8f: {  	_ = 	snop  }
0x90: {  	s2 =	sld [smem:$0x3FC7];
	(tm) =	ssettm $0x1  }
0x91: {  	s18 =	sld [smem:$0x3FFB];
	_ =	sdelay $0x3  }
0x92: {  	_ =	strace s18  }
0x93: {  	s3 =	sld [smem:$0x3FFC];
	_ =	sdelay $0x3  }
0x94: {  	_ =	strace s3  }
0x95: {  	s3 =	sld [smem:$0x3FFD];
	_ =	sdelay $0x3  }
0x96: {  	_ =	strace s3  }
0x97: {  	_ =	strace $0x8FFFFFFF  }
0x98: {  	s19 =	sld [smem:$0x3FDB];
	_ =	sdelay $0x1  }
0x99: {  	s4 =	simm.s32 $_scs_section_size  }
0x9a: {  	s5 =	simm.s32 $_size__tile_overlayer_lowered;
	s6 =	simm.s32 $_tile_overlayer_lowered  }
0x9b: {  	s22 =	simm.s32 $0x1BFF;
	s21 =	sshll.u32 s6, $0x1;
	s3 =	sadd.s32 s4, s19  }
0x9c: {  	s7 =	simm.s32 $0x0;
	s20 =	sshll.u32 s5, $0x1;
	s5 =	sadd.s32 s21, s3  }
0x9d: {  	[timem:s7], [sflag:s22] =	dma.local [hbm:s5], s20  }
0x9e: {  	_ =	swait.ge [sflag:s22], s20  }
0x9f: {  	s4 =	ssub.s32 $0x0, s20;
	[sflag:s22] =	ssyncset.done $0x0  }
0xa0: {  	[sflag:s22] =	ssyncadd.s32 s4;
	_ =	sdelay $0x1  }
0xa1: {  	s23 =	simm.s32 $0x1B8B  }
0xa2: {  	_ =	swait.ge [sflag:s23], $0x1  }
0xa3: {  	[sflag:s23] =	ssyncset.done $0x0  }
0xa4: {  	s25 =	simm.s32 $0x1B8E;
	s24 =	sld [smem:$0x3FFE];
	[sflag:s23] =	ssyncadd.s32 $0xFFFFFFFF  }
0xa5: {  	s26 =	simm.s32 $execute0_lowered;
	[smem:$0x3FD2] =	sst s25  }
0xa6: {  	s5 =	sshll.u32 s26, $0x1;
	_ =	strace $0x80000046;
	[dreg:$0x1] =	wrdreg $0xFFFFFFFF  }
0xa7: {  	s28 =	simm.s32 $_size_execute0_lowered;
	s3 =	sadd.s32 s3, s5;
	[dreg:$0x0] =	wrdreg $0x0  }
0xa8: {  	s5 =	sshll.u32 s28, $0x1;
	[dreg:$0x2] =	wrdreg s3  }
0xa9: {  	[dreg:$0x3] =	wrdreg s5  }
0xaa: {  	[dreg:$0x4] =	wrdreg $0xC0  }
0xab: {  	_ =	task [dreg:s7], $0x5FFFF  }
0xac: {  	[dreg:$0x1] =	wrdreg $0xFFFFFFFF  }
0xad: {  	[dreg:$0x0] =	wrdreg $0x60  }
0xae: {  	[dreg:$0x2] =	wrdreg s24  }
0xaf: {  	[dreg:$0x3] =	wrdreg s2  }
0xb0: {  	[dreg:$0x4] =	wrdreg $0x9  }
0xb1: {  	_ =	task.clear_ibuf [dreg:s7], $0x5FFFF;
	_ =	strace $0x90000046  }
0xb2: {  	s29 =	simm.s32 $0x9;
	_ =	strace $0x80000048  }
0xb3: {  	_ =	swait.ge [sflag:s29], $0x1  }
0xb4: {  	[sflag:s29] =	ssyncadd.s32 $0xFFFFFFFF  }
0xb5: {  	_ =	strace $0x90000048  }
0xb6: {  	_ =	sfence  }
0xb7: {  	s30 =	sld [smem:$0x0];
	_ =	sdelay $0x2  }
0xb8: {  	s31 =	sshll.u32 s1, $0xD;
	s1 =	sshrl.u32 s1, $0x2  }
0xb9: {  	s3 =	sand.u32 $0x4000, s31;
	s1 =	sadd.s32 s1, s30  }
0xba: {  	s0 =	sor.u32 s3, s0;
	s1 =	sshll.u32 s1, $0x11  }
0xbb: {  	s0 =	sor.u32 s1, s0  }
0xbc: {  	s0 =	sadd.s32 $0x8F2B, s0  }
0xbd: {  	[sflag:s0] =	ssyncadd.remote.s32 $0x1  }
0xbe: {  	_ =	sfence.sel $0xFFFF  }
0xbf: {  	[dreg:$0x0] =	wrdreg $0xFFFFFFFF;
	(pc) =	sbr.abs _section_cstart, $3  }
0xc0: {  	[dreg:$0x1] =	wrdreg $0xFFFFFFFF  }
0xc1: {  	_ =	task.clear_ibuf [dreg:s7], $0x2FFFF;
	_ =	strace $0x9FFFFFFF  }
0xc2: {  	(tm) =	ssettm $0x7FFFFFFF  }
0xc3: {  	_ =	shalt  }
tec
execute0_lowered:
.L_overlay_start_1:
0x0: {  	(tag) =	ssettag $0x1  }
0x1: {  	s4 =	rddreg [dreg:$0x0]  }
0x2: {  	s1 =	rddreg [dreg:$0x1]  }
0x3: {  	s0 =	rddreg [dreg:$0x2]  }
0x4: {  	s3 =	simm.s32 $0x0;
	s5 =	srdreg.scid;
	s2 =	stileid.u32  }
0x5: {  	s18 =	simm.s32 $0x1000;
	s19 =	simm.s32 $0x1080;
	s20 =	simm.s32 $0x1100  }
0x6: {  	s21 =	simm.s32 $0x1180;
	s22 =	simm.s32 $0x1200;
	s23 =	simm.s32 $0x1280  }
0x7: {  	s24 =	simm.s32 $0x1400;
	s25 =	simm.s32 $0x1480;
	s26 =	simm.s32 $0x1500  }
0x8: {  	s28 =	simm.s32 $0x1580;
	s29 =	simm.s32 $0x1600;
	s30 =	simm.s32 $0x1680  }
0x9: {  	[smem:$0x7FF] =	sst s3;
	s5 =	sand.u32 $0x1, s5;
	s7 =	sshll.u32 s2, $0x8  }
0xa: {  	s9 =	sadd.s32 $0x1200, s4;
	s6 =	ssub.s32 $0x2, s5;
	s5 =	sshll.u32 s5, $0x7  }
0xb: {  	s15 =	sadd.s32 $0x3200, s4;
	s8 =	sshrl.u32 s6, $0x1;
	s10 =	sor.u32 s5, s7  }
0xc: {  	_ =	strace $0x80000047;
	s16 =	ssub.s32 s6, s8;
	s11 =	sor.u32 $0x10, s10  }
0xd: {  	s4 =	sadd.s32 s9, s10;
	s12 =	sor.u32 $0x20, s10;
	s13 =	sor.u32 $0x30, s10  }
0xe: {  	s14 =	sor.u32 $0x40, s10;
	s17 =	sor.u32 $0x50, s10;
	s10 =	sadd.s32 s15, s10  }
0xf: {  	s5 =	sadd.s32 s9, s11;
	s6 =	sadd.s32 s9, s12;
	s7 =	sadd.s32 s9, s13  }
0x10: {  	s8 =	sadd.s32 s9, s14;
	s9 =	sadd.s32 s9, s17;
	s11 =	sadd.s32 s15, s11  }
0x11: {  	s12 =	sadd.s32 s15, s12;
	s13 =	sadd.s32 s15, s13;
	s14 =	sadd.s32 s15, s14  }
0x12: {  	s15 =	sadd.s32 s15, s17;
	s16 =	smax.u32 s16, $0x1;
	s17 =	simm.s32 $0x1  }
.LBB2_1:
0x13: {  	[tilespmem:s3], [sflag:$0x1] =	stream.linear.gather [hbm4b:s1+s3], $0x1000, $0x38;
	[tilespmem:$0x1800] =	vst v63  }
0x14: {  	_ =	swait.ge [sflag:s17], $0x1000  }
0x15: {  	[sflag:s17] =	ssyncset.done $0x0  }
0x16: {  	[sflag:s17] =	ssyncadd.s32 $0xFFFFF000  }
0x17: {  	[tilespmem:s18], [sflag:$0x1] =	stream.linear.gather [hbm4b:s4+s3], $0x80, $0x38;
	[tilespmem:$0x1800] =	vst v63  }
0x18: {  	_ =	swait.ge [sflag:s17], $0x80  }
0x19: {  	[sflag:s17] =	ssyncset.done $0x0  }
0x1a: {  	[sflag:s17] =	ssyncadd.s32 $0xFFFFFF80  }
0x1b: {  	[tilespmem:s19], [sflag:$0x1] =	stream.linear.gather [hbm4b:s5+s3], $0x80, $0x38;
	[tilespmem:$0x1800] =	vst v63  }
0x1c: {  	_ =	swait.ge [sflag:s17], $0x80  }
0x1d: {  	[sflag:s17] =	ssyncset.done $0x0  }
0x1e: {  	[sflag:s17] =	ssyncadd.s32 $0xFFFFFF80  }
0x1f: {  	[tilespmem:s20], [sflag:$0x1] =	stream.linear.gather [hbm4b:s6+s3], $0x80, $0x38;
	[tilespmem:$0x1800] =	vst v63  }
0x20: {  	_ =	swait.ge [sflag:s17], $0x80  }
0x21: {  	[sflag:s17] =	ssyncset.done $0x0  }
0x22: {  	[sflag:s17] =	ssyncadd.s32 $0xFFFFFF80  }
0x23: {  	[tilespmem:s21], [sflag:$0x1] =	stream.linear.gather [hbm4b:s7+s3], $0x80, $0x38;
	[tilespmem:$0x1800] =	vst v63  }
0x24: {  	_ =	swait.ge [sflag:s17], $0x80  }
0x25: {  	[sflag:s17] =	ssyncset.done $0x0  }
0x26: {  	[sflag:s17] =	ssyncadd.s32 $0xFFFFFF80  }
0x27: {  	[tilespmem:s22], [sflag:$0x1] =	stream.linear.gather [hbm4b:s8+s3], $0x80, $0x38;
	[tilespmem:$0x1800] =	vst v63  }
0x28: {  	_ =	swait.ge [sflag:s17], $0x80  }
0x29: {  	[sflag:s17] =	ssyncset.done $0x0  }
0x2a: {  	[sflag:s17] =	ssyncadd.s32 $0xFFFFFF80  }
0x2b: {  	[tilespmem:s23], [sflag:$0x1] =	stream.linear.gather [hbm4b:s9+s3], $0x80, $0x38;
	[tilespmem:$0x1800] =	vst v63  }
0x2c: {  	_ =	swait.ge [sflag:s17], $0x80  }
0x2d: {  	[sflag:s17] =	ssyncset.done $0x0  }
0x2e: {  	[sflag:s17] =	ssyncadd.s32 $0xFFFFFF80  }
0x2f: {  	v0 =	vld [tilespmem:$0x1000];
	_ =	sdelay $0x5  }
0x30: {  	v1 =	vld [tilespmem:$0x1010];
	_ =	sdelay $0x1  }
0x31: {  	v0 =	vld.idx.msk [tilespmem:v0+s3+$0x0], $0xffff;
	_ =	sdelay $0x3  }
0x32: {  	v2 =	vld [tilespmem:$0x1020]  }
0x33: {  	[tilespmem:$0x1400] =	vst v0  }
0x34: {  	v0 =	vld.idx.msk [tilespmem:v1+s3+$0x0], $0xffff;
	_ =	sdelay $0x3  }
0x35: {  	v19 =	vld [tilespmem:$0x1030]  }
0x36: {  	[tilespmem:$0x1410] =	vst v0  }
0x37: {  	v0 =	vld.idx.msk [tilespmem:v2+s3+$0x0], $0xffff;
	_ =	sdelay $0x3  }
0x38: {  	v20 =	vld [tilespmem:$0x1040]  }
0x39: {  	[tilespmem:$0x1420] =	vst v0  }
0x3a: {  	v0 =	vld.idx.msk [tilespmem:v19+s3+$0x0], $0xffff;
	_ =	sdelay $0x3  }
0x3b: {  	v21 =	vld [tilespmem:$0x1050]  }
0x3c: {  	[tilespmem:$0x1430] =	vst v0  }
0x3d: {  	v0 =	vld.idx.msk [tilespmem:v20+s3+$0x0], $0xffff;
	_ =	sdelay $0x3  }
0x3e: {  	v22 =	vld [tilespmem:$0x1060]  }
0x3f: {  	[tilespmem:$0x1440] =	vst v0  }
0x40: {  	v0 =	vld.idx.msk [tilespmem:v21+s3+$0x0], $0xffff;
	_ =	sdelay $0x3  }
0x41: {  	v23 =	vld [tilespmem:$0x1070]  }
0x42: {  	[tilespmem:$0x1450] =	vst v0  }
0x43: {  	v0 =	vld.idx.msk [tilespmem:v22+s3+$0x0], $0xffff;
	_ =	sdelay $0x3  }
0x44: {  	v24 =	vld [tilespmem:$0x1080]  }
0x45: {  	[tilespmem:$0x1460] =	vst v0  }
0x46: {  	v0 =	vld.idx.msk [tilespmem:v23+s3+$0x0], $0xffff;
	_ =	sdelay $0x3  }
0x47: {  	v25 =	vld [tilespmem:$0x1090]  }
0x48: {  	[tilespmem:$0x1470] =	vst v0  }
0x49: {  	v0 =	vld.idx.msk [tilespmem:v24+s3+$0x0], $0xffff;
	_ =	sdelay $0x3  }
0x4a: {  	v26 =	vld [tilespmem:$0x10A0]  }
0x4b: {  	[tilespmem:$0x1480] =	vst v0  }
0x4c: {  	v0 =	vld.idx.msk [tilespmem:v25+s3+$0x0], $0xffff;
	_ =	sdelay $0x3  }
0x4d: {  	v27 =	vld [tilespmem:$0x10B0]  }
0x4e: {  	[tilespmem:$0x1490] =	vst v0  }
0x4f: {  	v0 =	vld.idx.msk [tilespmem:v26+s3+$0x0], $0xffff;
	_ =	sdelay $0x3  }
0x50: {  	v28 =	vld [tilespmem:$0x10C0]  }
0x51: {  	[tilespmem:$0x14A0] =	vst v0  }
0x52: {  	v0 =	vld.idx.msk [tilespmem:v27+s3+$0x0], $0xffff;
	_ =	sdelay $0x3  }
0x53: {  	v29 =	vld [tilespmem:$0x10D0]  }
0x54: {  	[tilespmem:$0x14B0] =	vst v0  }
0x55: {  	v0 =	vld.idx.msk [tilespmem:v28+s3+$0x0], $0xffff;
	_ =	sdelay $0x3  }
0x56: {  	v30 =	vld [tilespmem:$0x10E0]  }
0x57: {  	[tilespmem:$0x14C0] =	vst v0  }
0x58: {  	v0 =	vld.idx.msk [tilespmem:v29+s3+$0x0], $0xffff;
	_ =	sdelay $0x3  }
0x59: {  	v31 =	vld [tilespmem:$0x10F0]  }
0x5a: {  	[tilespmem:$0x14D0] =	vst v0  }
0x5b: {  	v0 =	vld.idx.msk [tilespmem:v30+s3+$0x0], $0xffff;
	_ =	sdelay $0x3  }
0x5c: {  	v32 =	vld [tilespmem:$0x1100]  }
0x5d: {  	[tilespmem:$0x14E0] =	vst v0  }
0x5e: {  	v0 =	vld.idx.msk [tilespmem:v31+s3+$0x0], $0xffff;
	_ =	sdelay $0x3  }
0x5f: {  	v33 =	vld [tilespmem:$0x1110]  }
0x60: {  	[tilespmem:$0x14F0] =	vst v0  }
0x61: {  	v0 =	vld.idx.msk [tilespmem:v32+s3+$0x0], $0xffff;
	_ =	sdelay $0x3  }
0x62: {  	v34 =	vld [tilespmem:$0x1120]  }
0x63: {  	[tilespmem:$0x1500] =	vst v0  }
0x64: {  	v0 =	vld.idx.msk [tilespmem:v33+s3+$0x0], $0xffff;
	_ =	sdelay $0x3  }
0x65: {  	v35 =	vld [tilespmem:$0x1130]  }
0x66: {  	[tilespmem:$0x1510] =	vst v0  }
0x67: {  	v0 =	vld.idx.msk [tilespmem:v34+s3+$0x0], $0xffff;
	_ =	sdelay $0x3  }
0x68: {  	v36 =	vld [tilespmem:$0x1140]  }
0x69: {  	[tilespmem:$0x1520] =	vst v0  }
0x6a: {  	v0 =	vld.idx.msk [tilespmem:v35+s3+$0x0], $0xffff;
	_ =	sdelay $0x3  }
0x6b: {  	v37 =	vld [tilespmem:$0x1150]  }
0x6c: {  	[tilespmem:$0x1530] =	vst v0  }
0x6d: {  	v0 =	vld.idx.msk [tilespmem:v36+s3+$0x0], $0xffff;
	_ =	sdelay $0x3  }
0x6e: {  	v38 =	vld [tilespmem:$0x1160]  }
0x6f: {  	[tilespmem:$0x1540] =	vst v0  }
0x70: {  	v0 =	vld.idx.msk [tilespmem:v37+s3+$0x0], $0xffff;
	_ =	sdelay $0x3  }
0x71: {  	v39 =	vld [tilespmem:$0x1170]  }
0x72: {  	[tilespmem:$0x1550] =	vst v0  }
0x73: {  	v0 =	vld.idx.msk [tilespmem:v38+s3+$0x0], $0xffff;
	_ =	sdelay $0x3  }
0x74: {  	v40 =	vld [tilespmem:$0x1180]  }
0x75: {  	[tilespmem:$0x1560] =	vst v0  }
0x76: {  	v0 =	vld.idx.msk [tilespmem:v39+s3+$0x0], $0xffff;
	_ =	sdelay $0x3  }
0x77: {  	v41 =	vld [tilespmem:$0x1190]  }
0x78: {  	[tilespmem:$0x1570] =	vst v0  }
0x79: {  	v0 =	vld.idx.msk [tilespmem:v40+s3+$0x0], $0xffff;
	_ =	sdelay $0x3  }
0x7a: {  	v42 =	vld [tilespmem:$0x11A0]  }
0x7b: {  	[tilespmem:$0x1580] =	vst v0  }
0x7c: {  	v0 =	vld.idx.msk [tilespmem:v41+s3+$0x0], $0xffff;
	_ =	sdelay $0x3  }
0x7d: {  	v43 =	vld [tilespmem:$0x11B0]  }
0x7e: {  	[tilespmem:$0x1590] =	vst v0  }
0x7f: {  	v0 =	vld.idx.msk [tilespmem:v42+s3+$0x0], $0xffff;
	_ =	sdelay $0x3  }
0x80: {  	v44 =	vld [tilespmem:$0x11C0]  }
0x81: {  	[tilespmem:$0x15A0] =	vst v0  }
0x82: {  	v0 =	vld.idx.msk [tilespmem:v43+s3+$0x0], $0xffff;
	_ =	sdelay $0x3  }
0x83: {  	v45 =	vld [tilespmem:$0x11D0]  }
0x84: {  	[tilespmem:$0x15B0] =	vst v0  }
0x85: {  	v0 =	vld.idx.msk [tilespmem:v44+s3+$0x0], $0xffff;
	_ =	sdelay $0x3  }
0x86: {  	v46 =	vld [tilespmem:$0x11E0]  }
0x87: {  	[tilespmem:$0x15C0] =	vst v0  }
0x88: {  	v0 =	vld.idx.msk [tilespmem:v45+s3+$0x0], $0xffff;
	_ =	sdelay $0x3  }
0x89: {  	v47 =	vld [tilespmem:$0x11F0]  }
0x8a: {  	[tilespmem:$0x15D0] =	vst v0  }
0x8b: {  	v0 =	vld.idx.msk [tilespmem:v46+s3+$0x0], $0xffff;
	_ =	sdelay $0x3  }
0x8c: {  	v48 =	vld [tilespmem:$0x1200]  }
0x8d: {  	[tilespmem:$0x15E0] =	vst v0  }
0x8e: {  	v0 =	vld.idx.msk [tilespmem:v47+s3+$0x0], $0xffff;
	_ =	sdelay $0x3  }
0x8f: {  	v49 =	vld [tilespmem:$0x1210]  }
0x90: {  	[tilespmem:$0x15F0] =	vst v0  }
0x91: {  	v0 =	vld.idx.msk [tilespmem:v48+s3+$0x0], $0xffff;
	_ =	sdelay $0x3  }
0x92: {  	v50 =	vld [tilespmem:$0x1220]  }
0x93: {  	[tilespmem:$0x1600] =	vst v0  }
0x94: {  	v0 =	vld.idx.msk [tilespmem:v49+s3+$0x0], $0xffff;
	_ =	sdelay $0x3  }
0x95: {  	v51 =	vld [tilespmem:$0x1230]  }
0x96: {  	[tilespmem:$0x1610] =	vst v0  }
0x97: {  	v0 =	vld.idx.msk [tilespmem:v50+s3+$0x0], $0xffff;
	_ =	sdelay $0x3  }
0x98: {  	v52 =	vld [tilespmem:$0x1240]  }
0x99: {  	[tilespmem:$0x1620] =	vst v0  }
0x9a: {  	v0 =	vld.idx.msk [tilespmem:v51+s3+$0x0], $0xffff;
	_ =	sdelay $0x3  }
0x9b: {  	v53 =	vld [tilespmem:$0x1250]  }
0x9c: {  	[tilespmem:$0x1630] =	vst v0  }
0x9d: {  	v0 =	vld.idx.msk [tilespmem:v52+s3+$0x0], $0xffff;
	_ =	sdelay $0x3  }
0x9e: {  	v54 =	vld [tilespmem:$0x1260]  }
0x9f: {  	[tilespmem:$0x1640] =	vst v0  }
0xa0: {  	v0 =	vld.idx.msk [tilespmem:v53+s3+$0x0], $0xffff;
	_ =	sdelay $0x3  }
0xa1: {  	v55 =	vld [tilespmem:$0x1270]  }
0xa2: {  	[tilespmem:$0x1650] =	vst v0  }
0xa3: {  	v0 =	vld.idx.msk [tilespmem:v54+s3+$0x0], $0xffff;
	_ =	sdelay $0x3  }
0xa4: {  	v56 =	vld [tilespmem:$0x1280]  }
0xa5: {  	[tilespmem:$0x1660] =	vst v0  }
0xa6: {  	v0 =	vld.idx.msk [tilespmem:v55+s3+$0x0], $0xffff;
	_ =	sdelay $0x3  }
0xa7: {  	v57 =	vld [tilespmem:$0x1290]  }
0xa8: {  	[tilespmem:$0x1670] =	vst v0  }
0xa9: {  	v0 =	vld.idx.msk [tilespmem:v56+s3+$0x0], $0xffff;
	_ =	sdelay $0x3  }
0xaa: {  	v58 =	vld [tilespmem:$0x12A0]  }
0xab: {  	[tilespmem:$0x1680] =	vst v0  }
0xac: {  	v0 =	vld.idx.msk [tilespmem:v57+s3+$0x0], $0xffff;
	_ =	sdelay $0x3  }
0xad: {  	v59 =	vld [tilespmem:$0x12B0]  }
0xae: {  	[tilespmem:$0x1690] =	vst v0  }
0xaf: {  	v0 =	vld.idx.msk [tilespmem:v58+s3+$0x0], $0xffff;
	_ =	sdelay $0x3  }
0xb0: {  	v60 =	vld [tilespmem:$0x12C0]  }
0xb1: {  	[tilespmem:$0x16A0] =	vst v0  }
0xb2: {  	v0 =	vld.idx.msk [tilespmem:v59+s3+$0x0], $0xffff;
	_ =	sdelay $0x3  }
0xb3: {  	v61 =	vld [tilespmem:$0x12D0]  }
0xb4: {  	[tilespmem:$0x16B0] =	vst v0  }
0xb5: {  	v0 =	vld.idx.msk [tilespmem:v60+s3+$0x0], $0xffff;
	_ =	sdelay $0x3  }
0xb6: {  	v62 =	vld [tilespmem:$0x12E0]  }
0xb7: {  	[tilespmem:$0x16C0] =	vst v0  }
0xb8: {  	v0 =	vld.idx.msk [tilespmem:v61+s3+$0x0], $0xffff;
	_ =	sdelay $0x3  }
0xb9: {  	v63 =	vld [tilespmem:$0x12F0]  }
0xba: {  	[tilespmem:$0x16D0] =	vst v0  }
0xbb: {  	v0 =	vld.idx.msk [tilespmem:v62+s3+$0x0], $0xffff;
	_ =	sdelay $0x4  }
0xbc: {  	[tilespmem:$0x16E0] =	vst v0  }
0xbd: {  	v0 =	vld.idx.msk [tilespmem:v63+s3+$0x0], $0xffff;
	_ =	sdelay $0x4  }
0xbe: {  	[tilespmem:$0x16F0] =	vst v0  }
0xbf: {  	[hbm4b:s10+s3] =	stream.linear.scatter [tilespmem:s24], [sflag:$0x1], $0x80, $0x38;
	[tilespmem:$0x1800] =	vst v63  }
0xc0: {  	_ =	swait.ge [sflag:s17], $0x80  }
0xc1: {  	[sflag:s17] =	ssyncset.done $0x0  }
0xc2: {  	[sflag:s17] =	ssyncadd.s32 $0xFFFFFF80  }
0xc3: {  	[hbm4b:s11+s3] =	stream.linear.scatter [tilespmem:s25], [sflag:$0x1], $0x80, $0x38;
	[tilespmem:$0x1800] =	vst v63  }
0xc4: {  	_ =	swait.ge [sflag:s17], $0x80  }
0xc5: {  	[sflag:s17] =	ssyncset.done $0x0  }
0xc6: {  	[sflag:s17] =	ssyncadd.s32 $0xFFFFFF80  }
0xc7: {  	[hbm4b:s12+s3] =	stream.linear.scatter [tilespmem:s26], [sflag:$0x1], $0x80, $0x38;
	[tilespmem:$0x1800] =	vst v63  }
0xc8: {  	_ =	swait.ge [sflag:s17], $0x80  }
0xc9: {  	[sflag:s17] =	ssyncset.done $0x0  }
0xca: {  	[sflag:s17] =	ssyncadd.s32 $0xFFFFFF80  }
0xcb: {  	[hbm4b:s13+s3] =	stream.linear.scatter [tilespmem:s28], [sflag:$0x1], $0x80, $0x38;
	[tilespmem:$0x1800] =	vst v63  }
0xcc: {  	_ =	swait.ge [sflag:s17], $0x80  }
0xcd: {  	[sflag:s17] =	ssyncset.done $0x0  }
0xce: {  	[sflag:s17] =	ssyncadd.s32 $0xFFFFFF80  }
0xcf: {  	[hbm4b:s14+s3] =	stream.linear.scatter [tilespmem:s29], [sflag:$0x1], $0x80, $0x38;
	[tilespmem:$0x1800] =	vst v63  }
0xd0: {  	_ =	swait.ge [sflag:s17], $0x80  }
0xd1: {  	p0 =	sne.s32 s16, $0x1;
	[sflag:s17] =	ssyncset.done $0x0  }
.Ltmp0:
0xd2: {  	[sflag:s17] =	ssyncadd.s32 $0xFFFFFF80;
	(pc) =	sbr.rel @p0 .LBB2_1-.Ltmp0, $4  }
0xd3: {  	[hbm4b:s15+s3] =	stream.linear.scatter [tilespmem:s30], [sflag:$0x1], $0x80, $0x38;
	[tilespmem:$0x1800] =	vst v63  }
0xd4: {  	_ =	swait.ge [sflag:s17], $0x80  }
0xd5: {  	[sflag:s17] =	ssyncset.done $0x0  }
0xd6: {  	s16 =	sadd.s32 $0xFFFFFFFF, s16;
	[sflag:s17] =	ssyncadd.s32 $0xFFFFFF80  }
0xd7: {  	_ =	sfence.sel $0x180000  }
0xd8: {  	[bflag:$0x0] =	sbarrier.arrive $0xFFFF  }
0xd9: {  	p0 =	sne.s32 s2, $0x0;
	_ =	strace $0x90000047  }
0xda: {  	s0 =	sadd.s32 @!p0 $0x100000, s0;
	[bflag:$0x2] =	sbarrier.arrive $0xFFFF  }
0xdb: {  	[sflag:s0] =	ssyncadd.tile.s32 @!p0 $0x1;
	_ =	shalt  }
.Lfunc_end2:
_tile_overlayer_lowered:
.L_overlay_start_2:
0xdc: {  	(tag) =	ssettag $0x2  }
0xdd: {  	s0 =	rddreg [dreg:$0x0];
	s2 =	stileid.u32  }
0xde: {  	s1 =	rddreg [dreg:$0x1];
	p0 =	sne.s32 s2, $0x0  }
0xdf: {  	s3 =	rddreg [dreg:$0x2];
	[bflag:$0x3] =	sbarrier.arrive $0xFFFF;
	s2 =	simm.s32 @!p0 $0x1C01  }
0xe0: {  	[timem:s3], [sflag:s2] =	dma.local @!p0 [hbm:s0], s1  }
0xe1: {  	s0 =	simm.s32 @!p0 $0x1  }
0xe2: {  	_ =	swait.ge @!p0 [sflag:s0], s1  }
0xe3: {  	s1 =	ssub.s32 @!p0 $0x0, s1;
	[sflag:s0] =	ssyncset.done @!p0 $0x0  }
0xe4: {  	[sflag:s0] =	ssyncadd.s32 @!p0 s1  }
0xe5: {  	[bflag:$0x3] =	sbarrier.arrive $0xFFFF  }
0xe6: {  	_ =	shalt  }

// kernel: kernel.8.cloned.1.call-start
scs
__scs_entry_jumppad:
0x0: {  	(pc) =	sbr.rel $0x88, $3  }
0x1: {  	(tag) =	ssettag $0x0;
	lr =	simm.s32 $0x1  }
0x2: {  	[smem:$0x3F9D] =	sst lr;
	_ =	strace $0xD0000000  }
0x3: {  	_ = 	snop  }
0x4: {  	_ = 	snop  }
0x5: {  	_ = 	snop  }
0x6: {  	_ = 	snop  }
0x7: {  	_ = 	snop  }
__scs_overlays_trampoline_lowered:
0x8: {  	[smem:$0x3FAC] =	sst s0  }
0x9: {  	[smem:$0x3FAD] =	sst s1  }
0xa: {  	[smem:$0x3FAE] =	sst s2  }
0xb: {  	[smem:$0x3FAF] =	sst s3  }
0xc: {  	[smem:$0x3FB0] =	sst s4  }
0xd: {  	[smem:$0x3FB1] =	sst s5  }
0xe: {  	[smem:$0x3FB2] =	sst s6  }
0xf: {  	[smem:$0x3FB3] =	sst s7  }
0x10: {  	[smem:$0x3FB4] =	sst s8  }
0x11: {  	[smem:$0x3FB5] =	sst s9;
	s0 =	simm.s32 @!p0 $0x0  }
0x12: {  	s1 =	sld [smem:$0x3F9B];
	s0 =	simm.s32 @p0 $0x1  }
0x13: {  	[smem:$0x3FB6] =	sst s0;
	s0 =	simm.s32 @!p1 $0x0  }
0x14: {  	s2 =	sld [smem:$0x3F9A];
	s0 =	simm.s32 @p1 $0x1  }
0x15: {  	[smem:$0x3FB7] =	sst s0;
	s0 =	simm.s32 @!p2 $0x0  }
0x16: {  	s3 =	sld [smem:$0x3FDB];
	s0 =	simm.s32 @p2 $0x1  }
0x17: {  	s4 =	simm.s32 $0x1BF5;
	[smem:$0x3FB9] =	sst s0  }
0x18: {  	s0 =	sld [smem:$0x3F9C];
	_ =	swait.ge [sflag:s4], $0x0  }
0x19: {  	s7 =	sld [smem:$0x3F9D]  }
0x1a: {  	s8 =	sadd.s32 $0xFFFFE003, lr  }
0x1b: {  	s9 =	sadd.s32 $0xFFFFFEF7, lr;
	s5 =	simm.s32 $0xFFFFFFFF;
	p2 =	slt.u32 s8, $0xFFFFF086  }
0x1c: {  	p1 =	slt.u32 s9, $0xF7A;
	s5 =	simm.s32 @!p2 $0x0  }
0x1d: {  	s5 =	simm.s32 @p1 $0x1;
	p0 =	seq.s32 s7, s2  }
0x1e: {  	s7 =	smul.u32 @!p0 $0xF7A, s2;
	p2 =	seq.s32 @!p0 s5, $0x0  }
0x1f: {  	s9 =	smul.u32 $0xF7A, s1;
	s8 =	simm.s32 @!p0 $0x1BF5;
	p2 =	por !p2, p0  }
0x20: {  	[sflag:s8] =	ssyncset.s32 @!p0 $0xFFFFF086;
	s6 =	sadd.s32 @!p0 s3, s7;
	s7 =	simm.s32 @!p0 $0x108  }
0x21: {  	s3 =	sadd.s32 s3, s9;
	s6 =	sadd.s32 @!p0 $0x88, s6;
	s7 =	simm.s32 @p2 $0x1082  }
0x22: {  	[simem:s7], [sflag:s8] =	dma.local @!p0 [hbm:s6], $0xF7A  }
0x23: {  	s9 =	sor.u32 $0xD0000000, s2;
	s6 =	simm.s32 $0x108;
	_ =	swait.ge @!p0 [sflag:s8], $0x0  }
0x24: {  	s3 =	sadd.s32 $0x88, s3;
	s6 =	simm.s32 @!p1 $0x1082;
	[sflag:s4] =	ssyncset.s32 $0xFFFFF086  }
0x25: {  	[simem:s6], [sflag:s4] =	dma.local [hbm:s3], $0xF7A  }
0x26: {  	[smem:$0x3F9D] =	sst s1;
	(tag) =	ssettag s2;
	_ =	strace s9  }
0x27: {  	s1 =	sld [smem:$0x3FAD]  }
0x28: {  	s2 =	sld [smem:$0x3FAE]  }
0x29: {  	s4 =	sld [smem:$0x3FB0]  }
0x2a: {  	p0 =	seq.s32 s5, $0x0;
	s5 =	sld [smem:$0x3FB1]  }
0x2b: {  	s6 =	sld [smem:$0x3FB2]  }
0x2c: {  	s7 =	sld [smem:$0x3FB3]  }
0x2d: {  	s3 =	simm.s32 $0x108;
	s8 =	sld [smem:$0x3FB4]  }
0x2e: {  	s3 =	simm.s32 @!p0 $0x1082;
	s9 =	sld [smem:$0x3FB5]  }
0x2f: {  	lr =	sadd.s32 s0, s3;
	s0 =	sld [smem:$0x3FAC]  }
0x30: {  	s3 =	sld [smem:$0x3FAF]  }
0x31: {  	[smem:$0x3FB8] =	sst s10  }
0x32: {  	s10 =	sld [smem:$0x3FB6];
	_ =	sdelay $0x3  }
0x33: {  	p0 =	seq.s32 s10, $0x1;
	s10 =	sld [smem:$0x3FB8];
	_ =	sdelay $0x3  }
0x34: {  	[smem:$0x3FB8] =	sst s10  }
0x35: {  	s10 =	sld [smem:$0x3FB7];
	_ =	sdelay $0x3  }
0x36: {  	p1 =	seq.s32 s10, $0x1;
	s10 =	sld [smem:$0x3FB8];
	_ =	sdelay $0x3  }
0x37: {  	[smem:$0x3FB8] =	sst s10  }
0x38: {  	s10 =	sld [smem:$0x3FB9]  }
0x39: {  	_ = 	snop;
	(pc) =	sbr.ind lr, $3  }
0x3a: {  	_ = 	snop  }
0x3b: {  	_ = 	snop  }
0x3c: {  	p2 =	seq.s32 s10, $0x1;
	s10 =	sld [smem:$0x3FB8]  }
0x3d: {  	_ =	shalt  }
0x3e: {  	_ =	shalt  }
0x3f: {  	_ =	shalt  }
0x40: {  	_ =	shalt  }
0x41: {  	_ =	shalt  }
0x42: {  	_ =	shalt  }
0x43: {  	_ =	shalt  }
0x44: {  	_ =	shalt  }
0x45: {  	_ =	shalt  }
0x46: {  	_ =	shalt  }
0x47: {  	_ =	shalt  }
0x48: {  	_ =	shalt  }
0x49: {  	_ =	shalt  }
0x4a: {  	_ =	shalt  }
0x4b: {  	_ =	shalt  }
0x4c: {  	_ =	shalt  }
0x4d: {  	_ =	shalt  }
0x4e: {  	_ =	shalt  }
0x4f: {  	_ =	shalt  }
0x50: {  	_ =	shalt  }
0x51: {  	_ =	shalt  }
0x52: {  	_ =	shalt  }
0x53: {  	_ =	shalt  }
0x54: {  	_ =	shalt  }
0x55: {  	_ =	shalt  }
0x56: {  	_ =	shalt  }
0x57: {  	_ =	shalt  }
0x58: {  	_ =	shalt  }
0x59: {  	_ =	shalt  }
0x5a: {  	_ =	shalt  }
0x5b: {  	_ =	shalt  }
0x5c: {  	_ =	shalt  }
0x5d: {  	_ =	shalt  }
0x5e: {  	_ =	shalt  }
0x5f: {  	_ =	shalt  }
0x60: {  	_ =	shalt  }
0x61: {  	_ =	shalt  }
0x62: {  	_ =	shalt  }
0x63: {  	_ =	shalt  }
0x64: {  	_ =	shalt  }
0x65: {  	_ =	shalt  }
0x66: {  	_ =	shalt  }
0x67: {  	_ =	shalt  }
0x68: {  	_ =	shalt  }
0x69: {  	_ =	shalt  }
0x6a: {  	_ =	shalt  }
0x6b: {  	_ =	shalt  }
0x6c: {  	_ =	shalt  }
0x6d: {  	_ =	shalt  }
0x6e: {  	_ =	shalt  }
0x6f: {  	_ =	shalt  }
0x70: {  	_ =	shalt  }
0x71: {  	_ =	shalt  }
0x72: {  	_ =	shalt  }
0x73: {  	_ =	shalt  }
0x74: {  	_ =	shalt  }
0x75: {  	_ =	shalt  }
0x76: {  	_ =	shalt  }
0x77: {  	_ =	shalt  }
0x78: {  	_ =	shalt  }
0x79: {  	_ =	shalt  }
0x7a: {  	_ =	shalt  }
0x7b: {  	_ =	shalt  }
0x7c: {  	_ =	shalt  }
0x7d: {  	_ =	shalt  }
0x7e: {  	_ =	shalt  }
0x7f: {  	_ =	shalt  }
0x80: {  	_ =	shalt  }
0x81: {  	_ =	shalt  }
0x82: {  	_ =	shalt  }
0x83: {  	_ =	shalt  }
0x84: {  	_ =	shalt  }
0x85: {  	_ =	shalt  }
0x86: {  	_ =	shalt  }
0x87: {  	_ =	shalt  }
.Lfunc_end0:
.L_simem_size_0:
called_computation.2_lowered:
.L_overlay_start_0:
0x88: {  	s2 =	sld [smem:$0x3FD9]  }
0x89: {  	s3 =	sld [smem:$0x3FFE];
	_ =	sdelay $0x1  }
0x8a: {  	s1 =	srdreg.scid  }
0x8b: {  	s0 =	sand.u32 $0x1, s1  }
0x8c: {  	s17 =	sshll.u32 s0, $0xA;
	s2 =	sadd.s32 s3, s2  }
0x8d: {  	s2 =	sadd.s32 s2, s17  }
0x8e: {  	[smem:$0x3FC4] =	sst s2  }
0x8f: {  	_ = 	snop  }
0x90: {  	s2 =	sld [smem:$0x3FD0];
	(tm) =	ssettm $0x1  }
0x91: {  	s18 =	sld [smem:$0x3FFB];
	_ =	sdelay $0x3  }
0x92: {  	_ =	strace s18  }
0x93: {  	s3 =	sld [smem:$0x3FFC];
	_ =	sdelay $0x3  }
0x94: {  	_ =	strace s3  }
0x95: {  	s3 =	sld [smem:$0x3FFD];
	_ =	sdelay $0x3  }
0x96: {  	_ =	strace s3  }
0x97: {  	_ =	strace $0x8FFFFFFF  }
0x98: {  	s19 =	sld [smem:$0x3FDB];
	_ =	sdelay $0x1  }
0x99: {  	s4 =	simm.s32 $_scs_section_size  }
0x9a: {  	s5 =	simm.s32 $_size__tile_overlayer_lowered;
	s6 =	simm.s32 $_tile_overlayer_lowered  }
0x9b: {  	s22 =	simm.s32 $0x1BFF;
	s21 =	sshll.u32 s6, $0x1;
	s3 =	sadd.s32 s4, s19  }
0x9c: {  	s7 =	simm.s32 $0x0;
	s20 =	sshll.u32 s5, $0x1;
	s5 =	sadd.s32 s21, s3  }
0x9d: {  	[timem:s7], [sflag:s22] =	dma.local [hbm:s5], s20  }
0x9e: {  	_ =	swait.ge [sflag:s22], s20  }
0x9f: {  	s4 =	ssub.s32 $0x0, s20;
	[sflag:s22] =	ssyncset.done $0x0  }
0xa0: {  	[sflag:s22] =	ssyncadd.s32 s4;
	_ =	sdelay $0x1  }
0xa1: {  	s23 =	simm.s32 $0x1B8B  }
0xa2: {  	_ =	swait.ge [sflag:s23], $0x1  }
0xa3: {  	[sflag:s23] =	ssyncset.done $0x0  }
0xa4: {  	s25 =	simm.s32 $0x1B8E;
	s24 =	sld [smem:$0x3FFE];
	[sflag:s23] =	ssyncadd.s32 $0xFFFFFFFF  }
0xa5: {  	s26 =	simm.s32 $execute0_lowered;
	[smem:$0x3FD2] =	sst s25  }
0xa6: {  	s5 =	sshll.u32 s26, $0x1;
	_ =	strace $0x8000004C;
	[dreg:$0x1] =	wrdreg $0xFFFFFFFF  }
0xa7: {  	s28 =	simm.s32 $_size_execute0_lowered;
	s3 =	sadd.s32 s3, s5;
	[dreg:$0x0] =	wrdreg $0x0  }
0xa8: {  	s5 =	sshll.u32 s28, $0x1;
	[dreg:$0x2] =	wrdreg s3  }
0xa9: {  	[dreg:$0x3] =	wrdreg s5  }
0xaa: {  	[dreg:$0x4] =	wrdreg $0xC0  }
0xab: {  	_ =	task [dreg:s7], $0x5FFFF  }
0xac: {  	[dreg:$0x1] =	wrdreg $0xFFFFFFFF  }
0xad: {  	[dreg:$0x0] =	wrdreg $0x60  }
0xae: {  	[dreg:$0x2] =	wrdreg s24  }
0xaf: {  	[dreg:$0x3] =	wrdreg s2  }
0xb0: {  	[dreg:$0x4] =	wrdreg $0x9  }
0xb1: {  	_ =	task.clear_ibuf [dreg:s7], $0x5FFFF;
	_ =	strace $0x9000004C  }
0xb2: {  	s29 =	simm.s32 $0x9;
	_ =	strace $0x8000004E  }
0xb3: {  	_ =	swait.ge [sflag:s29], $0x1  }
0xb4: {  	[sflag:s29] =	ssyncadd.s32 $0xFFFFFFFF  }
0xb5: {  	_ =	strace $0x9000004E  }
0xb6: {  	_ =	sfence  }
0xb7: {  	s30 =	sld [smem:$0x0];
	_ =	sdelay $0x2  }
0xb8: {  	s31 =	sshll.u32 s1, $0xD;
	s1 =	sshrl.u32 s1, $0x2  }
0xb9: {  	s3 =	sand.u32 $0x4000, s31;
	s1 =	sadd.s32 s1, s30  }
0xba: {  	s0 =	sor.u32 s3, s0;
	s1 =	sshll.u32 s1, $0x11  }
0xbb: {  	s0 =	sor.u32 s1, s0  }
0xbc: {  	s0 =	sadd.s32 $0x8F2B, s0  }
0xbd: {  	[sflag:s0] =	ssyncadd.remote.s32 $0x1  }
0xbe: {  	_ =	sfence.sel $0xFFFF  }
0xbf: {  	[dreg:$0x0] =	wrdreg $0xFFFFFFFF;
	(pc) =	sbr.abs _section_cstart, $3  }
0xc0: {  	[dreg:$0x1] =	wrdreg $0xFFFFFFFF  }
0xc1: {  	_ =	task.clear_ibuf [dreg:s7], $0x2FFFF;
	_ =	strace $0x9FFFFFFF  }
0xc2: {  	(tm) =	ssettm $0x7FFFFFFF  }
0xc3: {  	_ =	shalt  }
tec
execute0_lowered:
.L_overlay_start_1:
0x0: {  	(tag) =	ssettag $0x1  }
0x1: {  	s3 =	rddreg [dreg:$0x0]  }
0x2: {  	s15 =	rddreg [dreg:$0x1]  }
0x3: {  	s0 =	rddreg [dreg:$0x2];
	s2 =	simm.s32 $0x0;
	s4 =	srdreg.scid  }
0x4: {  	s1 =	stileid.u32;
	s19 =	simm.s32 $0x80;
	s20 =	simm.s32 $0x480  }
0x5: {  	s21 =	simm.s32 $0x100;
	s22 =	simm.s32 $0x500;
	s23 =	simm.s32 $0x180  }
0x6: {  	s24 =	simm.s32 $0x580;
	s25 =	simm.s32 $0x200;
	s26 =	simm.s32 $0x600  }
0x7: {  	s28 =	simm.s32 $0x280;
	s29 =	simm.s32 $0x680;
	[smem:$0x7FF] =	sst s2  }
0x8: {  	v0 =	vimm.f32 $6.000000000e+00;
	s30 =	simm.s32 $0x800;
	s4 =	sand.u32 $0x1, s4;
	_ =	strace $0x8000004D  }
0x9: {  	s6 =	sshll.u32 s1, $0x1;
	s13 =	sadd.s32 $0x2200, s3;
	s5 =	ssub.s32 $0x2, s4;
	(erf) = vrcp.f32 v0  }
0xa: {  	s14 =	sadd.s32 $0x1200, s3;
	s16 =	sor.u32 s4, s6;
	s7 =	sshrl.u32 s5, $0x1  }
0xb: {  	s18 =	sshll.u32 s16, $0x7;
	s16 =	sshll.u32 s16, $0x4;
	s17 =	ssub.s32 s5, s7  }
0xc: {  	s3 =	sadd.s32 s13, s18;
	s4 =	sadd.s32 s14, s18;
	s31 =	sor.u32 $0x10, s18  }
0xd: {  	s8 =	sor.u32 $0x20, s18;
	s10 =	sor.u32 $0x30, s18;
	s12 =	sor.u32 $0x40, s18  }
0xe: {  	s18 =	sor.u32 $0x50, s18;
	s15 =	sadd.s32 s15, s16;
	s5 =	sadd.s32 s13, s31  }
0xf: {  	s6 =	sadd.s32 s14, s31;
	s7 =	sadd.s32 s13, s8;
	s8 =	sadd.s32 s14, s8  }
0x10: {  	s9 =	sadd.s32 s13, s10;
	s10 =	sadd.s32 s14, s10;
	s11 =	sadd.s32 s13, s12  }
0x11: {  	s12 =	sadd.s32 s14, s12;
	s13 =	sadd.s32 s13, s18;
	s14 =	sadd.s32 s14, s18  }
0x12: {  	s16 =	smax.u32 s17, $0x1;
	s17 =	simm.s32 $0x1;
	s18 =	simm.s32 $0x400;
	v0 =	vpop (erf)  }
.LBB2_1:
0x13: {  	[tilespmem:s2], [sflag:$0x1] =	stream.linear.gather [hbm4b:s3+s2], $0x80, $0x38;
	[tilespmem:$0x880] =	vst v63  }
0x14: {  	_ =	swait.ge [sflag:s17], $0x80  }
0x15: {  	[sflag:s17] =	ssyncset.done $0x0  }
0x16: {  	[sflag:s17] =	ssyncadd.s32 $0xFFFFFF80  }
0x17: {  	[tilespmem:s18], [sflag:$0x1] =	stream.linear.gather [hbm4b:s4+s2], $0x80, $0x38;
	[tilespmem:$0x880] =	vst v63  }
0x18: {  	_ =	swait.ge [sflag:s17], $0x80  }
0x19: {  	[sflag:s17] =	ssyncset.done $0x0  }
0x1a: {  	[sflag:s17] =	ssyncadd.s32 $0xFFFFFF80  }
0x1b: {  	[tilespmem:s19], [sflag:$0x1] =	stream.linear.gather [hbm4b:s5+s2], $0x80, $0x38;
	[tilespmem:$0x880] =	vst v63  }
0x1c: {  	_ =	swait.ge [sflag:s17], $0x80  }
0x1d: {  	[sflag:s17] =	ssyncset.done $0x0  }
0x1e: {  	[sflag:s17] =	ssyncadd.s32 $0xFFFFFF80  }
0x1f: {  	[tilespmem:s20], [sflag:$0x1] =	stream.linear.gather [hbm4b:s6+s2], $0x80, $0x38;
	[tilespmem:$0x880] =	vst v63  }
0x20: {  	_ =	swait.ge [sflag:s17], $0x80  }
0x21: {  	[sflag:s17] =	ssyncset.done $0x0  }
0x22: {  	[sflag:s17] =	ssyncadd.s32 $0xFFFFFF80  }
0x23: {  	[tilespmem:s21], [sflag:$0x1] =	stream.linear.gather [hbm4b:s7+s2], $0x80, $0x38;
	[tilespmem:$0x880] =	vst v63  }
0x24: {  	_ =	swait.ge [sflag:s17], $0x80  }
0x25: {  	[sflag:s17] =	ssyncset.done $0x0  }
0x26: {  	[sflag:s17] =	ssyncadd.s32 $0xFFFFFF80  }
0x27: {  	[tilespmem:s22], [sflag:$0x1] =	stream.linear.gather [hbm4b:s8+s2], $0x80, $0x38;
	[tilespmem:$0x880] =	vst v63  }
0x28: {  	_ =	swait.ge [sflag:s17], $0x80  }
0x29: {  	[sflag:s17] =	ssyncset.done $0x0  }
0x2a: {  	[sflag:s17] =	ssyncadd.s32 $0xFFFFFF80  }
0x2b: {  	[tilespmem:s23], [sflag:$0x1] =	stream.linear.gather [hbm4b:s9+s2], $0x80, $0x38;
	[tilespmem:$0x880] =	vst v63  }
0x2c: {  	_ =	swait.ge [sflag:s17], $0x80  }
0x2d: {  	[sflag:s17] =	ssyncset.done $0x0  }
0x2e: {  	[sflag:s17] =	ssyncadd.s32 $0xFFFFFF80  }
0x2f: {  	[tilespmem:s24], [sflag:$0x1] =	stream.linear.gather [hbm4b:s10+s2], $0x80, $0x38;
	[tilespmem:$0x880] =	vst v63  }
0x30: {  	_ =	swait.ge [sflag:s17], $0x80  }
0x31: {  	[sflag:s17] =	ssyncset.done $0x0  }
0x32: {  	[sflag:s17] =	ssyncadd.s32 $0xFFFFFF80  }
0x33: {  	[tilespmem:s25], [sflag:$0x1] =	stream.linear.gather [hbm4b:s11+s2], $0x80, $0x38;
	[tilespmem:$0x880] =	vst v63  }
0x34: {  	_ =	swait.ge [sflag:s17], $0x80  }
0x35: {  	[sflag:s17] =	ssyncset.done $0x0  }
0x36: {  	[sflag:s17] =	ssyncadd.s32 $0xFFFFFF80  }
0x37: {  	[tilespmem:s26], [sflag:$0x1] =	stream.linear.gather [hbm4b:s12+s2], $0x80, $0x38;
	[tilespmem:$0x880] =	vst v63  }
0x38: {  	_ =	swait.ge [sflag:s17], $0x80  }
0x39: {  	[sflag:s17] =	ssyncset.done $0x0  }
0x3a: {  	[sflag:s17] =	ssyncadd.s32 $0xFFFFFF80  }
0x3b: {  	[tilespmem:s28], [sflag:$0x1] =	stream.linear.gather [hbm4b:s13+s2], $0x80, $0x38;
	[tilespmem:$0x880] =	vst v63  }
0x3c: {  	_ =	swait.ge [sflag:s17], $0x80  }
0x3d: {  	[sflag:s17] =	ssyncset.done $0x0  }
0x3e: {  	[sflag:s17] =	ssyncadd.s32 $0xFFFFFF80  }
0x3f: {  	[tilespmem:s29], [sflag:$0x1] =	stream.linear.gather [hbm4b:s14+s2], $0x80, $0x38;
	[tilespmem:$0x880] =	vst v63  }
0x40: {  	_ =	swait.ge [sflag:s17], $0x80  }
0x41: {  	[sflag:s17] =	ssyncset.done $0x0  }
0x42: {  	[sflag:s17] =	ssyncadd.s32 $0xFFFFFF80  }
0x43: {  	v5 =	vld [tilespmem:$0x0]  }
0x44: {  	v2 =	vld [tilespmem:$0x400]  }
0x45: {  	v3 =	vld [tilespmem:$0x80]  }
0x46: {  	v4 =	vld [tilespmem:$0x480]  }
0x47: {  	v7 =	vld [tilespmem:$0x100]  }
0x48: {  	v6 =	vld [tilespmem:$0x500]  }
0x49: {  	v11 =	vld [tilespmem:$0x180]  }
0x4a: {  	v8 =	vld [tilespmem:$0x580]  }
0x4b: {  	v23 =	vld [tilespmem:$0x200]  }
0x4c: {  	v12 =	vld [tilespmem:$0x600]  }
0x4d: {  	v1 =	vld [tilespmem:$0x280]  }
0x4e: {  	v13 =	vld [tilespmem:$0x10]  }
0x4f: {  	v14 =	vld [tilespmem:$0x410]  }
0x50: {  	v15 =	vld [tilespmem:$0x90]  }
0x51: {  	v16 =	vld [tilespmem:$0x490]  }
0x52: {  	v17 =	vld [tilespmem:$0x110]  }
0x53: {  	v18 =	vld [tilespmem:$0x510]  }
0x54: {  	v19 =	vld [tilespmem:$0x190]  }
0x55: {  	v20 =	vld [tilespmem:$0x590]  }
0x56: {  	v21 =	vld [tilespmem:$0x210]  }
0x57: {  	v22 =	vld [tilespmem:$0x610]  }
0x58: {  	v55 =	vld [tilespmem:$0x290]  }
0x59: {  	v35 =	vld [tilespmem:$0x690]  }
0x5a: {  	v25 =	vld [tilespmem:$0x20]  }
0x5b: {  	v26 =	vld [tilespmem:$0x420]  }
0x5c: {  	v27 =	vld [tilespmem:$0xA0]  }
0x5d: {  	v28 =	vld [tilespmem:$0x4A0]  }
0x5e: {  	v29 =	vld [tilespmem:$0x120]  }
0x5f: {  	v30 =	vld [tilespmem:$0x520]  }
0x60: {  	v31 =	vld [tilespmem:$0x1A0]  }
0x61: {  	v32 =	vld [tilespmem:$0x5A0]  }
0x62: {  	v56 =	vld [tilespmem:$0x220]  }
0x63: {  	v34 =	vld [tilespmem:$0x620]  }
0x64: {  	v57 =	vld [tilespmem:$0x2A0]  }
0x65: {  	v36 =	vld [tilespmem:$0x6A0]  }
0x66: {  	v37 =	vld [tilespmem:$0x30]  }
0x67: {  	v38 =	vld [tilespmem:$0x430]  }
0x68: {  	v39 =	vld [tilespmem:$0xB0]  }
0x69: {  	v40 =	vld [tilespmem:$0x4B0]  }
0x6a: {  	v41 =	vld [tilespmem:$0x130]  }
0x6b: {  	v42 =	vld [tilespmem:$0x530]  }
0x6c: {  	v43 =	vld [tilespmem:$0x1B0]  }
0x6d: {  	v44 =	vld [tilespmem:$0x5B0]  }
0x6e: {  	v45 =	vld [tilespmem:$0x230]  }
0x6f: {  	v46 =	vld [tilespmem:$0x630]  }
0x70: {  	v47 =	vld [tilespmem:$0x2B0]  }
0x71: {  	v48 =	vld [tilespmem:$0x6B0]  }
0x72: {  	v49 =	vld [tilespmem:$0x40]  }
0x73: {  	v50 =	vld [tilespmem:$0x440]  }
0x74: {  	v51 =	vld [tilespmem:$0xC0]  }
0x75: {  	v52 =	vld [tilespmem:$0x4C0]  }
0x76: {  	v53 =	vld [tilespmem:$0x140]  }
0x77: {  	v54 =	vld [tilespmem:$0x540]  }
0x78: {  	v59 =	vld [tilespmem:$0x5C0]  }
0x79: {  	v60 =	vld [tilespmem:$0x240]  }
0x7a: {  	v58 =	vld [tilespmem:$0x640]  }
0x7b: {  	v61 =	vld [tilespmem:$0x50]  }
0x7c: {  	v62 =	vld [tilespmem:$0x450]  }
0x7d: {  	v63 =	vld [tilespmem:$0xD0]  }
0x7e: {  	v10 =	vld [tilespmem:$0x150]  }
0x7f: {  	v9 =	vld [tilespmem:$0x550]  }
0x80: {  	v33 =	vld [tilespmem:$0x1D0]  }
0x81: {  	v24 =	vld [tilespmem:$0x5D0]  }
0x82: {  	[tilespmem:$0x1FFB0] =	vst v1;
	v1 =	vld [tilespmem:$0x680]  }
0x83: {  	v3 =	vmul.f32 v4, v3;
	v4 =	vld [tilespmem:$0x250]  }
0x84: {  	v2 =	vmul.f32 v2, v5;
	v5 =	vld [tilespmem:$0x650]  }
0x85: {  	v16 =	vmul.f32 v16, v15;
	v15 =	vmul.f32 v22, v21;
	v22 =	vld [tilespmem:$0x1E0]  }
0x86: {  	v50 =	vmul.f32 v50, v49;
	v49 =	vld [tilespmem:$0x270]  }
0x87: {  	v2 =	vadd.f32 v3, v2;
	v3 =	vmul.f32 v6, v7;
	v6 =	vld [tilespmem:$0x2D0]  }
0x88: {  	v7 =	vmul.f32 v14, v13;
	v14 =	vld [tilespmem:$0x6D0]  }
0x89: {  	v13 =	vld [tilespmem:$0x460]  }
0x8a: {  	v2 =	vadd.f32 v3, v2;
	v3 =	vmul.f32 v8, v11;
	v8 =	vld [tilespmem:$0x60]  }
0x8b: {  	[tilespmem:$0x1FFC0] =	vst v1;
	v1 =	vld [tilespmem:$0x1C0]  }
0x8c: {  	v18 =	vmul.f32 v18, v17;
	v7 =	vadd.f32 v16, v7;
	v16 =	vld [tilespmem:$0x4E0]  }
0x8d: {  	v2 =	vadd.f32 v3, v2;
	v3 =	vmul.f32 v12, v23;
	v12 =	vld [tilespmem:$0xE0]  }
0x8e: {  	v7 =	vadd.f32 v18, v7;
	v18 =	vld [tilespmem:$0x160]  }
0x8f: {  	v23 =	vmul.f32 v20, v19;
	v20 =	vld [tilespmem:$0x560]  }
0x90: {  	[tilespmem:$0x1FFD0] =	vst v1;
	v1 =	vld [tilespmem:$0x2C0]  }
0x91: {  	v19 =	vld [tilespmem:$0x5E0]  }
0x92: {  	v2 =	vadd.f32 v3, v2;
	v3 =	vmul.f32 v26, v25;
	v25 =	vmul.f32 v28, v27;
	v28 =	vld [tilespmem:$0x1FFB0]  }
0x93: {  	v26 =	vmul.f32 v38, v37;
	v37 =	vld [tilespmem:$0x1FFC0]  }
0x94: {  	v46 =	vmul.f32 v46, v45;
	v7 =	vadd.f32 v23, v7;
	v23 =	vld [tilespmem:$0x2E0]  }
0x95: {  	v52 =	vmul.f32 v52, v51;
	v27 =	vmul.f32 v40, v39;
	[tilespmem:$0x1FFE0] =	vst v1;
	v1 =	vld [tilespmem:$0x6C0]  }
0x96: {  	v39 =	vmul.f32 v42, v41;
	v40 =	vmul.f32 v35, v55;
	v55 =	vld [tilespmem:$0x70]  }
0x97: {  	v42 =	vmul.f32 v44, v43;
	v44 =	vmul.f32 v36, v57;
	v57 =	vld [tilespmem:$0x470]  }
0x98: {  	v9 =	vmul.f32 v9, v10;
	v4 =	vmul.f32 v5, v4;
	v35 =	vld [tilespmem:$0x4F0]  }
0x99: {  	v6 =	vmul.f32 v14, v6;
	v38 =	vmul.f32 v30, v29;
	v3 =	vadd.f32 v25, v3;
	v25 =	vld [tilespmem:$0x260]  }
0x9a: {  	v17 =	vadd.f32 v52, v50;
	v41 =	vmul.f32 v32, v31;
	v43 =	vmul.f32 v34, v56;
	[tilespmem:$0x1FFF0] =	vst v1;
	v1 =	vld [tilespmem:$0x4D0]  }
0x9b: {  	v56 =	vmul.f32 v62, v61;
	v62 =	vmul.f32 v54, v53;
	v11 =	vadd.f32 v27, v26;
	v27 =	vld [tilespmem:$0x6E0]  }
0x9c: {  	v61 =	vmul.f32 v48, v47;
	v8 =	vmul.f32 v13, v8;
	v3 =	vadd.f32 v38, v3;
	v38 =	vld [tilespmem:$0x170]  }
0x9d: {  	v7 =	vadd.f32 v15, v7;
	v36 =	vadd.f32 v62, v17;
	v21 =	vmul.f32 v37, v28;
	v37 =	vld [tilespmem:$0x1FFD0]  }
0x9e: {  	v45 =	vmul.f32 v16, v12;
	v11 =	vadd.f32 v39, v11;
	v3 =	vadd.f32 v41, v3;
	v41 =	vld [tilespmem:$0x570]  }
0x9f: {  	v51 =	vmul.f32 v20, v18;
	v7 =	vadd.f32 v40, v7;
	v1 =	vmul.f32 v1, v63;
	v63 =	vld [tilespmem:$0xF0]  }
0xa0: {  	v39 =	vmul.f32 v58, v60;
	v11 =	vadd.f32 v42, v11;
	v2 =	vadd.f32 v21, v2;
	v21 =	vld [tilespmem:$0x660]  }
0xa1: {  	v40 =	vmul.f32 v24, v33;
	v3 =	vadd.f32 v43, v3;
	v42 =	vld [tilespmem:$0x1FFE0];
	v1 =	vadd.f32 v1, v56  }
0xa2: {  	v48 =	vmul.f32 v57, v55;
	v55 =	vmul.f32 v19, v22;
	v11 =	vadd.f32 v46, v11;
	v46 =	vld [tilespmem:$0x5F0]  }
0xa3: {  	v7 =	vmul.f32 v7, v0;
	v3 =	vadd.f32 v44, v3;
	v44 =	vld [tilespmem:$0x1F0];
	v1 =	vadd.f32 v9, v1  }
0xa4: {  	v50 =	vadd.f32 v45, v8;
	v17 =	vmul.f32 v59, v37;
	v43 =	vld [tilespmem:$0x1FFF0];
	v10 =	vmul.f32 v35, v63  }
0xa5: {  	v52 =	vld [tilespmem:$0x670];
	v60 =	vmul.f32 v27, v23;
	v11 =	vadd.f32 v61, v11;
	v1 =	vadd.f32 v40, v1  }
0xa6: {  	v54 =	vld [tilespmem:$0x2F0];
	v53 =	vmul.f32 v41, v38;
	v15 =	vadd.f32 v17, v36;
	v10 =	vadd.f32 v10, v48  }
0xa7: {  	v2 =	vmul.f32 v2, v0;
	v56 =	vld [tilespmem:$0x6F0];
	v1 =	vadd.f32 v4, v1;
	v4 =	vadd.f32 v51, v50  }
0xa8: {  	v58 =	vmul.f32 v21, v25;
	v5 =	vmul.f32 v46, v44;
	v57 =	vadd.f32 v53, v10  }
0xa9: {  	v47 =	vadd.f32 v39, v15;
	v17 =	vmul.f32 v43, v42;
	v4 =	vadd.f32 v55, v4  }
0xaa: {  	v59 =	vmul.f32 v52, v49;
	v3 =	vmul.f32 v3, v0;
	v5 =	vadd.f32 v5, v57  }
0xab: {  	[tilespmem:$0x800] =	vst v2;
	v62 =	vmul.f32 v11, v0;
	v13 =	vadd.f32 v17, v47;
	v2 =	vadd.f32 v58, v4  }
0xac: {  	[tilespmem:$0x810] =	vst v7;
	v61 =	vmul.f32 v56, v54;
	v1 =	vadd.f32 v6, v1;
	v5 =	vadd.f32 v59, v5  }
0xad: {  	[tilespmem:$0x820] =	vst v3;
	v3 =	vmul.f32 v13, v0;
	v2 =	vadd.f32 v60, v2  }
0xae: {  	[tilespmem:$0x830] =	vst v62;
	v1 =	vmul.f32 v1, v0;
	v63 =	vadd.f32 v61, v5  }
0xaf: {  	[tilespmem:$0x840] =	vst v3;
	v2 =	vmul.f32 v2, v0  }
0xb0: {  	[tilespmem:$0x850] =	vst v1;
	v1 =	vmul.f32 v63, v0  }
0xb1: {  	p0 =	sne.s32 s16, $0x1;
	[tilespmem:$0x860] =	vst v2  }
.Ltmp0:
0xb2: {  	[tilespmem:$0x870] =	vst v1;
	(pc) =	sbr.rel @p0 .LBB2_1-.Ltmp0, $4  }
0xb3: {  	[hbm4b:s15+s2] =	stream.linear.scatter [tilespmem:s30], [sflag:$0x1], $0x80, $0x38;
	[tilespmem:$0x880] =	vst v63  }
0xb4: {  	_ =	swait.ge [sflag:s17], $0x80  }
0xb5: {  	[sflag:s17] =	ssyncset.done $0x0  }
0xb6: {  	s16 =	sadd.s32 $0xFFFFFFFF, s16;
	[sflag:s17] =	ssyncadd.s32 $0xFFFFFF80  }
0xb7: {  	_ =	sfence.sel $0x180000  }
0xb8: {  	[bflag:$0x0] =	sbarrier.arrive $0xFFFF  }
0xb9: {  	p0 =	sne.s32 s1, $0x0;
	_ =	strace $0x9000004D  }
0xba: {  	s0 =	sadd.s32 @!p0 $0x100000, s0;
	[bflag:$0x2] =	sbarrier.arrive $0xFFFF  }
0xbb: {  	[sflag:s0] =	ssyncadd.tile.s32 @!p0 $0x1;
	_ =	shalt  }
.Lfunc_end2:
_tile_overlayer_lowered:
.L_overlay_start_2:
0xbc: {  	(tag) =	ssettag $0x2  }
0xbd: {  	s0 =	rddreg [dreg:$0x0];
	s2 =	stileid.u32  }
0xbe: {  	s1 =	rddreg [dreg:$0x1];
	p0 =	sne.s32 s2, $0x0  }
0xbf: {  	s3 =	rddreg [dreg:$0x2];
	[bflag:$0x3] =	sbarrier.arrive $0xFFFF;
	s2 =	simm.s32 @!p0 $0x1C01  }
0xc0: {  	[timem:s3], [sflag:s2] =	dma.local @!p0 [hbm:s0], s1  }
0xc1: {  	s0 =	simm.s32 @!p0 $0x1  }
0xc2: {  	_ =	swait.ge @!p0 [sflag:s0], s1  }
0xc3: {  	s1 =	ssub.s32 @!p0 $0x0, s1;
	[sflag:s0] =	ssyncset.done @!p0 $0x0  }
0xc4: {  	[sflag:s0] =	ssyncadd.s32 @!p0 s1  }
0xc5: {  	[bflag:$0x3] =	sbarrier.arrive $0xFFFF  }
0xc6: {  	_ =	shalt  }

</sc_bundles>
